<compile_context>
chip_gen: v7x
topology: tpu7x:2x2x1
jax: 0.10.2.dev20260603
libtpu: 0.0.44.dev20260713+nightly
codegen_flags: <defaults>
</compile_context>

<pallas_src>
import functools

import jax
import jax.numpy as jnp
from jax import lax
from jax.experimental import pallas as pl
from jax.experimental.pallas import tpu as pltpu
from jax.experimental.pallas import tpu_sc as plsc

_GATHER_DNUMS = lax.GatherDimensionNumbers(
    offset_dims=(), collapsed_slice_dims=(0,), start_index_map=(0,))


def _lane_perm(v, p):
    return lax.gather(v, p[:, None], _GATHER_DNUMS, slice_sizes=(1,),
                      mode=lax.GatherScatterMode.PROMISE_IN_BOUNDS)


def _sc_run(B, D, NC, NS, unroll=4):
    NW = NC * NS
    rows_per_w = B // NW
    C = 128
    n_chunks = rows_per_w // C
    n_seg = D // 16
    nbuf = 3

    mesh = plsc.VectorSubcoreMesh(core_axis_name="c", subcore_axis_name="s",
                                  num_cores=NC)

    @functools.partial(
        pl.kernel,
        mesh=mesh,
        out_type=(
            jax.ShapeDtypeStruct((B, D), jnp.float32),
            jax.ShapeDtypeStruct((B, D), jnp.float32),
        ),
        scratch_types=[
            pltpu.VMEM((rows_per_w,), jnp.int32),
            pltpu.VMEM((nbuf, C, D), jnp.float32),
            pltpu.VMEM((nbuf, C, D), jnp.float32),
        ] + [pltpu.SemaphoreType.DMA] * (4 * nbuf),
    )
    def run(x_hbm, rel_hbm, w_tab, out1, out2, idx_all, x_b, w_b, *sems):
        sw, sx = sems[0:nbuf], sems[nbuf:2 * nbuf]
        so1, so2 = sems[2 * nbuf:3 * nbuf], sems[3 * nbuf:4 * nbuf]
        wid = lax.axis_index("s") * NC + lax.axis_index("c")
        base = wid * rows_per_w
        pltpu.sync_copy(rel_hbm.at[pl.ds(base, rows_per_w)], idx_all)
        lanes = lax.iota(jnp.int32, 16)
        perms = [(lanes + sh) & 15 for sh in (8, 4, 2, 1)]

        in_cp = {}
        out_cp = {}

        def issue_in(c):
            b = c % nbuf
            off = base + c * C
            gw = pltpu.async_copy(
                w_tab.at[idx_all.at[pl.ds(c * C, C)]], w_b.at[b], sw[b])
            gx = pltpu.async_copy(x_hbm.at[pl.ds(off, C), :], x_b.at[b], sx[b])
            in_cp[c] = (gw, gx)

        for c in range(n_chunks):
            b = c % nbuf
            if c == 0:
                for k in range(min(nbuf - 1, n_chunks)):
                    issue_in(k)
            p = c + nbuf - 1
            if p < n_chunks:
                if p >= nbuf:
                    for cp in out_cp[p - nbuf]:
                        cp.wait()
                issue_in(p)
            gw, gx = in_cp.pop(c)
            gx.wait()
            gw.wait()
            off = base + c * C
            o2 = pltpu.async_copy(w_b.at[b], out2.at[pl.ds(off, C), :], so2[b])

            @plsc.parallel_loop(0, C, step=1, unroll=unroll)
            def _rows(r):
                xs = [x_b[b, r, pl.ds(16 * s, 16)] for s in range(n_seg)]
                ws = [w_b[b, r, pl.ds(16 * s, 16)] for s in range(n_seg)]
                acc = xs[0] * ws[0]
                for s in range(1, n_seg):
                    acc = acc + xs[s] * ws[s]
                for pm in perms:
                    acc = acc + _lane_perm(acc, pm)
                for s in range(n_seg):
                    x_b[b, r, pl.ds(16 * s, 16)] = xs[s] - acc * ws[s]
            o1 = pltpu.async_copy(x_b.at[b], out1.at[pl.ds(off, C), :], so1[b])
            out_cp[c] = (o1, o2)

        for c in range(max(0, n_chunks - nbuf), n_chunks):
            for cp in out_cp[c]:
                cp.wait()

    return run


def kernel(x, relation, W):
    B, D = x.shape
    info = plsc.get_sparse_core_info()
    run = _sc_run(B, D, info.num_cores, info.num_subcores)
    return run(x, relation.astype(jnp.int32), W)

# --- scband reference (transcript-rebuilt; emitter-appended) ---
"""Pipeline reference for scband-hyperplane-projection-layer-52166672777238 (READ-ONLY COPY).

The authoritative reference and input builder live on the scoring server;
editing this copy changes nothing except your own understanding.
"""

import jax, jax.numpy as jnp
import numpy as np

NUM_RELATION = 1000
OUTPUT_DIM = 128
BATCH = 16384


def setup_inputs(seed: int = 0) -> dict:
    key = jax.random.key(seed)
    k_x, k_rel, k_w = jax.random.split(key, 3)
    x = jax.random.normal(k_x, (BATCH, OUTPUT_DIM), dtype=jnp.float32)
    relation = jax.random.randint(k_rel, (BATCH,), 0, NUM_RELATION, dtype=jnp.int64 if jax.config.jax_enable_x64 else jnp.int32)
    W = jax.random.normal(k_w, (NUM_RELATION, OUTPUT_DIM), dtype=jnp.float32)
    return {"x": x, "relation": relation, "W": W}


def reference(x, relation, W):
    # w_r = self.w(relation)  -- embedding gather
    w_r = jnp.take(W, relation, axis=0)
    # y = sum(w_r * x, dim=-1, keepdim=True) * w_r
    y = jnp.sum(w_r * x, axis=-1, keepdims=True) * w_r
    return (x - y, w_r)

if __name__ == "__main__":
    import jax
    _d = setup_inputs()
    print(jax.jit(kernel)(*tuple(_d.values())))

</pallas_src>

<mosaic_0001>
#map = affine_map<(d0, d1) -> (0, 0)>
#map1 = affine_map<(d0, d1) -> (0)>
module attributes {stable_mosaic.version = 14 : i64} {
  func.func @run(%arg0: i32, %arg1: i32, %arg2: memref<16384x128xf32, #tpu.memory_space<hbm>>, %arg3: memref<16384xi32, #tpu.memory_space<hbm>>, %arg4: memref<1000x128xf32, #tpu.memory_space<hbm>>, %arg5: memref<16384x128xf32, #tpu.memory_space<hbm>>, %arg6: memref<16384x128xf32, #tpu.memory_space<hbm>>, %arg7: memref<512xi32, #tpu.memory_space<vmem>>, %arg8: memref<3x128x128xf32, #tpu.memory_space<vmem>>, %arg9: memref<3x128x128xf32, #tpu.memory_space<vmem>>, %arg10: memref<!tpu.dma_semaphore, #tpu.memory_space<semaphore_mem>>, %arg11: memref<!tpu.dma_semaphore, #tpu.memory_space<semaphore_mem>>, %arg12: memref<!tpu.dma_semaphore, #tpu.memory_space<semaphore_mem>>, %arg13: memref<!tpu.dma_semaphore, #tpu.memory_space<semaphore_mem>>, %arg14: memref<!tpu.dma_semaphore, #tpu.memory_space<semaphore_mem>>, %arg15: memref<!tpu.dma_semaphore, #tpu.memory_space<semaphore_mem>>, %arg16: memref<!tpu.dma_semaphore, #tpu.memory_space<semaphore_mem>>, %arg17: memref<!tpu.dma_semaphore, #tpu.memory_space<semaphore_mem>>, %arg18: memref<!tpu.dma_semaphore, #tpu.memory_space<semaphore_mem>>, %arg19: memref<!tpu.dma_semaphore, #tpu.memory_space<semaphore_mem>>, %arg20: memref<!tpu.dma_semaphore, #tpu.memory_space<semaphore_mem>>, %arg21: memref<!tpu.dma_semaphore, #tpu.memory_space<semaphore_mem>>) attributes {dimension_semantics = [#tpu.dimension_semantics<core_parallel>, #tpu.dimension_semantics<subcore_parallel>], iteration_bounds = array<i64: 2, 16>, scalar_prefetch = 0 : i64, scratch_operands = 15 : i64, tpu.core_type = #tpu.core_type<sc_vector_subcore>, window_params = [{transform_indices = #map}, {transform_indices = #map1}, {transform_indices = #map}, {transform_indices = #map}, {transform_indices = #map}]} {
    %mul3A = arith.constant 2 : i32
    %mul3A_0 = arith.muli %arg1, %mul3A : i32
    %add3A = arith.addi %mul3A_0, %arg0 : i32
    %mul3A_1 = arith.constant 512 : i32
    %mul3A_2 = arith.muli %add3A, %mul3A_1 : i32
    "tpu.region"() ({
      %run_scoped3A = tpu.sem_alloc : memref<!tpu.dma_semaphore, #tpu.memory_space<semaphore_mem>>
      %dma_start3A_443 = tpu.memref_slice %arg3[%mul3A_2] : memref<16384xi32, #tpu.memory_space<hbm>> -> memref<512xi32, #tpu.memory_space<hbm>>
      %dma_start3A_444 = tpu.memref_slice %arg3[%mul3A_2] : memref<16384xi32, #tpu.memory_space<hbm>> -> memref<512xi32, #tpu.memory_space<hbm>>
      tpu.enqueue_dma source(%dma_start3A_444 : memref<512xi32, #tpu.memory_space<hbm>>) target(%arg7 : memref<512xi32, #tpu.memory_space<vmem>>) target_semaphore(%run_scoped3A : memref<!tpu.dma_semaphore, #tpu.memory_space<semaphore_mem>>)
      %dma_wait3A_445 = tpu.memref_slice %arg3[%mul3A_2] : memref<16384xi32, #tpu.memory_space<hbm>> -> memref<512xi32, #tpu.memory_space<hbm>>
      %dma_wait3A_446 = tpu.memref_slice %arg3[%mul3A_2] : memref<16384xi32, #tpu.memory_space<hbm>> -> memref<512xi32, #tpu.memory_space<hbm>>
      tpu.wait_dma2 semaphore(%run_scoped3A : memref<!tpu.dma_semaphore, #tpu.memory_space<semaphore_mem>>) src(%dma_wait3A_446 : memref<512xi32, #tpu.memory_space<hbm>>) dst(%arg7 : memref<512xi32, #tpu.memory_space<vmem>>)
      tpu.yield
    }) : () -> ()
    %iota3A = tpu.iota {dimensions = array<i32: 0>} : vector<16xi32>
    %add3A_3 = arith.constant 8 : i32
    %add3A_4 = vector.broadcast %add3A_3 : i32 to vector<16xi32>
    %add3A_5 = arith.addi %iota3A, %add3A_4 : vector<16xi32>
    %and3A = arith.constant 15 : i32
    %and3A_6 = vector.broadcast %and3A : i32 to vector<16xi32>
    %and3A_7 = arith.andi %add3A_5, %and3A_6 : vector<16xi32>
    %add3A_8 = arith.constant 4 : i32
    %add3A_9 = vector.broadcast %add3A_8 : i32 to vector<16xi32>
    %add3A_10 = arith.addi %iota3A, %add3A_9 : vector<16xi32>
    %and3A_11 = arith.constant 15 : i32
    %and3A_12 = vector.broadcast %and3A_11 : i32 to vector<16xi32>
    %and3A_13 = arith.andi %add3A_10, %and3A_12 : vector<16xi32>
    %add3A_14 = arith.constant 2 : i32
    %add3A_15 = vector.broadcast %add3A_14 : i32 to vector<16xi32>
    %add3A_16 = arith.addi %iota3A, %add3A_15 : vector<16xi32>
    %and3A_17 = arith.constant 15 : i32
    %and3A_18 = vector.broadcast %and3A_17 : i32 to vector<16xi32>
    %and3A_19 = arith.andi %add3A_16, %and3A_18 : vector<16xi32>
    %add3A_20 = arith.constant 1 : i32
    %add3A_21 = vector.broadcast %add3A_20 : i32 to vector<16xi32>
    %add3A_22 = arith.addi %iota3A, %add3A_21 : vector<16xi32>
    %and3A_23 = arith.constant 15 : i32
    %and3A_24 = vector.broadcast %and3A_23 : i32 to vector<16xi32>
    %and3A_25 = arith.andi %add3A_22, %and3A_24 : vector<16xi32>
    %add3A_26 = arith.constant 0 : i32
    %add3A_27 = arith.addi %mul3A_2, %add3A_26 : i32
    %dma_start3A = arith.constant 0 : i32
    %dma_start3A_28 = arith.constant 0 : i32
    %dma_start3A_29 = arith.constant 0 : i32
    %dma_start3A_30 = tpu.memref_slice %arg9[%dma_start3A, %dma_start3A_28, %dma_start3A_29] : memref<3x128x128xf32, #tpu.memory_space<vmem>> -> memref<1x128x128xf32, #tpu.memory_space<vmem>>
    %dma_start3A_31 = tpu.memref_squeeze %dma_start3A_30 : memref<1x128x128xf32, #tpu.memory_space<vmem>> -> memref<128x128xf32, #tpu.memory_space<vmem>>
    %dma_start3A_32 = arith.constant 0 : i32
    %dma_start3A_33 = tpu.memref_slice %arg7[%dma_start3A_32] : memref<512xi32, #tpu.memory_space<vmem>> -> memref<128xi32, #tpu.memory_space<vmem>>
    %dma_start3A_34 = arith.constant 0 : i32
    %dma_start3A_35 = arith.constant 0 : i32
    %dma_start3A_36 = tpu.memref_slice %arg4[%dma_start3A_34, %dma_start3A_35] : memref<1000x128xf32, #tpu.memory_space<hbm>> -> memref<1000x128xf32, #tpu.memory_space<hbm>>
    tpu.enqueue_indirect_dma source(%dma_start3A_36 : memref<1000x128xf32, #tpu.memory_space<hbm>>) target(%dma_start3A_31 : memref<128x128xf32, #tpu.memory_space<vmem>>) offsets(%dma_start3A_33 : memref<128xi32, #tpu.memory_space<vmem>>) semaphore(%arg10 : memref<!tpu.dma_semaphore, #tpu.memory_space<semaphore_mem>>)
    %dma_start3A_37 = arith.constant 0 : i32
    %dma_start3A_38 = arith.constant 0 : i32
    %dma_start3A_39 = arith.constant 0 : i32
    %dma_start3A_40 = tpu.memref_slice %arg8[%dma_start3A_37, %dma_start3A_38, %dma_start3A_39] : memref<3x128x128xf32, #tpu.memory_space<vmem>> -> memref<1x128x128xf32, #tpu.memory_space<vmem>>
    %dma_start3A_41 = tpu.memref_squeeze %dma_start3A_40 : memref<1x128x128xf32, #tpu.memory_space<vmem>> -> memref<128x128xf32, #tpu.memory_space<vmem>>
    %dma_start3A_42 = arith.constant 0 : i32
    %dma_start3A_43 = tpu.memref_slice %arg2[%add3A_27, %dma_start3A_42] : memref<16384x128xf32, #tpu.memory_space<hbm>> -> memref<128x128xf32, #tpu.memory_space<hbm>>
    %dma_start3A_44 = arith.constant 0 : i32
    %dma_start3A_45 = arith.constant 0 : i32
    %dma_start3A_46 = tpu.memref_slice %arg8[%dma_start3A_37, %dma_start3A_44, %dma_start3A_45] : memref<3x128x128xf32, #tpu.memory_space<vmem>> -> memref<1x128x128xf32, #tpu.memory_space<vmem>>
    %dma_start3A_47 = tpu.memref_squeeze %dma_start3A_46 : memref<1x128x128xf32, #tpu.memory_space<vmem>> -> memref<128x128xf32, #tpu.memory_space<vmem>>
    %dma_start3A_48 = arith.constant 0 : i32
    %dma_start3A_49 = tpu.memref_slice %arg2[%add3A_27, %dma_start3A_48] : memref<16384x128xf32, #tpu.memory_space<hbm>> -> memref<128x128xf32, #tpu.memory_space<hbm>>
    tpu.enqueue_dma source(%dma_start3A_49 : memref<128x128xf32, #tpu.memory_space<hbm>>) target(%dma_start3A_47 : memref<128x128xf32, #tpu.memory_space<vmem>>) target_semaphore(%arg13 : memref<!tpu.dma_semaphore, #tpu.memory_space<semaphore_mem>>)
    %add3A_50 = arith.constant 128 : i32
    %add3A_51 = arith.addi %mul3A_2, %add3A_50 : i32
    %dma_start3A_52 = arith.constant 1 : i32
    %dma_start3A_53 = arith.constant 0 : i32
    %dma_start3A_54 = arith.constant 0 : i32
    %dma_start3A_55 = tpu.memref_slice %arg9[%dma_start3A_52, %dma_start3A_53, %dma_start3A_54] : memref<3x128x128xf32, #tpu.memory_space<vmem>> -> memref<1x128x128xf32, #tpu.memory_space<vmem>>
    %dma_start3A_56 = tpu.memref_squeeze %dma_start3A_55 : memref<1x128x128xf32, #tpu.memory_space<vmem>> -> memref<128x128xf32, #tpu.memory_space<vmem>>
    %dma_start3A_57 = arith.constant 128 : i32
    %dma_start3A_58 = tpu.memref_slice %arg7[%dma_start3A_57] : memref<512xi32, #tpu.memory_space<vmem>> -> memref<128xi32, #tpu.memory_space<vmem>>
    %dma_start3A_59 = arith.constant 0 : i32
    %dma_start3A_60 = arith.constant 0 : i32
    %dma_start3A_61 = tpu.memref_slice %arg4[%dma_start3A_59, %dma_start3A_60] : memref<1000x128xf32, #tpu.memory_space<hbm>> -> memref<1000x128xf32, #tpu.memory_space<hbm>>
    tpu.enqueue_indirect_dma source(%dma_start3A_61 : memref<1000x128xf32, #tpu.memory_space<hbm>>) target(%dma_start3A_56 : memref<128x128xf32, #tpu.memory_space<vmem>>) offsets(%dma_start3A_58 : memref<128xi32, #tpu.memory_space<vmem>>) semaphore(%arg11 : memref<!tpu.dma_semaphore, #tpu.memory_space<semaphore_mem>>)
    %dma_start3A_62 = arith.constant 1 : i32
    %dma_start3A_63 = arith.constant 0 : i32
    %dma_start3A_64 = arith.constant 0 : i32
    %dma_start3A_65 = tpu.memref_slice %arg8[%dma_start3A_62, %dma_start3A_63, %dma_start3A_64] : memref<3x128x128xf32, #tpu.memory_space<vmem>> -> memref<1x128x128xf32, #tpu.memory_space<vmem>>
    %dma_start3A_66 = tpu.memref_squeeze %dma_start3A_65 : memref<1x128x128xf32, #tpu.memory_space<vmem>> -> memref<128x128xf32, #tpu.memory_space<vmem>>
    %dma_start3A_67 = arith.constant 0 : i32
    %dma_start3A_68 = tpu.memref_slice %arg2[%add3A_51, %dma_start3A_67] : memref<16384x128xf32, #tpu.memory_space<hbm>> -> memref<128x128xf32, #tpu.memory_space<hbm>>
    %dma_start3A_69 = arith.constant 0 : i32
    %dma_start3A_70 = arith.constant 0 : i32
    %dma_start3A_71 = tpu.memref_slice %arg8[%dma_start3A_62, %dma_start3A_69, %dma_start3A_70] : memref<3x128x128xf32, #tpu.memory_space<vmem>> -> memref<1x128x128xf32, #tpu.memory_space<vmem>>
    %dma_start3A_72 = tpu.memref_squeeze %dma_start3A_71 : memref<1x128x128xf32, #tpu.memory_space<vmem>> -> memref<128x128xf32, #tpu.memory_space<vmem>>
    %dma_start3A_73 = arith.constant 0 : i32
    %dma_start3A_74 = tpu.memref_slice %arg2[%add3A_51, %dma_start3A_73] : memref<16384x128xf32, #tpu.memory_space<hbm>> -> memref<128x128xf32, #tpu.memory_space<hbm>>
    tpu.enqueue_dma source(%dma_start3A_74 : memref<128x128xf32, #tpu.memory_space<hbm>>) target(%dma_start3A_72 : memref<128x128xf32, #tpu.memory_space<vmem>>) target_semaphore(%arg14 : memref<!tpu.dma_semaphore, #tpu.memory_space<semaphore_mem>>)
    %add3A_75 = arith.constant 256 : i32
    %add3A_76 = arith.addi %mul3A_2, %add3A_75 : i32
    %dma_start3A_77 = arith.constant 2 : i32
    %dma_start3A_78 = arith.constant 0 : i32
    %dma_start3A_79 = arith.constant 0 : i32
    %dma_start3A_80 = tpu.memref_slice %arg9[%dma_start3A_77, %dma_start3A_78, %dma_start3A_79] : memref<3x128x128xf32, #tpu.memory_space<vmem>> -> memref<1x128x128xf32, #tpu.memory_space<vmem>>
    %dma_start3A_81 = tpu.memref_squeeze %dma_start3A_80 : memref<1x128x128xf32, #tpu.memory_space<vmem>> -> memref<128x128xf32, #tpu.memory_space<vmem>>
    %dma_start3A_82 = arith.constant 256 : i32
    %dma_start3A_83 = tpu.memref_slice %arg7[%dma_start3A_82] : memref<512xi32, #tpu.memory_space<vmem>> -> memref<128xi32, #tpu.memory_space<vmem>>
    %dma_start3A_84 = arith.constant 0 : i32
    %dma_start3A_85 = arith.constant 0 : i32
    %dma_start3A_86 = tpu.memref_slice %arg4[%dma_start3A_84, %dma_start3A_85] : memref<1000x128xf32, #tpu.memory_space<hbm>> -> memref<1000x128xf32, #tpu.memory_space<hbm>>
    tpu.enqueue_indirect_dma source(%dma_start3A_86 : memref<1000x128xf32, #tpu.memory_space<hbm>>) target(%dma_start3A_81 : memref<128x128xf32, #tpu.memory_space<vmem>>) offsets(%dma_start3A_83 : memref<128xi32, #tpu.memory_space<vmem>>) semaphore(%arg12 : memref<!tpu.dma_semaphore, #tpu.memory_space<semaphore_mem>>)
    %dma_start3A_87 = arith.constant 2 : i32
    %dma_start3A_88 = arith.constant 0 : i32
    %dma_start3A_89 = arith.constant 0 : i32
    %dma_start3A_90 = tpu.memref_slice %arg8[%dma_start3A_87, %dma_start3A_88, %dma_start3A_89] : memref<3x128x128xf32, #tpu.memory_space<vmem>> -> memref<1x128x128xf32, #tpu.memory_space<vmem>>
    %dma_start3A_91 = tpu.memref_squeeze %dma_start3A_90 : memref<1x128x128xf32, #tpu.memory_space<vmem>> -> memref<128x128xf32, #tpu.memory_space<vmem>>
    %dma_start3A_92 = arith.constant 0 : i32
    %dma_start3A_93 = tpu.memref_slice %arg2[%add3A_76, %dma_start3A_92] : memref<16384x128xf32, #tpu.memory_space<hbm>> -> memref<128x128xf32, #tpu.memory_space<hbm>>
    %dma_start3A_94 = arith.constant 0 : i32
    %dma_start3A_95 = arith.constant 0 : i32
    %dma_start3A_96 = tpu.memref_slice %arg8[%dma_start3A_87, %dma_start3A_94, %dma_start3A_95] : memref<3x128x128xf32, #tpu.memory_space<vmem>> -> memref<1x128x128xf32, #tpu.memory_space<vmem>>
    %dma_start3A_97 = tpu.memref_squeeze %dma_start3A_96 : memref<1x128x128xf32, #tpu.memory_space<vmem>> -> memref<128x128xf32, #tpu.memory_space<vmem>>
    %dma_start3A_98 = arith.constant 0 : i32
    %dma_start3A_99 = tpu.memref_slice %arg2[%add3A_76, %dma_start3A_98] : memref<16384x128xf32, #tpu.memory_space<hbm>> -> memref<128x128xf32, #tpu.memory_space<hbm>>
    tpu.enqueue_dma source(%dma_start3A_99 : memref<128x128xf32, #tpu.memory_space<hbm>>) target(%dma_start3A_97 : memref<128x128xf32, #tpu.memory_space<vmem>>) target_semaphore(%arg15 : memref<!tpu.dma_semaphore, #tpu.memory_space<semaphore_mem>>)
    %dma_wait3A = arith.constant 0 : i32
    %dma_wait3A_100 = arith.constant 0 : i32
    %dma_wait3A_101 = arith.constant 0 : i32
    %dma_wait3A_102 = tpu.memref_slice %arg8[%dma_wait3A, %dma_wait3A_100, %dma_wait3A_101] : memref<3x128x128xf32, #tpu.memory_space<vmem>> -> memref<1x128x128xf32, #tpu.memory_space<vmem>>
    %dma_wait3A_103 = tpu.memref_squeeze %dma_wait3A_102 : memref<1x128x128xf32, #tpu.memory_space<vmem>> -> memref<128x128xf32, #tpu.memory_space<vmem>>
    %dma_wait3A_104 = arith.constant 0 : i32
    %dma_wait3A_105 = tpu.memref_slice %arg2[%add3A_27, %dma_wait3A_104] : memref<16384x128xf32, #tpu.memory_space<hbm>> -> memref<128x128xf32, #tpu.memory_space<hbm>>
    %dma_wait3A_106 = arith.constant 0 : i32
    %dma_wait3A_107 = arith.constant 0 : i32
    %dma_wait3A_108 = tpu.memref_slice %arg8[%dma_wait3A, %dma_wait3A_106, %dma_wait3A_107] : memref<3x128x128xf32, #tpu.memory_space<vmem>> -> memref<1x128x128xf32, #tpu.memory_space<vmem>>
    %dma_wait3A_109 = tpu.memref_squeeze %dma_wait3A_108 : memref<1x128x128xf32, #tpu.memory_space<vmem>> -> memref<128x128xf32, #tpu.memory_space<vmem>>
    %dma_wait3A_110 = arith.constant 0 : i32
    %dma_wait3A_111 = tpu.memref_slice %arg2[%add3A_27, %dma_wait3A_110] : memref<16384x128xf32, #tpu.memory_space<hbm>> -> memref<128x128xf32, #tpu.memory_space<hbm>>
    tpu.wait_dma2 semaphore(%arg13 : memref<!tpu.dma_semaphore, #tpu.memory_space<semaphore_mem>>) src(%dma_wait3A_111 : memref<128x128xf32, #tpu.memory_space<hbm>>) dst(%dma_wait3A_109 : memref<128x128xf32, #tpu.memory_space<vmem>>)
    %dma_wait3A_112 = arith.constant 0 : i32
    %dma_wait3A_113 = arith.constant 0 : i32
    %dma_wait3A_114 = arith.constant 0 : i32
    %dma_wait3A_115 = tpu.memref_slice %arg9[%dma_wait3A_112, %dma_wait3A_113, %dma_wait3A_114] : memref<3x128x128xf32, #tpu.memory_space<vmem>> -> memref<1x128x128xf32, #tpu.memory_space<vmem>>
    %dma_wait3A_116 = tpu.memref_squeeze %dma_wait3A_115 : memref<1x128x128xf32, #tpu.memory_space<vmem>> -> memref<128x128xf32, #tpu.memory_space<vmem>>
    %dma_wait3A_117 = arith.constant 0 : i32
    %dma_wait3A_118 = tpu.memref_slice %arg7[%dma_wait3A_117] : memref<512xi32, #tpu.memory_space<vmem>> -> memref<128xi32, #tpu.memory_space<vmem>>
    %dma_wait3A_119 = arith.constant 0 : i32
    %dma_wait3A_120 = arith.constant 0 : i32
    %dma_wait3A_121 = tpu.memref_slice %arg4[%dma_wait3A_119, %dma_wait3A_120] : memref<1000x128xf32, #tpu.memory_space<hbm>> -> memref<1000x128xf32, #tpu.memory_space<hbm>>
    tpu.wait_indirect_dma semaphore(%arg10 : memref<!tpu.dma_semaphore, #tpu.memory_space<semaphore_mem>>) src(%dma_wait3A_121 : memref<1000x128xf32, #tpu.memory_space<hbm>>) dst(%dma_wait3A_116 : memref<128x128xf32, #tpu.memory_space<vmem>>)
    %add3A_122 = arith.constant 0 : i32
    %add3A_123 = arith.addi %mul3A_2, %add3A_122 : i32
    %dma_start3A_124 = arith.constant 0 : i32
    %dma_start3A_125 = arith.constant 0 : i32
    %dma_start3A_126 = arith.constant 0 : i32
    %dma_start3A_127 = tpu.memref_slice %arg9[%dma_start3A_124, %dma_start3A_125, %dma_start3A_126] : memref<3x128x128xf32, #tpu.memory_space<vmem>> -> memref<1x128x128xf32, #tpu.memory_space<vmem>>
    %dma_start3A_128 = tpu.memref_squeeze %dma_start3A_127 : memref<1x128x128xf32, #tpu.memory_space<vmem>> -> memref<128x128xf32, #tpu.memory_space<vmem>>
    %dma_start3A_129 = arith.constant 0 : i32
    %dma_start3A_130 = tpu.memref_slice %arg6[%add3A_123, %dma_start3A_129] : memref<16384x128xf32, #tpu.memory_space<hbm>> -> memref<128x128xf32, #tpu.memory_space<hbm>>
    %dma_start3A_131 = arith.constant 0 : i32
    %dma_start3A_132 = tpu.memref_slice %arg6[%add3A_123, %dma_start3A_131] : memref<16384x128xf32, #tpu.memory_space<hbm>> -> memref<128x128xf32, #tpu.memory_space<hbm>>
    %dma_start3A_133 = arith.constant 0 : i32
    %dma_start3A_134 = arith.constant 0 : i32
    %dma_start3A_135 = tpu.memref_slice %arg9[%dma_start3A_124, %dma_start3A_133, %dma_start3A_134] : memref<3x128x128xf32, #tpu.memory_space<vmem>> -> memref<1x128x128xf32, #tpu.memory_space<vmem>>
    %dma_start3A_136 = tpu.memref_squeeze %dma_start3A_135 : memref<1x128x128xf32, #tpu.memory_space<vmem>> -> memref<128x128xf32, #tpu.memory_space<vmem>>
    tpu.enqueue_dma source(%dma_start3A_136 : memref<128x128xf32, #tpu.memory_space<vmem>>) target(%dma_start3A_132 : memref<128x128xf32, #tpu.memory_space<hbm>>) target_semaphore(%arg19 : memref<!tpu.dma_semaphore, #tpu.memory_space<semaphore_mem>>)
    %parallel_loop3A = arith.constant 0 : i32
    %parallel_loop3A_137 = arith.constant 128 : i32
    %parallel_loop3A_138 = arith.constant 1 : i32
    scf.for %parallel_loop3A_443 = %parallel_loop3A to %parallel_loop3A_137 step %parallel_loop3A_138  : i32 {
      %parallel_loop3A_444 = arith.constant 0 : i32
      %parallel_loop3A_445 = arith.index_cast %parallel_loop3A_444 : i32 to index
      %parallel_loop3A_446 = arith.index_cast %parallel_loop3A_443 : i32 to index
      %parallel_loop3A_447 = arith.constant 0 : index
      %parallel_loop3A_448 = tpu.vector_load %arg8[%parallel_loop3A_445, %parallel_loop3A_446, %parallel_loop3A_447] {strides = array<i32>} : memref<3x128x128xf32, #tpu.memory_space<vmem>>, vector<1x1x16xf32>,
      %parallel_loop3A_449 = vector.shape_cast %parallel_loop3A_448 : vector<1x1x16xf32> to vector<16xf32>
      %parallel_loop3A_450 = arith.constant 0 : i32
      %parallel_loop3A_451 = arith.index_cast %parallel_loop3A_450 : i32 to index
      %parallel_loop3A_452 = arith.index_cast %parallel_loop3A_443 : i32 to index
      %parallel_loop3A_453 = arith.constant 16 : index
      %parallel_loop3A_454 = tpu.vector_load %arg8[%parallel_loop3A_451, %parallel_loop3A_452, %parallel_loop3A_453] {strides = array<i32>} : memref<3x128x128xf32, #tpu.memory_space<vmem>>, vector<1x1x16xf32>,
      %parallel_loop3A_455 = vector.shape_cast %parallel_loop3A_454 : vector<1x1x16xf32> to vector<16xf32>
      %parallel_loop3A_456 = arith.constant 0 : i32
      %parallel_loop3A_457 = arith.index_cast %parallel_loop3A_456 : i32 to index
      %parallel_loop3A_458 = arith.index_cast %parallel_loop3A_443 : i32 to index
      %parallel_loop3A_459 = arith.constant 32 : index
      %parallel_loop3A_460 = tpu.vector_load %arg8[%parallel_loop3A_457, %parallel_loop3A_458, %parallel_loop3A_459] {strides = array<i32>} : memref<3x128x128xf32, #tpu.memory_space<vmem>>, vector<1x1x16xf32>,
      %parallel_loop3A_461 = vector.shape_cast %parallel_loop3A_460 : vector<1x1x16xf32> to vector<16xf32>
      %parallel_loop3A_462 = arith.constant 0 : i32
      %parallel_loop3A_463 = arith.index_cast %parallel_loop3A_462 : i32 to index
      %parallel_loop3A_464 = arith.index_cast %parallel_loop3A_443 : i32 to index
      %parallel_loop3A_465 = arith.constant 48 : index
      %parallel_loop3A_466 = tpu.vector_load %arg8[%parallel_loop3A_463, %parallel_loop3A_464, %parallel_loop3A_465] {strides = array<i32>} : memref<3x128x128xf32, #tpu.memory_space<vmem>>, vector<1x1x16xf32>,
      %parallel_loop3A_467 = vector.shape_cast %parallel_loop3A_466 : vector<1x1x16xf32> to vector<16xf32>
      %parallel_loop3A_468 = arith.constant 0 : i32
      %parallel_loop3A_469 = arith.index_cast %parallel_loop3A_468 : i32 to index
      %parallel_loop3A_470 = arith.index_cast %parallel_loop3A_443 : i32 to index
      %parallel_loop3A_471 = arith.constant 64 : index
      %parallel_loop3A_472 = tpu.vector_load %arg8[%parallel_loop3A_469, %parallel_loop3A_470, %parallel_loop3A_471] {strides = array<i32>} : memref<3x128x128xf32, #tpu.memory_space<vmem>>, vector<1x1x16xf32>,
      %parallel_loop3A_473 = vector.shape_cast %parallel_loop3A_472 : vector<1x1x16xf32> to vector<16xf32>
      %parallel_loop3A_474 = arith.constant 0 : i32
      %parallel_loop3A_475 = arith.index_cast %parallel_loop3A_474 : i32 to index
      %parallel_loop3A_476 = arith.index_cast %parallel_loop3A_443 : i32 to index
      %parallel_loop3A_477 = arith.constant 80 : index
      %parallel_loop3A_478 = tpu.vector_load %arg8[%parallel_loop3A_475, %parallel_loop3A_476, %parallel_loop3A_477] {strides = array<i32>} : memref<3x128x128xf32, #tpu.memory_space<vmem>>, vector<1x1x16xf32>,
      %parallel_loop3A_479 = vector.shape_cast %parallel_loop3A_478 : vector<1x1x16xf32> to vector<16xf32>
      %parallel_loop3A_480 = arith.constant 0 : i32
      %parallel_loop3A_481 = arith.index_cast %parallel_loop3A_480 : i32 to index
      %parallel_loop3A_482 = arith.index_cast %parallel_loop3A_443 : i32 to index
      %parallel_loop3A_483 = arith.constant 96 : index
      %parallel_loop3A_484 = tpu.vector_load %arg8[%parallel_loop3A_481, %parallel_loop3A_482, %parallel_loop3A_483] {strides = array<i32>} : memref<3x128x128xf32, #tpu.memory_space<vmem>>, vector<1x1x16xf32>,
      %parallel_loop3A_485 = vector.shape_cast %parallel_loop3A_484 : vector<1x1x16xf32> to vector<16xf32>
      %parallel_loop3A_486 = arith.constant 0 : i32
      %parallel_loop3A_487 = arith.index_cast %parallel_loop3A_486 : i32 to index
      %parallel_loop3A_488 = arith.index_cast %parallel_loop3A_443 : i32 to index
      %parallel_loop3A_489 = arith.constant 112 : index
      %parallel_loop3A_490 = tpu.vector_load %arg8[%parallel_loop3A_487, %parallel_loop3A_488, %parallel_loop3A_489] {strides = array<i32>} : memref<3x128x128xf32, #tpu.memory_space<vmem>>, vector<1x1x16xf32>,
      %parallel_loop3A_491 = vector.shape_cast %parallel_loop3A_490 : vector<1x1x16xf32> to vector<16xf32>
      %parallel_loop3A_492 = arith.constant 0 : i32
      %parallel_loop3A_493 = arith.index_cast %parallel_loop3A_492 : i32 to index
      %parallel_loop3A_494 = arith.index_cast %parallel_loop3A_443 : i32 to index
      %parallel_loop3A_495 = arith.constant 0 : index
      %parallel_loop3A_496 = tpu.vector_load %arg9[%parallel_loop3A_493, %parallel_loop3A_494, %parallel_loop3A_495] {strides = array<i32>} : memref<3x128x128xf32, #tpu.memory_space<vmem>>, vector<1x1x16xf32>,
      %parallel_loop3A_497 = vector.shape_cast %parallel_loop3A_496 : vector<1x1x16xf32> to vector<16xf32>
      %parallel_loop3A_498 = arith.constant 0 : i32
      %parallel_loop3A_499 = arith.index_cast %parallel_loop3A_498 : i32 to index
      %parallel_loop3A_500 = arith.index_cast %parallel_loop3A_443 : i32 to index
      %parallel_loop3A_501 = arith.constant 16 : index
      %parallel_loop3A_502 = tpu.vector_load %arg9[%parallel_loop3A_499, %parallel_loop3A_500, %parallel_loop3A_501] {strides = array<i32>} : memref<3x128x128xf32, #tpu.memory_space<vmem>>, vector<1x1x16xf32>,
      %parallel_loop3A_503 = vector.shape_cast %parallel_loop3A_502 : vector<1x1x16xf32> to vector<16xf32>
      %parallel_loop3A_504 = arith.constant 0 : i32
      %parallel_loop3A_505 = arith.index_cast %parallel_loop3A_504 : i32 to index
      %parallel_loop3A_506 = arith.index_cast %parallel_loop3A_443 : i32 to index
      %parallel_loop3A_507 = arith.constant 32 : index
      %parallel_loop3A_508 = tpu.vector_load %arg9[%parallel_loop3A_505, %parallel_loop3A_506, %parallel_loop3A_507] {strides = array<i32>} : memref<3x128x128xf32, #tpu.memory_space<vmem>>, vector<1x1x16xf32>,
      %parallel_loop3A_509 = vector.shape_cast %parallel_loop3A_508 : vector<1x1x16xf32> to vector<16xf32>
      %parallel_loop3A_510 = arith.constant 0 : i32
      %parallel_loop3A_511 = arith.index_cast %parallel_loop3A_510 : i32 to index
      %parallel_loop3A_512 = arith.index_cast %parallel_loop3A_443 : i32 to index
      %parallel_loop3A_513 = arith.constant 48 : index
      %parallel_loop3A_514 = tpu.vector_load %arg9[%parallel_loop3A_511, %parallel_loop3A_512, %parallel_loop3A_513] {strides = array<i32>} : memref<3x128x128xf32, #tpu.memory_space<vmem>>, vector<1x1x16xf32>,
      %parallel_loop3A_515 = vector.shape_cast %parallel_loop3A_514 : vector<1x1x16xf32> to vector<16xf32>
      %parallel_loop3A_516 = arith.constant 0 : i32
      %parallel_loop3A_517 = arith.index_cast %parallel_loop3A_516 : i32 to index
      %parallel_loop3A_518 = arith.index_cast %parallel_loop3A_443 : i32 to index
      %parallel_loop3A_519 = arith.constant 64 : index
      %parallel_loop3A_520 = tpu.vector_load %arg9[%parallel_loop3A_517, %parallel_loop3A_518, %parallel_loop3A_519] {strides = array<i32>} : memref<3x128x128xf32, #tpu.memory_space<vmem>>, vector<1x1x16xf32>,
      %parallel_loop3A_521 = vector.shape_cast %parallel_loop3A_520 : vector<1x1x16xf32> to vector<16xf32>
      %parallel_loop3A_522 = arith.constant 0 : i32
      %parallel_loop3A_523 = arith.index_cast %parallel_loop3A_522 : i32 to index
      %parallel_loop3A_524 = arith.index_cast %parallel_loop3A_443 : i32 to index
      %parallel_loop3A_525 = arith.constant 80 : index
      %parallel_loop3A_526 = tpu.vector_load %arg9[%parallel_loop3A_523, %parallel_loop3A_524, %parallel_loop3A_525] {strides = array<i32>} : memref<3x128x128xf32, #tpu.memory_space<vmem>>, vector<1x1x16xf32>,
      %parallel_loop3A_527 = vector.shape_cast %parallel_loop3A_526 : vector<1x1x16xf32> to vector<16xf32>
      %parallel_loop3A_528 = arith.constant 0 : i32
      %parallel_loop3A_529 = arith.index_cast %parallel_loop3A_528 : i32 to index
      %parallel_loop3A_530 = arith.index_cast %parallel_loop3A_443 : i32 to index
      %parallel_loop3A_531 = arith.constant 96 : index
      %parallel_loop3A_532 = tpu.vector_load %arg9[%parallel_loop3A_529, %parallel_loop3A_530, %parallel_loop3A_531] {strides = array<i32>} : memref<3x128x128xf32, #tpu.memory_space<vmem>>, vector<1x1x16xf32>,
      %parallel_loop3A_533 = vector.shape_cast %parallel_loop3A_532 : vector<1x1x16xf32> to vector<16xf32>
      %parallel_loop3A_534 = arith.constant 0 : i32
      %parallel_loop3A_535 = arith.index_cast %parallel_loop3A_534 : i32 to index
      %parallel_loop3A_536 = arith.index_cast %parallel_loop3A_443 : i32 to index
      %parallel_loop3A_537 = arith.constant 112 : index
      %parallel_loop3A_538 = tpu.vector_load %arg9[%parallel_loop3A_535, %parallel_loop3A_536, %parallel_loop3A_537] {strides = array<i32>} : memref<3x128x128xf32, #tpu.memory_space<vmem>>, vector<1x1x16xf32>,
      %parallel_loop3A_539 = vector.shape_cast %parallel_loop3A_538 : vector<1x1x16xf32> to vector<16xf32>
      %parallel_loop3A_540 = arith.mulf %parallel_loop3A_449, %parallel_loop3A_497 : vector<16xf32>
      %parallel_loop3A_541 = arith.mulf %parallel_loop3A_455, %parallel_loop3A_503 : vector<16xf32>
      %parallel_loop3A_542 = arith.addf %parallel_loop3A_540, %parallel_loop3A_541 : vector<16xf32>
      %parallel_loop3A_543 = arith.mulf %parallel_loop3A_461, %parallel_loop3A_509 : vector<16xf32>
      %parallel_loop3A_544 = arith.addf %parallel_loop3A_542, %parallel_loop3A_543 : vector<16xf32>
      %parallel_loop3A_545 = arith.mulf %parallel_loop3A_467, %parallel_loop3A_515 : vector<16xf32>
      %parallel_loop3A_546 = arith.addf %parallel_loop3A_544, %parallel_loop3A_545 : vector<16xf32>
      %parallel_loop3A_547 = arith.mulf %parallel_loop3A_473, %parallel_loop3A_521 : vector<16xf32>
      %parallel_loop3A_548 = arith.addf %parallel_loop3A_546, %parallel_loop3A_547 : vector<16xf32>
      %parallel_loop3A_549 = arith.mulf %parallel_loop3A_479, %parallel_loop3A_527 : vector<16xf32>
      %parallel_loop3A_550 = arith.addf %parallel_loop3A_548, %parallel_loop3A_549 : vector<16xf32>
      %parallel_loop3A_551 = arith.mulf %parallel_loop3A_485, %parallel_loop3A_533 : vector<16xf32>
      %parallel_loop3A_552 = arith.addf %parallel_loop3A_550, %parallel_loop3A_551 : vector<16xf32>
      %parallel_loop3A_553 = arith.mulf %parallel_loop3A_491, %parallel_loop3A_539 : vector<16xf32>
      %parallel_loop3A_554 = arith.addf %parallel_loop3A_552, %parallel_loop3A_553 : vector<16xf32>
      %parallel_loop3A_555 = vector.shape_cast %and3A_7 : vector<16xi32> to vector<16x1xi32>
      %parallel_loop3A_556 = vector.shape_cast %parallel_loop3A_555 : vector<16x1xi32> to vector<16xi32>
      %parallel_loop3A_557 = tpu.dynamic_gather %parallel_loop3A_554[%parallel_loop3A_556] in [0] : vector<16xf32>, vector<16xi32> -> vector<16xf32>
      %parallel_loop3A_558 = arith.addf %parallel_loop3A_554, %parallel_loop3A_557 : vector<16xf32>
      %parallel_loop3A_559 = vector.shape_cast %and3A_13 : vector<16xi32> to vector<16x1xi32>
      %parallel_loop3A_560 = vector.shape_cast %parallel_loop3A_559 : vector<16x1xi32> to vector<16xi32>
      %parallel_loop3A_561 = tpu.dynamic_gather %parallel_loop3A_558[%parallel_loop3A_560] in [0] : vector<16xf32>, vector<16xi32> -> vector<16xf32>
      %parallel_loop3A_562 = arith.addf %parallel_loop3A_558, %parallel_loop3A_561 : vector<16xf32>
      %parallel_loop3A_563 = vector.shape_cast %and3A_19 : vector<16xi32> to vector<16x1xi32>
      %parallel_loop3A_564 = vector.shape_cast %parallel_loop3A_563 : vector<16x1xi32> to vector<16xi32>
      %parallel_loop3A_565 = tpu.dynamic_gather %parallel_loop3A_562[%parallel_loop3A_564] in [0] : vector<16xf32>, vector<16xi32> -> vector<16xf32>
      %parallel_loop3A_566 = arith.addf %parallel_loop3A_562, %parallel_loop3A_565 : vector<16xf32>
      %parallel_loop3A_567 = vector.shape_cast %and3A_25 : vector<16xi32> to vector<16x1xi32>
      %parallel_loop3A_568 = vector.shape_cast %parallel_loop3A_567 : vector<16x1xi32> to vector<16xi32>
      %parallel_loop3A_569 = tpu.dynamic_gather %parallel_loop3A_566[%parallel_loop3A_568] in [0] : vector<16xf32>, vector<16xi32> -> vector<16xf32>
      %parallel_loop3A_570 = arith.addf %parallel_loop3A_566, %parallel_loop3A_569 : vector<16xf32>
      %parallel_loop3A_571 = arith.mulf %parallel_loop3A_570, %parallel_loop3A_497 : vector<16xf32>
      %parallel_loop3A_572 = arith.subf %parallel_loop3A_449, %parallel_loop3A_571 : vector<16xf32>
      %parallel_loop3A_573 = arith.constant 0 : i32
      %parallel_loop3A_574 = arith.index_cast %parallel_loop3A_573 : i32 to index
      %parallel_loop3A_575 = arith.index_cast %parallel_loop3A_443 : i32 to index
      %parallel_loop3A_576 = arith.constant 0 : index
      %parallel_loop3A_577 = tpu.vector_load %arg8[%parallel_loop3A_574, %parallel_loop3A_575, %parallel_loop3A_576] {strides = array<i32>} : memref<3x128x128xf32, #tpu.memory_space<vmem>>, vector<1x1x16xf32>,
      %parallel_loop3A_578 = vector.shape_cast %parallel_loop3A_577 : vector<1x1x16xf32> to vector<16xf32>
      %parallel_loop3A_579 = vector.shape_cast %parallel_loop3A_572 : vector<16xf32> to vector<1x1x16xf32>
      tpu.vector_store %arg8[%parallel_loop3A_574, %parallel_loop3A_575, %parallel_loop3A_576], %parallel_loop3A_579 {strides = array<i32>} : memref<3x128x128xf32, #tpu.memory_space<vmem>>, vector<1x1x16xf32>,
      %parallel_loop3A_580 = arith.mulf %parallel_loop3A_570, %parallel_loop3A_503 : vector<16xf32>
      %parallel_loop3A_581 = arith.subf %parallel_loop3A_455, %parallel_loop3A_580 : vector<16xf32>
      %parallel_loop3A_582 = arith.constant 0 : i32
      %parallel_loop3A_583 = arith.index_cast %parallel_loop3A_582 : i32 to index
      %parallel_loop3A_584 = arith.index_cast %parallel_loop3A_443 : i32 to index
      %parallel_loop3A_585 = arith.constant 16 : index
      %parallel_loop3A_586 = tpu.vector_load %arg8[%parallel_loop3A_583, %parallel_loop3A_584, %parallel_loop3A_585] {strides = array<i32>} : memref<3x128x128xf32, #tpu.memory_space<vmem>>, vector<1x1x16xf32>,
      %parallel_loop3A_587 = vector.shape_cast %parallel_loop3A_586 : vector<1x1x16xf32> to vector<16xf32>
      %parallel_loop3A_588 = vector.shape_cast %parallel_loop3A_581 : vector<16xf32> to vector<1x1x16xf32>
      tpu.vector_store %arg8[%parallel_loop3A_583, %parallel_loop3A_584, %parallel_loop3A_585], %parallel_loop3A_588 {strides = array<i32>} : memref<3x128x128xf32, #tpu.memory_space<vmem>>, vector<1x1x16xf32>,
      %parallel_loop3A_589 = arith.mulf %parallel_loop3A_570, %parallel_loop3A_509 : vector<16xf32>
      %parallel_loop3A_590 = arith.subf %parallel_loop3A_461, %parallel_loop3A_589 : vector<16xf32>
      %parallel_loop3A_591 = arith.constant 0 : i32
      %parallel_loop3A_592 = arith.index_cast %parallel_loop3A_591 : i32 to index
      %parallel_loop3A_593 = arith.index_cast %parallel_loop3A_443 : i32 to index
      %parallel_loop3A_594 = arith.constant 32 : index
      %parallel_loop3A_595 = tpu.vector_load %arg8[%parallel_loop3A_592, %parallel_loop3A_593, %parallel_loop3A_594] {strides = array<i32>} : memref<3x128x128xf32, #tpu.memory_space<vmem>>, vector<1x1x16xf32>,
      %parallel_loop3A_596 = vector.shape_cast %parallel_loop3A_595 : vector<1x1x16xf32> to vector<16xf32>
      %parallel_loop3A_597 = vector.shape_cast %parallel_loop3A_590 : vector<16xf32> to vector<1x1x16xf32>
      tpu.vector_store %arg8[%parallel_loop3A_592, %parallel_loop3A_593, %parallel_loop3A_594], %parallel_loop3A_597 {strides = array<i32>} : memref<3x128x128xf32, #tpu.memory_space<vmem>>, vector<1x1x16xf32>,
      %parallel_loop3A_598 = arith.mulf %parallel_loop3A_570, %parallel_loop3A_515 : vector<16xf32>
      %parallel_loop3A_599 = arith.subf %parallel_loop3A_467, %parallel_loop3A_598 : vector<16xf32>
      %parallel_loop3A_600 = arith.constant 0 : i32
      %parallel_loop3A_601 = arith.index_cast %parallel_loop3A_600 : i32 to index
      %parallel_loop3A_602 = arith.index_cast %parallel_loop3A_443 : i32 to index
      %parallel_loop3A_603 = arith.constant 48 : index
      %parallel_loop3A_604 = tpu.vector_load %arg8[%parallel_loop3A_601, %parallel_loop3A_602, %parallel_loop3A_603] {strides = array<i32>} : memref<3x128x128xf32, #tpu.memory_space<vmem>>, vector<1x1x16xf32>,
      %parallel_loop3A_605 = vector.shape_cast %parallel_loop3A_604 : vector<1x1x16xf32> to vector<16xf32>
      %parallel_loop3A_606 = vector.shape_cast %parallel_loop3A_599 : vector<16xf32> to vector<1x1x16xf32>
      tpu.vector_store %arg8[%parallel_loop3A_601, %parallel_loop3A_602, %parallel_loop3A_603], %parallel_loop3A_606 {strides = array<i32>} : memref<3x128x128xf32, #tpu.memory_space<vmem>>, vector<1x1x16xf32>,
      %parallel_loop3A_607 = arith.mulf %parallel_loop3A_570, %parallel_loop3A_521 : vector<16xf32>
      %parallel_loop3A_608 = arith.subf %parallel_loop3A_473, %parallel_loop3A_607 : vector<16xf32>
      %parallel_loop3A_609 = arith.constant 0 : i32
      %parallel_loop3A_610 = arith.index_cast %parallel_loop3A_609 : i32 to index
      %parallel_loop3A_611 = arith.index_cast %parallel_loop3A_443 : i32 to index
      %parallel_loop3A_612 = arith.constant 64 : index
      %parallel_loop3A_613 = tpu.vector_load %arg8[%parallel_loop3A_610, %parallel_loop3A_611, %parallel_loop3A_612] {strides = array<i32>} : memref<3x128x128xf32, #tpu.memory_space<vmem>>, vector<1x1x16xf32>,
      %parallel_loop3A_614 = vector.shape_cast %parallel_loop3A_613 : vector<1x1x16xf32> to vector<16xf32>
      %parallel_loop3A_615 = vector.shape_cast %parallel_loop3A_608 : vector<16xf32> to vector<1x1x16xf32>
      tpu.vector_store %arg8[%parallel_loop3A_610, %parallel_loop3A_611, %parallel_loop3A_612], %parallel_loop3A_615 {strides = array<i32>} : memref<3x128x128xf32, #tpu.memory_space<vmem>>, vector<1x1x16xf32>,
      %parallel_loop3A_616 = arith.mulf %parallel_loop3A_570, %parallel_loop3A_527 : vector<16xf32>
      %parallel_loop3A_617 = arith.subf %parallel_loop3A_479, %parallel_loop3A_616 : vector<16xf32>
      %parallel_loop3A_618 = arith.constant 0 : i32
      %parallel_loop3A_619 = arith.index_cast %parallel_loop3A_618 : i32 to index
      %parallel_loop3A_620 = arith.index_cast %parallel_loop3A_443 : i32 to index
      %parallel_loop3A_621 = arith.constant 80 : index
      %parallel_loop3A_622 = tpu.vector_load %arg8[%parallel_loop3A_619, %parallel_loop3A_620, %parallel_loop3A_621] {strides = array<i32>} : memref<3x128x128xf32, #tpu.memory_space<vmem>>, vector<1x1x16xf32>,
      %parallel_loop3A_623 = vector.shape_cast %parallel_loop3A_622 : vector<1x1x16xf32> to vector<16xf32>
      %parallel_loop3A_624 = vector.shape_cast %parallel_loop3A_617 : vector<16xf32> to vector<1x1x16xf32>
      tpu.vector_store %arg8[%parallel_loop3A_619, %parallel_loop3A_620, %parallel_loop3A_621], %parallel_loop3A_624 {strides = array<i32>} : memref<3x128x128xf32, #tpu.memory_space<vmem>>, vector<1x1x16xf32>,
      %parallel_loop3A_625 = arith.mulf %parallel_loop3A_570, %parallel_loop3A_533 : vector<16xf32>
      %parallel_loop3A_626 = arith.subf %parallel_loop3A_485, %parallel_loop3A_625 : vector<16xf32>
      %parallel_loop3A_627 = arith.constant 0 : i32
      %parallel_loop3A_628 = arith.index_cast %parallel_loop3A_627 : i32 to index
      %parallel_loop3A_629 = arith.index_cast %parallel_loop3A_443 : i32 to index
      %parallel_loop3A_630 = arith.constant 96 : index
      %parallel_loop3A_631 = tpu.vector_load %arg8[%parallel_loop3A_628, %parallel_loop3A_629, %parallel_loop3A_630] {strides = array<i32>} : memref<3x128x128xf32, #tpu.memory_space<vmem>>, vector<1x1x16xf32>,
      %parallel_loop3A_632 = vector.shape_cast %parallel_loop3A_631 : vector<1x1x16xf32> to vector<16xf32>
      %parallel_loop3A_633 = vector.shape_cast %parallel_loop3A_626 : vector<16xf32> to vector<1x1x16xf32>
      tpu.vector_store %arg8[%parallel_loop3A_628, %parallel_loop3A_629, %parallel_loop3A_630], %parallel_loop3A_633 {strides = array<i32>} : memref<3x128x128xf32, #tpu.memory_space<vmem>>, vector<1x1x16xf32>,
      %parallel_loop3A_634 = arith.mulf %parallel_loop3A_570, %parallel_loop3A_539 : vector<16xf32>
      %parallel_loop3A_635 = arith.subf %parallel_loop3A_491, %parallel_loop3A_634 : vector<16xf32>
      %parallel_loop3A_636 = arith.constant 0 : i32
      %parallel_loop3A_637 = arith.index_cast %parallel_loop3A_636 : i32 to index
      %parallel_loop3A_638 = arith.index_cast %parallel_loop3A_443 : i32 to index
      %parallel_loop3A_639 = arith.constant 112 : index
      %parallel_loop3A_640 = tpu.vector_load %arg8[%parallel_loop3A_637, %parallel_loop3A_638, %parallel_loop3A_639] {strides = array<i32>} : memref<3x128x128xf32, #tpu.memory_space<vmem>>, vector<1x1x16xf32>,
      %parallel_loop3A_641 = vector.shape_cast %parallel_loop3A_640 : vector<1x1x16xf32> to vector<16xf32>
      %parallel_loop3A_642 = vector.shape_cast %parallel_loop3A_635 : vector<16xf32> to vector<1x1x16xf32>
      tpu.vector_store %arg8[%parallel_loop3A_637, %parallel_loop3A_638, %parallel_loop3A_639], %parallel_loop3A_642 {strides = array<i32>} : memref<3x128x128xf32, #tpu.memory_space<vmem>>, vector<1x1x16xf32>,
    } {sc.loop_unroll_factor = 4 : i64, sc.parallel_access}
    %dma_start3A_139 = arith.constant 0 : i32
    %dma_start3A_140 = arith.constant 0 : i32
    %dma_start3A_141 = arith.constant 0 : i32
    %dma_start3A_142 = tpu.memref_slice %arg8[%dma_start3A_139, %dma_start3A_140, %dma_start3A_141] : memref<3x128x128xf32, #tpu.memory_space<vmem>> -> memref<1x128x128xf32, #tpu.memory_space<vmem>>
    %dma_start3A_143 = tpu.memref_squeeze %dma_start3A_142 : memref<1x128x128xf32, #tpu.memory_space<vmem>> -> memref<128x128xf32, #tpu.memory_space<vmem>>
    %dma_start3A_144 = arith.constant 0 : i32
    %dma_start3A_145 = tpu.memref_slice %arg5[%add3A_123, %dma_start3A_144] : memref<16384x128xf32, #tpu.memory_space<hbm>> -> memref<128x128xf32, #tpu.memory_space<hbm>>
    %dma_start3A_146 = arith.constant 0 : i32
    %dma_start3A_147 = tpu.memref_slice %arg5[%add3A_123, %dma_start3A_146] : memref<16384x128xf32, #tpu.memory_space<hbm>> -> memref<128x128xf32, #tpu.memory_space<hbm>>
    %dma_start3A_148 = arith.constant 0 : i32
    %dma_start3A_149 = arith.constant 0 : i32
    %dma_start3A_150 = tpu.memref_slice %arg8[%dma_start3A_139, %dma_start3A_148, %dma_start3A_149] : memref<3x128x128xf32, #tpu.memory_space<vmem>> -> memref<1x128x128xf32, #tpu.memory_space<vmem>>
    %dma_start3A_151 = tpu.memref_squeeze %dma_start3A_150 : memref<1x128x128xf32, #tpu.memory_space<vmem>> -> memref<128x128xf32, #tpu.memory_space<vmem>>
    tpu.enqueue_dma source(%dma_start3A_151 : memref<128x128xf32, #tpu.memory_space<vmem>>) target(%dma_start3A_147 : memref<128x128xf32, #tpu.memory_space<hbm>>) target_semaphore(%arg16 : memref<!tpu.dma_semaphore, #tpu.memory_space<semaphore_mem>>)
    %dma_wait3A_152 = arith.constant 0 : i32
    %dma_wait3A_153 = arith.constant 0 : i32
    %dma_wait3A_154 = arith.constant 0 : i32
    %dma_wait3A_155 = tpu.memref_slice %arg8[%dma_wait3A_152, %dma_wait3A_153, %dma_wait3A_154] : memref<3x128x128xf32, #tpu.memory_space<vmem>> -> memref<1x128x128xf32, #tpu.memory_space<vmem>>
    %dma_wait3A_156 = tpu.memref_squeeze %dma_wait3A_155 : memref<1x128x128xf32, #tpu.memory_space<vmem>> -> memref<128x128xf32, #tpu.memory_space<vmem>>
    %dma_wait3A_157 = arith.constant 0 : i32
    %dma_wait3A_158 = tpu.memref_slice %arg5[%add3A_123, %dma_wait3A_157] : memref<16384x128xf32, #tpu.memory_space<hbm>> -> memref<128x128xf32, #tpu.memory_space<hbm>>
    %dma_wait3A_159 = arith.constant 0 : i32
    %dma_wait3A_160 = tpu.memref_slice %arg5[%add3A_123, %dma_wait3A_159] : memref<16384x128xf32, #tpu.memory_space<hbm>> -> memref<128x128xf32, #tpu.memory_space<hbm>>
    %dma_wait3A_161 = arith.constant 0 : i32
    %dma_wait3A_162 = arith.constant 0 : i32
    %dma_wait3A_163 = tpu.memref_slice %arg8[%dma_wait3A_152, %dma_wait3A_161, %dma_wait3A_162] : memref<3x128x128xf32, #tpu.memory_space<vmem>> -> memref<1x128x128xf32, #tpu.memory_space<vmem>>
    %dma_wait3A_164 = tpu.memref_squeeze %dma_wait3A_163 : memref<1x128x128xf32, #tpu.memory_space<vmem>> -> memref<128x128xf32, #tpu.memory_space<vmem>>
    tpu.wait_dma2 semaphore(%arg16 : memref<!tpu.dma_semaphore, #tpu.memory_space<semaphore_mem>>) src(%dma_wait3A_164 : memref<128x128xf32, #tpu.memory_space<vmem>>) dst(%dma_wait3A_160 : memref<128x128xf32, #tpu.memory_space<hbm>>)
    %dma_wait3A_165 = arith.constant 0 : i32
    %dma_wait3A_166 = arith.constant 0 : i32
    %dma_wait3A_167 = arith.constant 0 : i32
    %dma_wait3A_168 = tpu.memref_slice %arg9[%dma_wait3A_165, %dma_wait3A_166, %dma_wait3A_167] : memref<3x128x128xf32, #tpu.memory_space<vmem>> -> memref<1x128x128xf32, #tpu.memory_space<vmem>>
    %dma_wait3A_169 = tpu.memref_squeeze %dma_wait3A_168 : memref<1x128x128xf32, #tpu.memory_space<vmem>> -> memref<128x128xf32, #tpu.memory_space<vmem>>
    %dma_wait3A_170 = arith.constant 0 : i32
    %dma_wait3A_171 = tpu.memref_slice %arg6[%add3A_123, %dma_wait3A_170] : memref<16384x128xf32, #tpu.memory_space<hbm>> -> memref<128x128xf32, #tpu.memory_space<hbm>>
    %dma_wait3A_172 = arith.constant 0 : i32
    %dma_wait3A_173 = tpu.memref_slice %arg6[%add3A_123, %dma_wait3A_172] : memref<16384x128xf32, #tpu.memory_space<hbm>> -> memref<128x128xf32, #tpu.memory_space<hbm>>
    %dma_wait3A_174 = arith.constant 0 : i32
    %dma_wait3A_175 = arith.constant 0 : i32
    %dma_wait3A_176 = tpu.memref_slice %arg9[%dma_wait3A_165, %dma_wait3A_174, %dma_wait3A_175] : memref<3x128x128xf32, #tpu.memory_space<vmem>> -> memref<1x128x128xf32, #tpu.memory_space<vmem>>
    %dma_wait3A_177 = tpu.memref_squeeze %dma_wait3A_176 : memref<1x128x128xf32, #tpu.memory_space<vmem>> -> memref<128x128xf32, #tpu.memory_space<vmem>>
    tpu.wait_dma2 semaphore(%arg19 : memref<!tpu.dma_semaphore, #tpu.memory_space<semaphore_mem>>) src(%dma_wait3A_177 : memref<128x128xf32, #tpu.memory_space<vmem>>) dst(%dma_wait3A_173 : memref<128x128xf32, #tpu.memory_space<hbm>>)
    %add3A_178 = arith.constant 384 : i32
    %add3A_179 = arith.addi %mul3A_2, %add3A_178 : i32
    %dma_start3A_180 = arith.constant 0 : i32
    %dma_start3A_181 = arith.constant 0 : i32
    %dma_start3A_182 = arith.constant 0 : i32
    %dma_start3A_183 = tpu.memref_slice %arg9[%dma_start3A_180, %dma_start3A_181, %dma_start3A_182] : memref<3x128x128xf32, #tpu.memory_space<vmem>> -> memref<1x128x128xf32, #tpu.memory_space<vmem>>
    %dma_start3A_184 = tpu.memref_squeeze %dma_start3A_183 : memref<1x128x128xf32, #tpu.memory_space<vmem>> -> memref<128x128xf32, #tpu.memory_space<vmem>>
    %dma_start3A_185 = arith.constant 384 : i32
    %dma_start3A_186 = tpu.memref_slice %arg7[%dma_start3A_185] : memref<512xi32, #tpu.memory_space<vmem>> -> memref<128xi32, #tpu.memory_space<vmem>>
    %dma_start3A_187 = arith.constant 0 : i32
    %dma_start3A_188 = arith.constant 0 : i32
    %dma_start3A_189 = tpu.memref_slice %arg4[%dma_start3A_187, %dma_start3A_188] : memref<1000x128xf32, #tpu.memory_space<hbm>> -> memref<1000x128xf32, #tpu.memory_space<hbm>>
    tpu.enqueue_indirect_dma source(%dma_start3A_189 : memref<1000x128xf32, #tpu.memory_space<hbm>>) target(%dma_start3A_184 : memref<128x128xf32, #tpu.memory_space<vmem>>) offsets(%dma_start3A_186 : memref<128xi32, #tpu.memory_space<vmem>>) semaphore(%arg10 : memref<!tpu.dma_semaphore, #tpu.memory_space<semaphore_mem>>)
    %dma_start3A_190 = arith.constant 0 : i32
    %dma_start3A_191 = arith.constant 0 : i32
    %dma_start3A_192 = arith.constant 0 : i32
    %dma_start3A_193 = tpu.memref_slice %arg8[%dma_start3A_190, %dma_start3A_191, %dma_start3A_192] : memref<3x128x128xf32, #tpu.memory_space<vmem>> -> memref<1x128x128xf32, #tpu.memory_space<vmem>>
    %dma_start3A_194 = tpu.memref_squeeze %dma_start3A_193 : memref<1x128x128xf32, #tpu.memory_space<vmem>> -> memref<128x128xf32, #tpu.memory_space<vmem>>
    %dma_start3A_195 = arith.constant 0 : i32
    %dma_start3A_196 = tpu.memref_slice %arg2[%add3A_179, %dma_start3A_195] : memref<16384x128xf32, #tpu.memory_space<hbm>> -> memref<128x128xf32, #tpu.memory_space<hbm>>
    %dma_start3A_197 = arith.constant 0 : i32
    %dma_start3A_198 = arith.constant 0 : i32
    %dma_start3A_199 = tpu.memref_slice %arg8[%dma_start3A_190, %dma_start3A_197, %dma_start3A_198] : memref<3x128x128xf32, #tpu.memory_space<vmem>> -> memref<1x128x128xf32, #tpu.memory_space<vmem>>
    %dma_start3A_200 = tpu.memref_squeeze %dma_start3A_199 : memref<1x128x128xf32, #tpu.memory_space<vmem>> -> memref<128x128xf32, #tpu.memory_space<vmem>>
    %dma_start3A_201 = arith.constant 0 : i32
    %dma_start3A_202 = tpu.memref_slice %arg2[%add3A_179, %dma_start3A_201] : memref<16384x128xf32, #tpu.memory_space<hbm>> -> memref<128x128xf32, #tpu.memory_space<hbm>>
    tpu.enqueue_dma source(%dma_start3A_202 : memref<128x128xf32, #tpu.memory_space<hbm>>) target(%dma_start3A_200 : memref<128x128xf32, #tpu.memory_space<vmem>>) target_semaphore(%arg13 : memref<!tpu.dma_semaphore, #tpu.memory_space<semaphore_mem>>)
    %dma_wait3A_203 = arith.constant 1 : i32
    %dma_wait3A_204 = arith.constant 0 : i32
    %dma_wait3A_205 = arith.constant 0 : i32
    %dma_wait3A_206 = tpu.memref_slice %arg8[%dma_wait3A_203, %dma_wait3A_204, %dma_wait3A_205] : memref<3x128x128xf32, #tpu.memory_space<vmem>> -> memref<1x128x128xf32, #tpu.memory_space<vmem>>
    %dma_wait3A_207 = tpu.memref_squeeze %dma_wait3A_206 : memref<1x128x128xf32, #tpu.memory_space<vmem>> -> memref<128x128xf32, #tpu.memory_space<vmem>>
    %dma_wait3A_208 = arith.constant 0 : i32
    %dma_wait3A_209 = tpu.memref_slice %arg2[%add3A_51, %dma_wait3A_208] : memref<16384x128xf32, #tpu.memory_space<hbm>> -> memref<128x128xf32, #tpu.memory_space<hbm>>
    %dma_wait3A_210 = arith.constant 0 : i32
    %dma_wait3A_211 = arith.constant 0 : i32
    %dma_wait3A_212 = tpu.memref_slice %arg8[%dma_wait3A_203, %dma_wait3A_210, %dma_wait3A_211] : memref<3x128x128xf32, #tpu.memory_space<vmem>> -> memref<1x128x128xf32, #tpu.memory_space<vmem>>
    %dma_wait3A_213 = tpu.memref_squeeze %dma_wait3A_212 : memref<1x128x128xf32, #tpu.memory_space<vmem>> -> memref<128x128xf32, #tpu.memory_space<vmem>>
    %dma_wait3A_214 = arith.constant 0 : i32
    %dma_wait3A_215 = tpu.memref_slice %arg2[%add3A_51, %dma_wait3A_214] : memref<16384x128xf32, #tpu.memory_space<hbm>> -> memref<128x128xf32, #tpu.memory_space<hbm>>
    tpu.wait_dma2 semaphore(%arg14 : memref<!tpu.dma_semaphore, #tpu.memory_space<semaphore_mem>>) src(%dma_wait3A_215 : memref<128x128xf32, #tpu.memory_space<hbm>>) dst(%dma_wait3A_213 : memref<128x128xf32, #tpu.memory_space<vmem>>)
    %dma_wait3A_216 = arith.constant 1 : i32
    %dma_wait3A_217 = arith.constant 0 : i32
    %dma_wait3A_218 = arith.constant 0 : i32
    %dma_wait3A_219 = tpu.memref_slice %arg9[%dma_wait3A_216, %dma_wait3A_217, %dma_wait3A_218] : memref<3x128x128xf32, #tpu.memory_space<vmem>> -> memref<1x128x128xf32, #tpu.memory_space<vmem>>
    %dma_wait3A_220 = tpu.memref_squeeze %dma_wait3A_219 : memref<1x128x128xf32, #tpu.memory_space<vmem>> -> memref<128x128xf32, #tpu.memory_space<vmem>>
    %dma_wait3A_221 = arith.constant 128 : i32
    %dma_wait3A_222 = tpu.memref_slice %arg7[%dma_wait3A_221] : memref<512xi32, #tpu.memory_space<vmem>> -> memref<128xi32, #tpu.memory_space<vmem>>
    %dma_wait3A_223 = arith.constant 0 : i32
    %dma_wait3A_224 = arith.constant 0 : i32
    %dma_wait3A_225 = tpu.memref_slice %arg4[%dma_wait3A_223, %dma_wait3A_224] : memref<1000x128xf32, #tpu.memory_space<hbm>> -> memref<1000x128xf32, #tpu.memory_space<hbm>>
    tpu.wait_indirect_dma semaphore(%arg11 : memref<!tpu.dma_semaphore, #tpu.memory_space<semaphore_mem>>) src(%dma_wait3A_225 : memref<1000x128xf32, #tpu.memory_space<hbm>>) dst(%dma_wait3A_220 : memref<128x128xf32, #tpu.memory_space<vmem>>)
    %add3A_226 = arith.constant 128 : i32
    %add3A_227 = arith.addi %mul3A_2, %add3A_226 : i32
    %dma_start3A_228 = arith.constant 1 : i32
    %dma_start3A_229 = arith.constant 0 : i32
    %dma_start3A_230 = arith.constant 0 : i32
    %dma_start3A_231 = tpu.memref_slice %arg9[%dma_start3A_228, %dma_start3A_229, %dma_start3A_230] : memref<3x128x128xf32, #tpu.memory_space<vmem>> -> memref<1x128x128xf32, #tpu.memory_space<vmem>>
    %dma_start3A_232 = tpu.memref_squeeze %dma_start3A_231 : memref<1x128x128xf32, #tpu.memory_space<vmem>> -> memref<128x128xf32, #tpu.memory_space<vmem>>
    %dma_start3A_233 = arith.constant 0 : i32
    %dma_start3A_234 = tpu.memref_slice %arg6[%add3A_227, %dma_start3A_233] : memref<16384x128xf32, #tpu.memory_space<hbm>> -> memref<128x128xf32, #tpu.memory_space<hbm>>
    %dma_start3A_235 = arith.constant 0 : i32
    %dma_start3A_236 = tpu.memref_slice %arg6[%add3A_227, %dma_start3A_235] : memref<16384x128xf32, #tpu.memory_space<hbm>> -> memref<128x128xf32, #tpu.memory_space<hbm>>
    %dma_start3A_237 = arith.constant 0 : i32
    %dma_start3A_238 = arith.constant 0 : i32
    %dma_start3A_239 = tpu.memref_slice %arg9[%dma_start3A_228, %dma_start3A_237, %dma_start3A_238] : memref<3x128x128xf32, #tpu.memory_space<vmem>> -> memref<1x128x128xf32, #tpu.memory_space<vmem>>
    %dma_start3A_240 = tpu.memref_squeeze %dma_start3A_239 : memref<1x128x128xf32, #tpu.memory_space<vmem>> -> memref<128x128xf32, #tpu.memory_space<vmem>>
    tpu.enqueue_dma source(%dma_start3A_240 : memref<128x128xf32, #tpu.memory_space<vmem>>) target(%dma_start3A_236 : memref<128x128xf32, #tpu.memory_space<hbm>>) target_semaphore(%arg20 : memref<!tpu.dma_semaphore, #tpu.memory_space<semaphore_mem>>)
    %parallel_loop3A_241 = arith.constant 0 : i32
    %parallel_loop3A_242 = arith.constant 128 : i32
    %parallel_loop3A_243 = arith.constant 1 : i32
    scf.for %parallel_loop3A_443 = %parallel_loop3A_241 to %parallel_loop3A_242 step %parallel_loop3A_243  : i32 {
      %parallel_loop3A_444 = arith.constant 1 : i32
      %parallel_loop3A_445 = arith.index_cast %parallel_loop3A_444 : i32 to index
      %parallel_loop3A_446 = arith.index_cast %parallel_loop3A_443 : i32 to index
      %parallel_loop3A_447 = arith.constant 0 : index
      %parallel_loop3A_448 = tpu.vector_load %arg8[%parallel_loop3A_445, %parallel_loop3A_446, %parallel_loop3A_447] {strides = array<i32>} : memref<3x128x128xf32, #tpu.memory_space<vmem>>, vector<1x1x16xf32>,
      %parallel_loop3A_449 = vector.shape_cast %parallel_loop3A_448 : vector<1x1x16xf32> to vector<16xf32>
      %parallel_loop3A_450 = arith.constant 1 : i32
      %parallel_loop3A_451 = arith.index_cast %parallel_loop3A_450 : i32 to index
      %parallel_loop3A_452 = arith.index_cast %parallel_loop3A_443 : i32 to index
      %parallel_loop3A_453 = arith.constant 16 : index
      %parallel_loop3A_454 = tpu.vector_load %arg8[%parallel_loop3A_451, %parallel_loop3A_452, %parallel_loop3A_453] {strides = array<i32>} : memref<3x128x128xf32, #tpu.memory_space<vmem>>, vector<1x1x16xf32>,
      %parallel_loop3A_455 = vector.shape_cast %parallel_loop3A_454 : vector<1x1x16xf32> to vector<16xf32>
      %parallel_loop3A_456 = arith.constant 1 : i32
      %parallel_loop3A_457 = arith.index_cast %parallel_loop3A_456 : i32 to index
      %parallel_loop3A_458 = arith.index_cast %parallel_loop3A_443 : i32 to index
      %parallel_loop3A_459 = arith.constant 32 : index
      %parallel_loop3A_460 = tpu.vector_load %arg8[%parallel_loop3A_457, %parallel_loop3A_458, %parallel_loop3A_459] {strides = array<i32>} : memref<3x128x128xf32, #tpu.memory_space<vmem>>, vector<1x1x16xf32>,
      %parallel_loop3A_461 = vector.shape_cast %parallel_loop3A_460 : vector<1x1x16xf32> to vector<16xf32>
      %parallel_loop3A_462 = arith.constant 1 : i32
      %parallel_loop3A_463 = arith.index_cast %parallel_loop3A_462 : i32 to index
      %parallel_loop3A_464 = arith.index_cast %parallel_loop3A_443 : i32 to index
      %parallel_loop3A_465 = arith.constant 48 : index
      %parallel_loop3A_466 = tpu.vector_load %arg8[%parallel_loop3A_463, %parallel_loop3A_464, %parallel_loop3A_465] {strides = array<i32>} : memref<3x128x128xf32, #tpu.memory_space<vmem>>, vector<1x1x16xf32>,
      %parallel_loop3A_467 = vector.shape_cast %parallel_loop3A_466 : vector<1x1x16xf32> to vector<16xf32>
      %parallel_loop3A_468 = arith.constant 1 : i32
      %parallel_loop3A_469 = arith.index_cast %parallel_loop3A_468 : i32 to index
      %parallel_loop3A_470 = arith.index_cast %parallel_loop3A_443 : i32 to index
      %parallel_loop3A_471 = arith.constant 64 : index
      %parallel_loop3A_472 = tpu.vector_load %arg8[%parallel_loop3A_469, %parallel_loop3A_470, %parallel_loop3A_471] {strides = array<i32>} : memref<3x128x128xf32, #tpu.memory_space<vmem>>, vector<1x1x16xf32>,
      %parallel_loop3A_473 = vector.shape_cast %parallel_loop3A_472 : vector<1x1x16xf32> to vector<16xf32>
      %parallel_loop3A_474 = arith.constant 1 : i32
      %parallel_loop3A_475 = arith.index_cast %parallel_loop3A_474 : i32 to index
      %parallel_loop3A_476 = arith.index_cast %parallel_loop3A_443 : i32 to index
      %parallel_loop3A_477 = arith.constant 80 : index
      %parallel_loop3A_478 = tpu.vector_load %arg8[%parallel_loop3A_475, %parallel_loop3A_476, %parallel_loop3A_477] {strides = array<i32>} : memref<3x128x128xf32, #tpu.memory_space<vmem>>, vector<1x1x16xf32>,
      %parallel_loop3A_479 = vector.shape_cast %parallel_loop3A_478 : vector<1x1x16xf32> to vector<16xf32>
      %parallel_loop3A_480 = arith.constant 1 : i32
      %parallel_loop3A_481 = arith.index_cast %parallel_loop3A_480 : i32 to index
      %parallel_loop3A_482 = arith.index_cast %parallel_loop3A_443 : i32 to index
      %parallel_loop3A_483 = arith.constant 96 : index
      %parallel_loop3A_484 = tpu.vector_load %arg8[%parallel_loop3A_481, %parallel_loop3A_482, %parallel_loop3A_483] {strides = array<i32>} : memref<3x128x128xf32, #tpu.memory_space<vmem>>, vector<1x1x16xf32>,
      %parallel_loop3A_485 = vector.shape_cast %parallel_loop3A_484 : vector<1x1x16xf32> to vector<16xf32>
      %parallel_loop3A_486 = arith.constant 1 : i32
      %parallel_loop3A_487 = arith.index_cast %parallel_loop3A_486 : i32 to index
      %parallel_loop3A_488 = arith.index_cast %parallel_loop3A_443 : i32 to index
      %parallel_loop3A_489 = arith.constant 112 : index
      %parallel_loop3A_490 = tpu.vector_load %arg8[%parallel_loop3A_487, %parallel_loop3A_488, %parallel_loop3A_489] {strides = array<i32>} : memref<3x128x128xf32, #tpu.memory_space<vmem>>, vector<1x1x16xf32>,
      %parallel_loop3A_491 = vector.shape_cast %parallel_loop3A_490 : vector<1x1x16xf32> to vector<16xf32>
      %parallel_loop3A_492 = arith.constant 1 : i32
      %parallel_loop3A_493 = arith.index_cast %parallel_loop3A_492 : i32 to index
      %parallel_loop3A_494 = arith.index_cast %parallel_loop3A_443 : i32 to index
      %parallel_loop3A_495 = arith.constant 0 : index
      %parallel_loop3A_496 = tpu.vector_load %arg9[%parallel_loop3A_493, %parallel_loop3A_494, %parallel_loop3A_495] {strides = array<i32>} : memref<3x128x128xf32, #tpu.memory_space<vmem>>, vector<1x1x16xf32>,
      %parallel_loop3A_497 = vector.shape_cast %parallel_loop3A_496 : vector<1x1x16xf32> to vector<16xf32>
      %parallel_loop3A_498 = arith.constant 1 : i32
      %parallel_loop3A_499 = arith.index_cast %parallel_loop3A_498 : i32 to index
      %parallel_loop3A_500 = arith.index_cast %parallel_loop3A_443 : i32 to index
      %parallel_loop3A_501 = arith.constant 16 : index
      %parallel_loop3A_502 = tpu.vector_load %arg9[%parallel_loop3A_499, %parallel_loop3A_500, %parallel_loop3A_501] {strides = array<i32>} : memref<3x128x128xf32, #tpu.memory_space<vmem>>, vector<1x1x16xf32>,
      %parallel_loop3A_503 = vector.shape_cast %parallel_loop3A_502 : vector<1x1x16xf32> to vector<16xf32>
      %parallel_loop3A_504 = arith.constant 1 : i32
      %parallel_loop3A_505 = arith.index_cast %parallel_loop3A_504 : i32 to index
      %parallel_loop3A_506 = arith.index_cast %parallel_loop3A_443 : i32 to index
      %parallel_loop3A_507 = arith.constant 32 : index
      %parallel_loop3A_508 = tpu.vector_load %arg9[%parallel_loop3A_505, %parallel_loop3A_506, %parallel_loop3A_507] {strides = array<i32>} : memref<3x128x128xf32, #tpu.memory_space<vmem>>, vector<1x1x16xf32>,
      %parallel_loop3A_509 = vector.shape_cast %parallel_loop3A_508 : vector<1x1x16xf32> to vector<16xf32>
      %parallel_loop3A_510 = arith.constant 1 : i32
      %parallel_loop3A_511 = arith.index_cast %parallel_loop3A_510 : i32 to index
      %parallel_loop3A_512 = arith.index_cast %parallel_loop3A_443 : i32 to index
      %parallel_loop3A_513 = arith.constant 48 : index
      %parallel_loop3A_514 = tpu.vector_load %arg9[%parallel_loop3A_511, %parallel_loop3A_512, %parallel_loop3A_513] {strides = array<i32>} : memref<3x128x128xf32, #tpu.memory_space<vmem>>, vector<1x1x16xf32>,
      %parallel_loop3A_515 = vector.shape_cast %parallel_loop3A_514 : vector<1x1x16xf32> to vector<16xf32>
      %parallel_loop3A_516 = arith.constant 1 : i32
      %parallel_loop3A_517 = arith.index_cast %parallel_loop3A_516 : i32 to index
      %parallel_loop3A_518 = arith.index_cast %parallel_loop3A_443 : i32 to index
      %parallel_loop3A_519 = arith.constant 64 : index
      %parallel_loop3A_520 = tpu.vector_load %arg9[%parallel_loop3A_517, %parallel_loop3A_518, %parallel_loop3A_519] {strides = array<i32>} : memref<3x128x128xf32, #tpu.memory_space<vmem>>, vector<1x1x16xf32>,
      %parallel_loop3A_521 = vector.shape_cast %parallel_loop3A_520 : vector<1x1x16xf32> to vector<16xf32>
      %parallel_loop3A_522 = arith.constant 1 : i32
      %parallel_loop3A_523 = arith.index_cast %parallel_loop3A_522 : i32 to index
      %parallel_loop3A_524 = arith.index_cast %parallel_loop3A_443 : i32 to index
      %parallel_loop3A_525 = arith.constant 80 : index
      %parallel_loop3A_526 = tpu.vector_load %arg9[%parallel_loop3A_523, %parallel_loop3A_524, %parallel_loop3A_525] {strides = array<i32>} : memref<3x128x128xf32, #tpu.memory_space<vmem>>, vector<1x1x16xf32>,
      %parallel_loop3A_527 = vector.shape_cast %parallel_loop3A_526 : vector<1x1x16xf32> to vector<16xf32>
      %parallel_loop3A_528 = arith.constant 1 : i32
      %parallel_loop3A_529 = arith.index_cast %parallel_loop3A_528 : i32 to index
      %parallel_loop3A_530 = arith.index_cast %parallel_loop3A_443 : i32 to index
      %parallel_loop3A_531 = arith.constant 96 : index
      %parallel_loop3A_532 = tpu.vector_load %arg9[%parallel_loop3A_529, %parallel_loop3A_530, %parallel_loop3A_531] {strides = array<i32>} : memref<3x128x128xf32, #tpu.memory_space<vmem>>, vector<1x1x16xf32>,
      %parallel_loop3A_533 = vector.shape_cast %parallel_loop3A_532 : vector<1x1x16xf32> to vector<16xf32>
      %parallel_loop3A_534 = arith.constant 1 : i32
      %parallel_loop3A_535 = arith.index_cast %parallel_loop3A_534 : i32 to index
      %parallel_loop3A_536 = arith.index_cast %parallel_loop3A_443 : i32 to index
      %parallel_loop3A_537 = arith.constant 112 : index
      %parallel_loop3A_538 = tpu.vector_load %arg9[%parallel_loop3A_535, %parallel_loop3A_536, %parallel_loop3A_537] {strides = array<i32>} : memref<3x128x128xf32, #tpu.memory_space<vmem>>, vector<1x1x16xf32>,
      %parallel_loop3A_539 = vector.shape_cast %parallel_loop3A_538 : vector<1x1x16xf32> to vector<16xf32>
      %parallel_loop3A_540 = arith.mulf %parallel_loop3A_449, %parallel_loop3A_497 : vector<16xf32>
      %parallel_loop3A_541 = arith.mulf %parallel_loop3A_455, %parallel_loop3A_503 : vector<16xf32>
      %parallel_loop3A_542 = arith.addf %parallel_loop3A_540, %parallel_loop3A_541 : vector<16xf32>
      %parallel_loop3A_543 = arith.mulf %parallel_loop3A_461, %parallel_loop3A_509 : vector<16xf32>
      %parallel_loop3A_544 = arith.addf %parallel_loop3A_542, %parallel_loop3A_543 : vector<16xf32>
      %parallel_loop3A_545 = arith.mulf %parallel_loop3A_467, %parallel_loop3A_515 : vector<16xf32>
      %parallel_loop3A_546 = arith.addf %parallel_loop3A_544, %parallel_loop3A_545 : vector<16xf32>
      %parallel_loop3A_547 = arith.mulf %parallel_loop3A_473, %parallel_loop3A_521 : vector<16xf32>
      %parallel_loop3A_548 = arith.addf %parallel_loop3A_546, %parallel_loop3A_547 : vector<16xf32>
      %parallel_loop3A_549 = arith.mulf %parallel_loop3A_479, %parallel_loop3A_527 : vector<16xf32>
      %parallel_loop3A_550 = arith.addf %parallel_loop3A_548, %parallel_loop3A_549 : vector<16xf32>
      %parallel_loop3A_551 = arith.mulf %parallel_loop3A_485, %parallel_loop3A_533 : vector<16xf32>
      %parallel_loop3A_552 = arith.addf %parallel_loop3A_550, %parallel_loop3A_551 : vector<16xf32>
      %parallel_loop3A_553 = arith.mulf %parallel_loop3A_491, %parallel_loop3A_539 : vector<16xf32>
      %parallel_loop3A_554 = arith.addf %parallel_loop3A_552, %parallel_loop3A_553 : vector<16xf32>
      %parallel_loop3A_555 = vector.shape_cast %and3A_7 : vector<16xi32> to vector<16x1xi32>
      %parallel_loop3A_556 = vector.shape_cast %parallel_loop3A_555 : vector<16x1xi32> to vector<16xi32>
      %parallel_loop3A_557 = tpu.dynamic_gather %parallel_loop3A_554[%parallel_loop3A_556] in [0] : vector<16xf32>, vector<16xi32> -> vector<16xf32>
      %parallel_loop3A_558 = arith.addf %parallel_loop3A_554, %parallel_loop3A_557 : vector<16xf32>
      %parallel_loop3A_559 = vector.shape_cast %and3A_13 : vector<16xi32> to vector<16x1xi32>
      %parallel_loop3A_560 = vector.shape_cast %parallel_loop3A_559 : vector<16x1xi32> to vector<16xi32>
      %parallel_loop3A_561 = tpu.dynamic_gather %parallel_loop3A_558[%parallel_loop3A_560] in [0] : vector<16xf32>, vector<16xi32> -> vector<16xf32>
      %parallel_loop3A_562 = arith.addf %parallel_loop3A_558, %parallel_loop3A_561 : vector<16xf32>
      %parallel_loop3A_563 = vector.shape_cast %and3A_19 : vector<16xi32> to vector<16x1xi32>
      %parallel_loop3A_564 = vector.shape_cast %parallel_loop3A_563 : vector<16x1xi32> to vector<16xi32>
      %parallel_loop3A_565 = tpu.dynamic_gather %parallel_loop3A_562[%parallel_loop3A_564] in [0] : vector<16xf32>, vector<16xi32> -> vector<16xf32>
      %parallel_loop3A_566 = arith.addf %parallel_loop3A_562, %parallel_loop3A_565 : vector<16xf32>
      %parallel_loop3A_567 = vector.shape_cast %and3A_25 : vector<16xi32> to vector<16x1xi32>
      %parallel_loop3A_568 = vector.shape_cast %parallel_loop3A_567 : vector<16x1xi32> to vector<16xi32>
      %parallel_loop3A_569 = tpu.dynamic_gather %parallel_loop3A_566[%parallel_loop3A_568] in [0] : vector<16xf32>, vector<16xi32> -> vector<16xf32>
      %parallel_loop3A_570 = arith.addf %parallel_loop3A_566, %parallel_loop3A_569 : vector<16xf32>
      %parallel_loop3A_571 = arith.mulf %parallel_loop3A_570, %parallel_loop3A_497 : vector<16xf32>
      %parallel_loop3A_572 = arith.subf %parallel_loop3A_449, %parallel_loop3A_571 : vector<16xf32>
      %parallel_loop3A_573 = arith.constant 1 : i32
      %parallel_loop3A_574 = arith.index_cast %parallel_loop3A_573 : i32 to index
      %parallel_loop3A_575 = arith.index_cast %parallel_loop3A_443 : i32 to index
      %parallel_loop3A_576 = arith.constant 0 : index
      %parallel_loop3A_577 = tpu.vector_load %arg8[%parallel_loop3A_574, %parallel_loop3A_575, %parallel_loop3A_576] {strides = array<i32>} : memref<3x128x128xf32, #tpu.memory_space<vmem>>, vector<1x1x16xf32>,
      %parallel_loop3A_578 = vector.shape_cast %parallel_loop3A_577 : vector<1x1x16xf32> to vector<16xf32>
      %parallel_loop3A_579 = vector.shape_cast %parallel_loop3A_572 : vector<16xf32> to vector<1x1x16xf32>
      tpu.vector_store %arg8[%parallel_loop3A_574, %parallel_loop3A_575, %parallel_loop3A_576], %parallel_loop3A_579 {strides = array<i32>} : memref<3x128x128xf32, #tpu.memory_space<vmem>>, vector<1x1x16xf32>,
      %parallel_loop3A_580 = arith.mulf %parallel_loop3A_570, %parallel_loop3A_503 : vector<16xf32>
      %parallel_loop3A_581 = arith.subf %parallel_loop3A_455, %parallel_loop3A_580 : vector<16xf32>
      %parallel_loop3A_582 = arith.constant 1 : i32
      %parallel_loop3A_583 = arith.index_cast %parallel_loop3A_582 : i32 to index
      %parallel_loop3A_584 = arith.index_cast %parallel_loop3A_443 : i32 to index
      %parallel_loop3A_585 = arith.constant 16 : index
      %parallel_loop3A_586 = tpu.vector_load %arg8[%parallel_loop3A_583, %parallel_loop3A_584, %parallel_loop3A_585] {strides = array<i32>} : memref<3x128x128xf32, #tpu.memory_space<vmem>>, vector<1x1x16xf32>,
      %parallel_loop3A_587 = vector.shape_cast %parallel_loop3A_586 : vector<1x1x16xf32> to vector<16xf32>
      %parallel_loop3A_588 = vector.shape_cast %parallel_loop3A_581 : vector<16xf32> to vector<1x1x16xf32>
      tpu.vector_store %arg8[%parallel_loop3A_583, %parallel_loop3A_584, %parallel_loop3A_585], %parallel_loop3A_588 {strides = array<i32>} : memref<3x128x128xf32, #tpu.memory_space<vmem>>, vector<1x1x16xf32>,
      %parallel_loop3A_589 = arith.mulf %parallel_loop3A_570, %parallel_loop3A_509 : vector<16xf32>
      %parallel_loop3A_590 = arith.subf %parallel_loop3A_461, %parallel_loop3A_589 : vector<16xf32>
      %parallel_loop3A_591 = arith.constant 1 : i32
      %parallel_loop3A_592 = arith.index_cast %parallel_loop3A_591 : i32 to index
      %parallel_loop3A_593 = arith.index_cast %parallel_loop3A_443 : i32 to index
      %parallel_loop3A_594 = arith.constant 32 : index
      %parallel_loop3A_595 = tpu.vector_load %arg8[%parallel_loop3A_592, %parallel_loop3A_593, %parallel_loop3A_594] {strides = array<i32>} : memref<3x128x128xf32, #tpu.memory_space<vmem>>, vector<1x1x16xf32>,
      %parallel_loop3A_596 = vector.shape_cast %parallel_loop3A_595 : vector<1x1x16xf32> to vector<16xf32>
      %parallel_loop3A_597 = vector.shape_cast %parallel_loop3A_590 : vector<16xf32> to vector<1x1x16xf32>
      tpu.vector_store %arg8[%parallel_loop3A_592, %parallel_loop3A_593, %parallel_loop3A_594], %parallel_loop3A_597 {strides = array<i32>} : memref<3x128x128xf32, #tpu.memory_space<vmem>>, vector<1x1x16xf32>,
      %parallel_loop3A_598 = arith.mulf %parallel_loop3A_570, %parallel_loop3A_515 : vector<16xf32>
      %parallel_loop3A_599 = arith.subf %parallel_loop3A_467, %parallel_loop3A_598 : vector<16xf32>
      %parallel_loop3A_600 = arith.constant 1 : i32
      %parallel_loop3A_601 = arith.index_cast %parallel_loop3A_600 : i32 to index
      %parallel_loop3A_602 = arith.index_cast %parallel_loop3A_443 : i32 to index
      %parallel_loop3A_603 = arith.constant 48 : index
      %parallel_loop3A_604 = tpu.vector_load %arg8[%parallel_loop3A_601, %parallel_loop3A_602, %parallel_loop3A_603] {strides = array<i32>} : memref<3x128x128xf32, #tpu.memory_space<vmem>>, vector<1x1x16xf32>,
      %parallel_loop3A_605 = vector.shape_cast %parallel_loop3A_604 : vector<1x1x16xf32> to vector<16xf32>
      %parallel_loop3A_606 = vector.shape_cast %parallel_loop3A_599 : vector<16xf32> to vector<1x1x16xf32>
      tpu.vector_store %arg8[%parallel_loop3A_601, %parallel_loop3A_602, %parallel_loop3A_603], %parallel_loop3A_606 {strides = array<i32>} : memref<3x128x128xf32, #tpu.memory_space<vmem>>, vector<1x1x16xf32>,
      %parallel_loop3A_607 = arith.mulf %parallel_loop3A_570, %parallel_loop3A_521 : vector<16xf32>
      %parallel_loop3A_608 = arith.subf %parallel_loop3A_473, %parallel_loop3A_607 : vector<16xf32>
      %parallel_loop3A_609 = arith.constant 1 : i32
      %parallel_loop3A_610 = arith.index_cast %parallel_loop3A_609 : i32 to index
      %parallel_loop3A_611 = arith.index_cast %parallel_loop3A_443 : i32 to index
      %parallel_loop3A_612 = arith.constant 64 : index
      %parallel_loop3A_613 = tpu.vector_load %arg8[%parallel_loop3A_610, %parallel_loop3A_611, %parallel_loop3A_612] {strides = array<i32>} : memref<3x128x128xf32, #tpu.memory_space<vmem>>, vector<1x1x16xf32>,
      %parallel_loop3A_614 = vector.shape_cast %parallel_loop3A_613 : vector<1x1x16xf32> to vector<16xf32>
      %parallel_loop3A_615 = vector.shape_cast %parallel_loop3A_608 : vector<16xf32> to vector<1x1x16xf32>
      tpu.vector_store %arg8[%parallel_loop3A_610, %parallel_loop3A_611, %parallel_loop3A_612], %parallel_loop3A_615 {strides = array<i32>} : memref<3x128x128xf32, #tpu.memory_space<vmem>>, vector<1x1x16xf32>,
      %parallel_loop3A_616 = arith.mulf %parallel_loop3A_570, %parallel_loop3A_527 : vector<16xf32>
      %parallel_loop3A_617 = arith.subf %parallel_loop3A_479, %parallel_loop3A_616 : vector<16xf32>
      %parallel_loop3A_618 = arith.constant 1 : i32
      %parallel_loop3A_619 = arith.index_cast %parallel_loop3A_618 : i32 to index
      %parallel_loop3A_620 = arith.index_cast %parallel_loop3A_443 : i32 to index
      %parallel_loop3A_621 = arith.constant 80 : index
      %parallel_loop3A_622 = tpu.vector_load %arg8[%parallel_loop3A_619, %parallel_loop3A_620, %parallel_loop3A_621] {strides = array<i32>} : memref<3x128x128xf32, #tpu.memory_space<vmem>>, vector<1x1x16xf32>,
      %parallel_loop3A_623 = vector.shape_cast %parallel_loop3A_622 : vector<1x1x16xf32> to vector<16xf32>
      %parallel_loop3A_624 = vector.shape_cast %parallel_loop3A_617 : vector<16xf32> to vector<1x1x16xf32>
      tpu.vector_store %arg8[%parallel_loop3A_619, %parallel_loop3A_620, %parallel_loop3A_621], %parallel_loop3A_624 {strides = array<i32>} : memref<3x128x128xf32, #tpu.memory_space<vmem>>, vector<1x1x16xf32>,
      %parallel_loop3A_625 = arith.mulf %parallel_loop3A_570, %parallel_loop3A_533 : vector<16xf32>
      %parallel_loop3A_626 = arith.subf %parallel_loop3A_485, %parallel_loop3A_625 : vector<16xf32>
      %parallel_loop3A_627 = arith.constant 1 : i32
      %parallel_loop3A_628 = arith.index_cast %parallel_loop3A_627 : i32 to index
      %parallel_loop3A_629 = arith.index_cast %parallel_loop3A_443 : i32 to index
      %parallel_loop3A_630 = arith.constant 96 : index
      %parallel_loop3A_631 = tpu.vector_load %arg8[%parallel_loop3A_628, %parallel_loop3A_629, %parallel_loop3A_630] {strides = array<i32>} : memref<3x128x128xf32, #tpu.memory_space<vmem>>, vector<1x1x16xf32>,
      %parallel_loop3A_632 = vector.shape_cast %parallel_loop3A_631 : vector<1x1x16xf32> to vector<16xf32>
      %parallel_loop3A_633 = vector.shape_cast %parallel_loop3A_626 : vector<16xf32> to vector<1x1x16xf32>
      tpu.vector_store %arg8[%parallel_loop3A_628, %parallel_loop3A_629, %parallel_loop3A_630], %parallel_loop3A_633 {strides = array<i32>} : memref<3x128x128xf32, #tpu.memory_space<vmem>>, vector<1x1x16xf32>,
      %parallel_loop3A_634 = arith.mulf %parallel_loop3A_570, %parallel_loop3A_539 : vector<16xf32>
      %parallel_loop3A_635 = arith.subf %parallel_loop3A_491, %parallel_loop3A_634 : vector<16xf32>
      %parallel_loop3A_636 = arith.constant 1 : i32
      %parallel_loop3A_637 = arith.index_cast %parallel_loop3A_636 : i32 to index
      %parallel_loop3A_638 = arith.index_cast %parallel_loop3A_443 : i32 to index
      %parallel_loop3A_639 = arith.constant 112 : index
      %parallel_loop3A_640 = tpu.vector_load %arg8[%parallel_loop3A_637, %parallel_loop3A_638, %parallel_loop3A_639] {strides = array<i32>} : memref<3x128x128xf32, #tpu.memory_space<vmem>>, vector<1x1x16xf32>,
      %parallel_loop3A_641 = vector.shape_cast %parallel_loop3A_640 : vector<1x1x16xf32> to vector<16xf32>
      %parallel_loop3A_642 = vector.shape_cast %parallel_loop3A_635 : vector<16xf32> to vector<1x1x16xf32>
      tpu.vector_store %arg8[%parallel_loop3A_637, %parallel_loop3A_638, %parallel_loop3A_639], %parallel_loop3A_642 {strides = array<i32>} : memref<3x128x128xf32, #tpu.memory_space<vmem>>, vector<1x1x16xf32>,
    } {sc.loop_unroll_factor = 4 : i64, sc.parallel_access}
    %dma_start3A_244 = arith.constant 1 : i32
    %dma_start3A_245 = arith.constant 0 : i32
    %dma_start3A_246 = arith.constant 0 : i32
    %dma_start3A_247 = tpu.memref_slice %arg8[%dma_start3A_244, %dma_start3A_245, %dma_start3A_246] : memref<3x128x128xf32, #tpu.memory_space<vmem>> -> memref<1x128x128xf32, #tpu.memory_space<vmem>>
    %dma_start3A_248 = tpu.memref_squeeze %dma_start3A_247 : memref<1x128x128xf32, #tpu.memory_space<vmem>> -> memref<128x128xf32, #tpu.memory_space<vmem>>
    %dma_start3A_249 = arith.constant 0 : i32
    %dma_start3A_250 = tpu.memref_slice %arg5[%add3A_227, %dma_start3A_249] : memref<16384x128xf32, #tpu.memory_space<hbm>> -> memref<128x128xf32, #tpu.memory_space<hbm>>
    %dma_start3A_251 = arith.constant 0 : i32
    %dma_start3A_252 = tpu.memref_slice %arg5[%add3A_227, %dma_start3A_251] : memref<16384x128xf32, #tpu.memory_space<hbm>> -> memref<128x128xf32, #tpu.memory_space<hbm>>
    %dma_start3A_253 = arith.constant 0 : i32
    %dma_start3A_254 = arith.constant 0 : i32
    %dma_start3A_255 = tpu.memref_slice %arg8[%dma_start3A_244, %dma_start3A_253, %dma_start3A_254] : memref<3x128x128xf32, #tpu.memory_space<vmem>> -> memref<1x128x128xf32, #tpu.memory_space<vmem>>
    %dma_start3A_256 = tpu.memref_squeeze %dma_start3A_255 : memref<1x128x128xf32, #tpu.memory_space<vmem>> -> memref<128x128xf32, #tpu.memory_space<vmem>>
    tpu.enqueue_dma source(%dma_start3A_256 : memref<128x128xf32, #tpu.memory_space<vmem>>) target(%dma_start3A_252 : memref<128x128xf32, #tpu.memory_space<hbm>>) target_semaphore(%arg17 : memref<!tpu.dma_semaphore, #tpu.memory_space<semaphore_mem>>)
    %dma_wait3A_257 = arith.constant 2 : i32
    %dma_wait3A_258 = arith.constant 0 : i32
    %dma_wait3A_259 = arith.constant 0 : i32
    %dma_wait3A_260 = tpu.memref_slice %arg8[%dma_wait3A_257, %dma_wait3A_258, %dma_wait3A_259] : memref<3x128x128xf32, #tpu.memory_space<vmem>> -> memref<1x128x128xf32, #tpu.memory_space<vmem>>
    %dma_wait3A_261 = tpu.memref_squeeze %dma_wait3A_260 : memref<1x128x128xf32, #tpu.memory_space<vmem>> -> memref<128x128xf32, #tpu.memory_space<vmem>>
    %dma_wait3A_262 = arith.constant 0 : i32
    %dma_wait3A_263 = tpu.memref_slice %arg2[%add3A_76, %dma_wait3A_262] : memref<16384x128xf32, #tpu.memory_space<hbm>> -> memref<128x128xf32, #tpu.memory_space<hbm>>
    %dma_wait3A_264 = arith.constant 0 : i32
    %dma_wait3A_265 = arith.constant 0 : i32
    %dma_wait3A_266 = tpu.memref_slice %arg8[%dma_wait3A_257, %dma_wait3A_264, %dma_wait3A_265] : memref<3x128x128xf32, #tpu.memory_space<vmem>> -> memref<1x128x128xf32, #tpu.memory_space<vmem>>
    %dma_wait3A_267 = tpu.memref_squeeze %dma_wait3A_266 : memref<1x128x128xf32, #tpu.memory_space<vmem>> -> memref<128x128xf32, #tpu.memory_space<vmem>>
    %dma_wait3A_268 = arith.constant 0 : i32
    %dma_wait3A_269 = tpu.memref_slice %arg2[%add3A_76, %dma_wait3A_268] : memref<16384x128xf32, #tpu.memory_space<hbm>> -> memref<128x128xf32, #tpu.memory_space<hbm>>
    tpu.wait_dma2 semaphore(%arg15 : memref<!tpu.dma_semaphore, #tpu.memory_space<semaphore_mem>>) src(%dma_wait3A_269 : memref<128x128xf32, #tpu.memory_space<hbm>>) dst(%dma_wait3A_267 : memref<128x128xf32, #tpu.memory_space<vmem>>)
    %dma_wait3A_270 = arith.constant 2 : i32
    %dma_wait3A_271 = arith.constant 0 : i32
    %dma_wait3A_272 = arith.constant 0 : i32
    %dma_wait3A_273 = tpu.memref_slice %arg9[%dma_wait3A_270, %dma_wait3A_271, %dma_wait3A_272] : memref<3x128x128xf32, #tpu.memory_space<vmem>> -> memref<1x128x128xf32, #tpu.memory_space<vmem>>
    %dma_wait3A_274 = tpu.memref_squeeze %dma_wait3A_273 : memref<1x128x128xf32, #tpu.memory_space<vmem>> -> memref<128x128xf32, #tpu.memory_space<vmem>>
    %dma_wait3A_275 = arith.constant 256 : i32
    %dma_wait3A_276 = tpu.memref_slice %arg7[%dma_wait3A_275] : memref<512xi32, #tpu.memory_space<vmem>> -> memref<128xi32, #tpu.memory_space<vmem>>
    %dma_wait3A_277 = arith.constant 0 : i32
    %dma_wait3A_278 = arith.constant 0 : i32
    %dma_wait3A_279 = tpu.memref_slice %arg4[%dma_wait3A_277, %dma_wait3A_278] : memref<1000x128xf32, #tpu.memory_space<hbm>> -> memref<1000x128xf32, #tpu.memory_space<hbm>>
    tpu.wait_indirect_dma semaphore(%arg12 : memref<!tpu.dma_semaphore, #tpu.memory_space<semaphore_mem>>) src(%dma_wait3A_279 : memref<1000x128xf32, #tpu.memory_space<hbm>>) dst(%dma_wait3A_274 : memref<128x128xf32, #tpu.memory_space<vmem>>)
    %add3A_280 = arith.constant 256 : i32
    %add3A_281 = arith.addi %mul3A_2, %add3A_280 : i32
    %dma_start3A_282 = arith.constant 2 : i32
    %dma_start3A_283 = arith.constant 0 : i32
    %dma_start3A_284 = arith.constant 0 : i32
    %dma_start3A_285 = tpu.memref_slice %arg9[%dma_start3A_282, %dma_start3A_283, %dma_start3A_284] : memref<3x128x128xf32, #tpu.memory_space<vmem>> -> memref<1x128x128xf32, #tpu.memory_space<vmem>>
    %dma_start3A_286 = tpu.memref_squeeze %dma_start3A_285 : memref<1x128x128xf32, #tpu.memory_space<vmem>> -> memref<128x128xf32, #tpu.memory_space<vmem>>
    %dma_start3A_287 = arith.constant 0 : i32
    %dma_start3A_288 = tpu.memref_slice %arg6[%add3A_281, %dma_start3A_287] : memref<16384x128xf32, #tpu.memory_space<hbm>> -> memref<128x128xf32, #tpu.memory_space<hbm>>
    %dma_start3A_289 = arith.constant 0 : i32
    %dma_start3A_290 = tpu.memref_slice %arg6[%add3A_281, %dma_start3A_289] : memref<16384x128xf32, #tpu.memory_space<hbm>> -> memref<128x128xf32, #tpu.memory_space<hbm>>
    %dma_start3A_291 = arith.constant 0 : i32
    %dma_start3A_292 = arith.constant 0 : i32
    %dma_start3A_293 = tpu.memref_slice %arg9[%dma_start3A_282, %dma_start3A_291, %dma_start3A_292] : memref<3x128x128xf32, #tpu.memory_space<vmem>> -> memref<1x128x128xf32, #tpu.memory_space<vmem>>
    %dma_start3A_294 = tpu.memref_squeeze %dma_start3A_293 : memref<1x128x128xf32, #tpu.memory_space<vmem>> -> memref<128x128xf32, #tpu.memory_space<vmem>>
    tpu.enqueue_dma source(%dma_start3A_294 : memref<128x128xf32, #tpu.memory_space<vmem>>) target(%dma_start3A_290 : memref<128x128xf32, #tpu.memory_space<hbm>>) target_semaphore(%arg21 : memref<!tpu.dma_semaphore, #tpu.memory_space<semaphore_mem>>)
    %parallel_loop3A_295 = arith.constant 0 : i32
    %parallel_loop3A_296 = arith.constant 128 : i32
    %parallel_loop3A_297 = arith.constant 1 : i32
    scf.for %parallel_loop3A_443 = %parallel_loop3A_295 to %parallel_loop3A_296 step %parallel_loop3A_297  : i32 {
      %parallel_loop3A_444 = arith.constant 2 : i32
      %parallel_loop3A_445 = arith.index_cast %parallel_loop3A_444 : i32 to index
      %parallel_loop3A_446 = arith.index_cast %parallel_loop3A_443 : i32 to index
      %parallel_loop3A_447 = arith.constant 0 : index
      %parallel_loop3A_448 = tpu.vector_load %arg8[%parallel_loop3A_445, %parallel_loop3A_446, %parallel_loop3A_447] {strides = array<i32>} : memref<3x128x128xf32, #tpu.memory_space<vmem>>, vector<1x1x16xf32>,
      %parallel_loop3A_449 = vector.shape_cast %parallel_loop3A_448 : vector<1x1x16xf32> to vector<16xf32>
      %parallel_loop3A_450 = arith.constant 2 : i32
      %parallel_loop3A_451 = arith.index_cast %parallel_loop3A_450 : i32 to index
      %parallel_loop3A_452 = arith.index_cast %parallel_loop3A_443 : i32 to index
      %parallel_loop3A_453 = arith.constant 16 : index
      %parallel_loop3A_454 = tpu.vector_load %arg8[%parallel_loop3A_451, %parallel_loop3A_452, %parallel_loop3A_453] {strides = array<i32>} : memref<3x128x128xf32, #tpu.memory_space<vmem>>, vector<1x1x16xf32>,
      %parallel_loop3A_455 = vector.shape_cast %parallel_loop3A_454 : vector<1x1x16xf32> to vector<16xf32>
      %parallel_loop3A_456 = arith.constant 2 : i32
      %parallel_loop3A_457 = arith.index_cast %parallel_loop3A_456 : i32 to index
      %parallel_loop3A_458 = arith.index_cast %parallel_loop3A_443 : i32 to index
      %parallel_loop3A_459 = arith.constant 32 : index
      %parallel_loop3A_460 = tpu.vector_load %arg8[%parallel_loop3A_457, %parallel_loop3A_458, %parallel_loop3A_459] {strides = array<i32>} : memref<3x128x128xf32, #tpu.memory_space<vmem>>, vector<1x1x16xf32>,
      %parallel_loop3A_461 = vector.shape_cast %parallel_loop3A_460 : vector<1x1x16xf32> to vector<16xf32>
      %parallel_loop3A_462 = arith.constant 2 : i32
      %parallel_loop3A_463 = arith.index_cast %parallel_loop3A_462 : i32 to index
      %parallel_loop3A_464 = arith.index_cast %parallel_loop3A_443 : i32 to index
      %parallel_loop3A_465 = arith.constant 48 : index
      %parallel_loop3A_466 = tpu.vector_load %arg8[%parallel_loop3A_463, %parallel_loop3A_464, %parallel_loop3A_465] {strides = array<i32>} : memref<3x128x128xf32, #tpu.memory_space<vmem>>, vector<1x1x16xf32>,
      %parallel_loop3A_467 = vector.shape_cast %parallel_loop3A_466 : vector<1x1x16xf32> to vector<16xf32>
      %parallel_loop3A_468 = arith.constant 2 : i32
      %parallel_loop3A_469 = arith.index_cast %parallel_loop3A_468 : i32 to index
      %parallel_loop3A_470 = arith.index_cast %parallel_loop3A_443 : i32 to index
      %parallel_loop3A_471 = arith.constant 64 : index
      %parallel_loop3A_472 = tpu.vector_load %arg8[%parallel_loop3A_469, %parallel_loop3A_470, %parallel_loop3A_471] {strides = array<i32>} : memref<3x128x128xf32, #tpu.memory_space<vmem>>, vector<1x1x16xf32>,
      %parallel_loop3A_473 = vector.shape_cast %parallel_loop3A_472 : vector<1x1x16xf32> to vector<16xf32>
      %parallel_loop3A_474 = arith.constant 2 : i32
      %parallel_loop3A_475 = arith.index_cast %parallel_loop3A_474 : i32 to index
      %parallel_loop3A_476 = arith.index_cast %parallel_loop3A_443 : i32 to index
      %parallel_loop3A_477 = arith.constant 80 : index
      %parallel_loop3A_478 = tpu.vector_load %arg8[%parallel_loop3A_475, %parallel_loop3A_476, %parallel_loop3A_477] {strides = array<i32>} : memref<3x128x128xf32, #tpu.memory_space<vmem>>, vector<1x1x16xf32>,
      %parallel_loop3A_479 = vector.shape_cast %parallel_loop3A_478 : vector<1x1x16xf32> to vector<16xf32>
      %parallel_loop3A_480 = arith.constant 2 : i32
      %parallel_loop3A_481 = arith.index_cast %parallel_loop3A_480 : i32 to index
      %parallel_loop3A_482 = arith.index_cast %parallel_loop3A_443 : i32 to index
      %parallel_loop3A_483 = arith.constant 96 : index
      %parallel_loop3A_484 = tpu.vector_load %arg8[%parallel_loop3A_481, %parallel_loop3A_482, %parallel_loop3A_483] {strides = array<i32>} : memref<3x128x128xf32, #tpu.memory_space<vmem>>, vector<1x1x16xf32>,
      %parallel_loop3A_485 = vector.shape_cast %parallel_loop3A_484 : vector<1x1x16xf32> to vector<16xf32>
      %parallel_loop3A_486 = arith.constant 2 : i32
      %parallel_loop3A_487 = arith.index_cast %parallel_loop3A_486 : i32 to index
      %parallel_loop3A_488 = arith.index_cast %parallel_loop3A_443 : i32 to index
      %parallel_loop3A_489 = arith.constant 112 : index
      %parallel_loop3A_490 = tpu.vector_load %arg8[%parallel_loop3A_487, %parallel_loop3A_488, %parallel_loop3A_489] {strides = array<i32>} : memref<3x128x128xf32, #tpu.memory_space<vmem>>, vector<1x1x16xf32>,
      %parallel_loop3A_491 = vector.shape_cast %parallel_loop3A_490 : vector<1x1x16xf32> to vector<16xf32>
      %parallel_loop3A_492 = arith.constant 2 : i32
      %parallel_loop3A_493 = arith.index_cast %parallel_loop3A_492 : i32 to index
      %parallel_loop3A_494 = arith.index_cast %parallel_loop3A_443 : i32 to index
      %parallel_loop3A_495 = arith.constant 0 : index
      %parallel_loop3A_496 = tpu.vector_load %arg9[%parallel_loop3A_493, %parallel_loop3A_494, %parallel_loop3A_495] {strides = array<i32>} : memref<3x128x128xf32, #tpu.memory_space<vmem>>, vector<1x1x16xf32>,
      %parallel_loop3A_497 = vector.shape_cast %parallel_loop3A_496 : vector<1x1x16xf32> to vector<16xf32>
      %parallel_loop3A_498 = arith.constant 2 : i32
      %parallel_loop3A_499 = arith.index_cast %parallel_loop3A_498 : i32 to index
      %parallel_loop3A_500 = arith.index_cast %parallel_loop3A_443 : i32 to index
      %parallel_loop3A_501 = arith.constant 16 : index
      %parallel_loop3A_502 = tpu.vector_load %arg9[%parallel_loop3A_499, %parallel_loop3A_500, %parallel_loop3A_501] {strides = array<i32>} : memref<3x128x128xf32, #tpu.memory_space<vmem>>, vector<1x1x16xf32>,
      %parallel_loop3A_503 = vector.shape_cast %parallel_loop3A_502 : vector<1x1x16xf32> to vector<16xf32>
      %parallel_loop3A_504 = arith.constant 2 : i32
      %parallel_loop3A_505 = arith.index_cast %parallel_loop3A_504 : i32 to index
      %parallel_loop3A_506 = arith.index_cast %parallel_loop3A_443 : i32 to index
      %parallel_loop3A_507 = arith.constant 32 : index
      %parallel_loop3A_508 = tpu.vector_load %arg9[%parallel_loop3A_505, %parallel_loop3A_506, %parallel_loop3A_507] {strides = array<i32>} : memref<3x128x128xf32, #tpu.memory_space<vmem>>, vector<1x1x16xf32>,
      %parallel_loop3A_509 = vector.shape_cast %parallel_loop3A_508 : vector<1x1x16xf32> to vector<16xf32>
      %parallel_loop3A_510 = arith.constant 2 : i32
      %parallel_loop3A_511 = arith.index_cast %parallel_loop3A_510 : i32 to index
      %parallel_loop3A_512 = arith.index_cast %parallel_loop3A_443 : i32 to index
      %parallel_loop3A_513 = arith.constant 48 : index
      %parallel_loop3A_514 = tpu.vector_load %arg9[%parallel_loop3A_511, %parallel_loop3A_512, %parallel_loop3A_513] {strides = array<i32>} : memref<3x128x128xf32, #tpu.memory_space<vmem>>, vector<1x1x16xf32>,
      %parallel_loop3A_515 = vector.shape_cast %parallel_loop3A_514 : vector<1x1x16xf32> to vector<16xf32>
      %parallel_loop3A_516 = arith.constant 2 : i32
      %parallel_loop3A_517 = arith.index_cast %parallel_loop3A_516 : i32 to index
      %parallel_loop3A_518 = arith.index_cast %parallel_loop3A_443 : i32 to index
      %parallel_loop3A_519 = arith.constant 64 : index
      %parallel_loop3A_520 = tpu.vector_load %arg9[%parallel_loop3A_517, %parallel_loop3A_518, %parallel_loop3A_519] {strides = array<i32>} : memref<3x128x128xf32, #tpu.memory_space<vmem>>, vector<1x1x16xf32>,
      %parallel_loop3A_521 = vector.shape_cast %parallel_loop3A_520 : vector<1x1x16xf32> to vector<16xf32>
      %parallel_loop3A_522 = arith.constant 2 : i32
      %parallel_loop3A_523 = arith.index_cast %parallel_loop3A_522 : i32 to index
      %parallel_loop3A_524 = arith.index_cast %parallel_loop3A_443 : i32 to index
      %parallel_loop3A_525 = arith.constant 80 : index
      %parallel_loop3A_526 = tpu.vector_load %arg9[%parallel_loop3A_523, %parallel_loop3A_524, %parallel_loop3A_525] {strides = array<i32>} : memref<3x128x128xf32, #tpu.memory_space<vmem>>, vector<1x1x16xf32>,
      %parallel_loop3A_527 = vector.shape_cast %parallel_loop3A_526 : vector<1x1x16xf32> to vector<16xf32>
      %parallel_loop3A_528 = arith.constant 2 : i32
      %parallel_loop3A_529 = arith.index_cast %parallel_loop3A_528 : i32 to index
      %parallel_loop3A_530 = arith.index_cast %parallel_loop3A_443 : i32 to index
      %parallel_loop3A_531 = arith.constant 96 : index
      %parallel_loop3A_532 = tpu.vector_load %arg9[%parallel_loop3A_529, %parallel_loop3A_530, %parallel_loop3A_531] {strides = array<i32>} : memref<3x128x128xf32, #tpu.memory_space<vmem>>, vector<1x1x16xf32>,
      %parallel_loop3A_533 = vector.shape_cast %parallel_loop3A_532 : vector<1x1x16xf32> to vector<16xf32>
      %parallel_loop3A_534 = arith.constant 2 : i32
      %parallel_loop3A_535 = arith.index_cast %parallel_loop3A_534 : i32 to index
      %parallel_loop3A_536 = arith.index_cast %parallel_loop3A_443 : i32 to index
      %parallel_loop3A_537 = arith.constant 112 : index
      %parallel_loop3A_538 = tpu.vector_load %arg9[%parallel_loop3A_535, %parallel_loop3A_536, %parallel_loop3A_537] {strides = array<i32>} : memref<3x128x128xf32, #tpu.memory_space<vmem>>, vector<1x1x16xf32>,
      %parallel_loop3A_539 = vector.shape_cast %parallel_loop3A_538 : vector<1x1x16xf32> to vector<16xf32>
      %parallel_loop3A_540 = arith.mulf %parallel_loop3A_449, %parallel_loop3A_497 : vector<16xf32>
      %parallel_loop3A_541 = arith.mulf %parallel_loop3A_455, %parallel_loop3A_503 : vector<16xf32>
      %parallel_loop3A_542 = arith.addf %parallel_loop3A_540, %parallel_loop3A_541 : vector<16xf32>
      %parallel_loop3A_543 = arith.mulf %parallel_loop3A_461, %parallel_loop3A_509 : vector<16xf32>
      %parallel_loop3A_544 = arith.addf %parallel_loop3A_542, %parallel_loop3A_543 : vector<16xf32>
      %parallel_loop3A_545 = arith.mulf %parallel_loop3A_467, %parallel_loop3A_515 : vector<16xf32>
      %parallel_loop3A_546 = arith.addf %parallel_loop3A_544, %parallel_loop3A_545 : vector<16xf32>
      %parallel_loop3A_547 = arith.mulf %parallel_loop3A_473, %parallel_loop3A_521 : vector<16xf32>
      %parallel_loop3A_548 = arith.addf %parallel_loop3A_546, %parallel_loop3A_547 : vector<16xf32>
      %parallel_loop3A_549 = arith.mulf %parallel_loop3A_479, %parallel_loop3A_527 : vector<16xf32>
      %parallel_loop3A_550 = arith.addf %parallel_loop3A_548, %parallel_loop3A_549 : vector<16xf32>
      %parallel_loop3A_551 = arith.mulf %parallel_loop3A_485, %parallel_loop3A_533 : vector<16xf32>
      %parallel_loop3A_552 = arith.addf %parallel_loop3A_550, %parallel_loop3A_551 : vector<16xf32>
      %parallel_loop3A_553 = arith.mulf %parallel_loop3A_491, %parallel_loop3A_539 : vector<16xf32>
      %parallel_loop3A_554 = arith.addf %parallel_loop3A_552, %parallel_loop3A_553 : vector<16xf32>
      %parallel_loop3A_555 = vector.shape_cast %and3A_7 : vector<16xi32> to vector<16x1xi32>
      %parallel_loop3A_556 = vector.shape_cast %parallel_loop3A_555 : vector<16x1xi32> to vector<16xi32>
      %parallel_loop3A_557 = tpu.dynamic_gather %parallel_loop3A_554[%parallel_loop3A_556] in [0] : vector<16xf32>, vector<16xi32> -> vector<16xf32>
      %parallel_loop3A_558 = arith.addf %parallel_loop3A_554, %parallel_loop3A_557 : vector<16xf32>
      %parallel_loop3A_559 = vector.shape_cast %and3A_13 : vector<16xi32> to vector<16x1xi32>
      %parallel_loop3A_560 = vector.shape_cast %parallel_loop3A_559 : vector<16x1xi32> to vector<16xi32>
      %parallel_loop3A_561 = tpu.dynamic_gather %parallel_loop3A_558[%parallel_loop3A_560] in [0] : vector<16xf32>, vector<16xi32> -> vector<16xf32>
      %parallel_loop3A_562 = arith.addf %parallel_loop3A_558, %parallel_loop3A_561 : vector<16xf32>
      %parallel_loop3A_563 = vector.shape_cast %and3A_19 : vector<16xi32> to vector<16x1xi32>
      %parallel_loop3A_564 = vector.shape_cast %parallel_loop3A_563 : vector<16x1xi32> to vector<16xi32>
      %parallel_loop3A_565 = tpu.dynamic_gather %parallel_loop3A_562[%parallel_loop3A_564] in [0] : vector<16xf32>, vector<16xi32> -> vector<16xf32>
      %parallel_loop3A_566 = arith.addf %parallel_loop3A_562, %parallel_loop3A_565 : vector<16xf32>
      %parallel_loop3A_567 = vector.shape_cast %and3A_25 : vector<16xi32> to vector<16x1xi32>
      %parallel_loop3A_568 = vector.shape_cast %parallel_loop3A_567 : vector<16x1xi32> to vector<16xi32>
      %parallel_loop3A_569 = tpu.dynamic_gather %parallel_loop3A_566[%parallel_loop3A_568] in [0] : vector<16xf32>, vector<16xi32> -> vector<16xf32>
      %parallel_loop3A_570 = arith.addf %parallel_loop3A_566, %parallel_loop3A_569 : vector<16xf32>
      %parallel_loop3A_571 = arith.mulf %parallel_loop3A_570, %parallel_loop3A_497 : vector<16xf32>
      %parallel_loop3A_572 = arith.subf %parallel_loop3A_449, %parallel_loop3A_571 : vector<16xf32>
      %parallel_loop3A_573 = arith.constant 2 : i32
      %parallel_loop3A_574 = arith.index_cast %parallel_loop3A_573 : i32 to index
      %parallel_loop3A_575 = arith.index_cast %parallel_loop3A_443 : i32 to index
      %parallel_loop3A_576 = arith.constant 0 : index
      %parallel_loop3A_577 = tpu.vector_load %arg8[%parallel_loop3A_574, %parallel_loop3A_575, %parallel_loop3A_576] {strides = array<i32>} : memref<3x128x128xf32, #tpu.memory_space<vmem>>, vector<1x1x16xf32>,
      %parallel_loop3A_578 = vector.shape_cast %parallel_loop3A_577 : vector<1x1x16xf32> to vector<16xf32>
      %parallel_loop3A_579 = vector.shape_cast %parallel_loop3A_572 : vector<16xf32> to vector<1x1x16xf32>
      tpu.vector_store %arg8[%parallel_loop3A_574, %parallel_loop3A_575, %parallel_loop3A_576], %parallel_loop3A_579 {strides = array<i32>} : memref<3x128x128xf32, #tpu.memory_space<vmem>>, vector<1x1x16xf32>,
      %parallel_loop3A_580 = arith.mulf %parallel_loop3A_570, %parallel_loop3A_503 : vector<16xf32>
      %parallel_loop3A_581 = arith.subf %parallel_loop3A_455, %parallel_loop3A_580 : vector<16xf32>
      %parallel_loop3A_582 = arith.constant 2 : i32
      %parallel_loop3A_583 = arith.index_cast %parallel_loop3A_582 : i32 to index
      %parallel_loop3A_584 = arith.index_cast %parallel_loop3A_443 : i32 to index
      %parallel_loop3A_585 = arith.constant 16 : index
      %parallel_loop3A_586 = tpu.vector_load %arg8[%parallel_loop3A_583, %parallel_loop3A_584, %parallel_loop3A_585] {strides = array<i32>} : memref<3x128x128xf32, #tpu.memory_space<vmem>>, vector<1x1x16xf32>,
      %parallel_loop3A_587 = vector.shape_cast %parallel_loop3A_586 : vector<1x1x16xf32> to vector<16xf32>
      %parallel_loop3A_588 = vector.shape_cast %parallel_loop3A_581 : vector<16xf32> to vector<1x1x16xf32>
      tpu.vector_store %arg8[%parallel_loop3A_583, %parallel_loop3A_584, %parallel_loop3A_585], %parallel_loop3A_588 {strides = array<i32>} : memref<3x128x128xf32, #tpu.memory_space<vmem>>, vector<1x1x16xf32>,
      %parallel_loop3A_589 = arith.mulf %parallel_loop3A_570, %parallel_loop3A_509 : vector<16xf32>
      %parallel_loop3A_590 = arith.subf %parallel_loop3A_461, %parallel_loop3A_589 : vector<16xf32>
      %parallel_loop3A_591 = arith.constant 2 : i32
      %parallel_loop3A_592 = arith.index_cast %parallel_loop3A_591 : i32 to index
      %parallel_loop3A_593 = arith.index_cast %parallel_loop3A_443 : i32 to index
      %parallel_loop3A_594 = arith.constant 32 : index
      %parallel_loop3A_595 = tpu.vector_load %arg8[%parallel_loop3A_592, %parallel_loop3A_593, %parallel_loop3A_594] {strides = array<i32>} : memref<3x128x128xf32, #tpu.memory_space<vmem>>, vector<1x1x16xf32>,
      %parallel_loop3A_596 = vector.shape_cast %parallel_loop3A_595 : vector<1x1x16xf32> to vector<16xf32>
      %parallel_loop3A_597 = vector.shape_cast %parallel_loop3A_590 : vector<16xf32> to vector<1x1x16xf32>
      tpu.vector_store %arg8[%parallel_loop3A_592, %parallel_loop3A_593, %parallel_loop3A_594], %parallel_loop3A_597 {strides = array<i32>} : memref<3x128x128xf32, #tpu.memory_space<vmem>>, vector<1x1x16xf32>,
      %parallel_loop3A_598 = arith.mulf %parallel_loop3A_570, %parallel_loop3A_515 : vector<16xf32>
      %parallel_loop3A_599 = arith.subf %parallel_loop3A_467, %parallel_loop3A_598 : vector<16xf32>
      %parallel_loop3A_600 = arith.constant 2 : i32
      %parallel_loop3A_601 = arith.index_cast %parallel_loop3A_600 : i32 to index
      %parallel_loop3A_602 = arith.index_cast %parallel_loop3A_443 : i32 to index
      %parallel_loop3A_603 = arith.constant 48 : index
      %parallel_loop3A_604 = tpu.vector_load %arg8[%parallel_loop3A_601, %parallel_loop3A_602, %parallel_loop3A_603] {strides = array<i32>} : memref<3x128x128xf32, #tpu.memory_space<vmem>>, vector<1x1x16xf32>,
      %parallel_loop3A_605 = vector.shape_cast %parallel_loop3A_604 : vector<1x1x16xf32> to vector<16xf32>
      %parallel_loop3A_606 = vector.shape_cast %parallel_loop3A_599 : vector<16xf32> to vector<1x1x16xf32>
      tpu.vector_store %arg8[%parallel_loop3A_601, %parallel_loop3A_602, %parallel_loop3A_603], %parallel_loop3A_606 {strides = array<i32>} : memref<3x128x128xf32, #tpu.memory_space<vmem>>, vector<1x1x16xf32>,
      %parallel_loop3A_607 = arith.mulf %parallel_loop3A_570, %parallel_loop3A_521 : vector<16xf32>
      %parallel_loop3A_608 = arith.subf %parallel_loop3A_473, %parallel_loop3A_607 : vector<16xf32>
      %parallel_loop3A_609 = arith.constant 2 : i32
      %parallel_loop3A_610 = arith.index_cast %parallel_loop3A_609 : i32 to index
      %parallel_loop3A_611 = arith.index_cast %parallel_loop3A_443 : i32 to index
      %parallel_loop3A_612 = arith.constant 64 : index
      %parallel_loop3A_613 = tpu.vector_load %arg8[%parallel_loop3A_610, %parallel_loop3A_611, %parallel_loop3A_612] {strides = array<i32>} : memref<3x128x128xf32, #tpu.memory_space<vmem>>, vector<1x1x16xf32>,
      %parallel_loop3A_614 = vector.shape_cast %parallel_loop3A_613 : vector<1x1x16xf32> to vector<16xf32>
      %parallel_loop3A_615 = vector.shape_cast %parallel_loop3A_608 : vector<16xf32> to vector<1x1x16xf32>
      tpu.vector_store %arg8[%parallel_loop3A_610, %parallel_loop3A_611, %parallel_loop3A_612], %parallel_loop3A_615 {strides = array<i32>} : memref<3x128x128xf32, #tpu.memory_space<vmem>>, vector<1x1x16xf32>,
      %parallel_loop3A_616 = arith.mulf %parallel_loop3A_570, %parallel_loop3A_527 : vector<16xf32>
      %parallel_loop3A_617 = arith.subf %parallel_loop3A_479, %parallel_loop3A_616 : vector<16xf32>
      %parallel_loop3A_618 = arith.constant 2 : i32
      %parallel_loop3A_619 = arith.index_cast %parallel_loop3A_618 : i32 to index
      %parallel_loop3A_620 = arith.index_cast %parallel_loop3A_443 : i32 to index
      %parallel_loop3A_621 = arith.constant 80 : index
      %parallel_loop3A_622 = tpu.vector_load %arg8[%parallel_loop3A_619, %parallel_loop3A_620, %parallel_loop3A_621] {strides = array<i32>} : memref<3x128x128xf32, #tpu.memory_space<vmem>>, vector<1x1x16xf32>,
      %parallel_loop3A_623 = vector.shape_cast %parallel_loop3A_622 : vector<1x1x16xf32> to vector<16xf32>
      %parallel_loop3A_624 = vector.shape_cast %parallel_loop3A_617 : vector<16xf32> to vector<1x1x16xf32>
      tpu.vector_store %arg8[%parallel_loop3A_619, %parallel_loop3A_620, %parallel_loop3A_621], %parallel_loop3A_624 {strides = array<i32>} : memref<3x128x128xf32, #tpu.memory_space<vmem>>, vector<1x1x16xf32>,
      %parallel_loop3A_625 = arith.mulf %parallel_loop3A_570, %parallel_loop3A_533 : vector<16xf32>
      %parallel_loop3A_626 = arith.subf %parallel_loop3A_485, %parallel_loop3A_625 : vector<16xf32>
      %parallel_loop3A_627 = arith.constant 2 : i32
      %parallel_loop3A_628 = arith.index_cast %parallel_loop3A_627 : i32 to index
      %parallel_loop3A_629 = arith.index_cast %parallel_loop3A_443 : i32 to index
      %parallel_loop3A_630 = arith.constant 96 : index
      %parallel_loop3A_631 = tpu.vector_load %arg8[%parallel_loop3A_628, %parallel_loop3A_629, %parallel_loop3A_630] {strides = array<i32>} : memref<3x128x128xf32, #tpu.memory_space<vmem>>, vector<1x1x16xf32>,
      %parallel_loop3A_632 = vector.shape_cast %parallel_loop3A_631 : vector<1x1x16xf32> to vector<16xf32>
      %parallel_loop3A_633 = vector.shape_cast %parallel_loop3A_626 : vector<16xf32> to vector<1x1x16xf32>
      tpu.vector_store %arg8[%parallel_loop3A_628, %parallel_loop3A_629, %parallel_loop3A_630], %parallel_loop3A_633 {strides = array<i32>} : memref<3x128x128xf32, #tpu.memory_space<vmem>>, vector<1x1x16xf32>,
      %parallel_loop3A_634 = arith.mulf %parallel_loop3A_570, %parallel_loop3A_539 : vector<16xf32>
      %parallel_loop3A_635 = arith.subf %parallel_loop3A_491, %parallel_loop3A_634 : vector<16xf32>
      %parallel_loop3A_636 = arith.constant 2 : i32
      %parallel_loop3A_637 = arith.index_cast %parallel_loop3A_636 : i32 to index
      %parallel_loop3A_638 = arith.index_cast %parallel_loop3A_443 : i32 to index
      %parallel_loop3A_639 = arith.constant 112 : index
      %parallel_loop3A_640 = tpu.vector_load %arg8[%parallel_loop3A_637, %parallel_loop3A_638, %parallel_loop3A_639] {strides = array<i32>} : memref<3x128x128xf32, #tpu.memory_space<vmem>>, vector<1x1x16xf32>,
      %parallel_loop3A_641 = vector.shape_cast %parallel_loop3A_640 : vector<1x1x16xf32> to vector<16xf32>
      %parallel_loop3A_642 = vector.shape_cast %parallel_loop3A_635 : vector<16xf32> to vector<1x1x16xf32>
      tpu.vector_store %arg8[%parallel_loop3A_637, %parallel_loop3A_638, %parallel_loop3A_639], %parallel_loop3A_642 {strides = array<i32>} : memref<3x128x128xf32, #tpu.memory_space<vmem>>, vector<1x1x16xf32>,
    } {sc.loop_unroll_factor = 4 : i64, sc.parallel_access}
    %dma_start3A_298 = arith.constant 2 : i32
    %dma_start3A_299 = arith.constant 0 : i32
    %dma_start3A_300 = arith.constant 0 : i32
    %dma_start3A_301 = tpu.memref_slice %arg8[%dma_start3A_298, %dma_start3A_299, %dma_start3A_300] : memref<3x128x128xf32, #tpu.memory_space<vmem>> -> memref<1x128x128xf32, #tpu.memory_space<vmem>>
    %dma_start3A_302 = tpu.memref_squeeze %dma_start3A_301 : memref<1x128x128xf32, #tpu.memory_space<vmem>> -> memref<128x128xf32, #tpu.memory_space<vmem>>
    %dma_start3A_303 = arith.constant 0 : i32
    %dma_start3A_304 = tpu.memref_slice %arg5[%add3A_281, %dma_start3A_303] : memref<16384x128xf32, #tpu.memory_space<hbm>> -> memref<128x128xf32, #tpu.memory_space<hbm>>
    %dma_start3A_305 = arith.constant 0 : i32
    %dma_start3A_306 = tpu.memref_slice %arg5[%add3A_281, %dma_start3A_305] : memref<16384x128xf32, #tpu.memory_space<hbm>> -> memref<128x128xf32, #tpu.memory_space<hbm>>
    %dma_start3A_307 = arith.constant 0 : i32
    %dma_start3A_308 = arith.constant 0 : i32
    %dma_start3A_309 = tpu.memref_slice %arg8[%dma_start3A_298, %dma_start3A_307, %dma_start3A_308] : memref<3x128x128xf32, #tpu.memory_space<vmem>> -> memref<1x128x128xf32, #tpu.memory_space<vmem>>
    %dma_start3A_310 = tpu.memref_squeeze %dma_start3A_309 : memref<1x128x128xf32, #tpu.memory_space<vmem>> -> memref<128x128xf32, #tpu.memory_space<vmem>>
    tpu.enqueue_dma source(%dma_start3A_310 : memref<128x128xf32, #tpu.memory_space<vmem>>) target(%dma_start3A_306 : memref<128x128xf32, #tpu.memory_space<hbm>>) target_semaphore(%arg18 : memref<!tpu.dma_semaphore, #tpu.memory_space<semaphore_mem>>)
    %dma_wait3A_311 = arith.constant 0 : i32
    %dma_wait3A_312 = arith.constant 0 : i32
    %dma_wait3A_313 = arith.constant 0 : i32
    %dma_wait3A_314 = tpu.memref_slice %arg8[%dma_wait3A_311, %dma_wait3A_312, %dma_wait3A_313] : memref<3x128x128xf32, #tpu.memory_space<vmem>> -> memref<1x128x128xf32, #tpu.memory_space<vmem>>
    %dma_wait3A_315 = tpu.memref_squeeze %dma_wait3A_314 : memref<1x128x128xf32, #tpu.memory_space<vmem>> -> memref<128x128xf32, #tpu.memory_space<vmem>>
    %dma_wait3A_316 = arith.constant 0 : i32
    %dma_wait3A_317 = tpu.memref_slice %arg2[%add3A_179, %dma_wait3A_316] : memref<16384x128xf32, #tpu.memory_space<hbm>> -> memref<128x128xf32, #tpu.memory_space<hbm>>
    %dma_wait3A_318 = arith.constant 0 : i32
    %dma_wait3A_319 = arith.constant 0 : i32
    %dma_wait3A_320 = tpu.memref_slice %arg8[%dma_wait3A_311, %dma_wait3A_318, %dma_wait3A_319] : memref<3x128x128xf32, #tpu.memory_space<vmem>> -> memref<1x128x128xf32, #tpu.memory_space<vmem>>
    %dma_wait3A_321 = tpu.memref_squeeze %dma_wait3A_320 : memref<1x128x128xf32, #tpu.memory_space<vmem>> -> memref<128x128xf32, #tpu.memory_space<vmem>>
    %dma_wait3A_322 = arith.constant 0 : i32
    %dma_wait3A_323 = tpu.memref_slice %arg2[%add3A_179, %dma_wait3A_322] : memref<16384x128xf32, #tpu.memory_space<hbm>> -> memref<128x128xf32, #tpu.memory_space<hbm>>
    tpu.wait_dma2 semaphore(%arg13 : memref<!tpu.dma_semaphore, #tpu.memory_space<semaphore_mem>>) src(%dma_wait3A_323 : memref<128x128xf32, #tpu.memory_space<hbm>>) dst(%dma_wait3A_321 : memref<128x128xf32, #tpu.memory_space<vmem>>)
    %dma_wait3A_324 = arith.constant 0 : i32
    %dma_wait3A_325 = arith.constant 0 : i32
    %dma_wait3A_326 = arith.constant 0 : i32
    %dma_wait3A_327 = tpu.memref_slice %arg9[%dma_wait3A_324, %dma_wait3A_325, %dma_wait3A_326] : memref<3x128x128xf32, #tpu.memory_space<vmem>> -> memref<1x128x128xf32, #tpu.memory_space<vmem>>
    %dma_wait3A_328 = tpu.memref_squeeze %dma_wait3A_327 : memref<1x128x128xf32, #tpu.memory_space<vmem>> -> memref<128x128xf32, #tpu.memory_space<vmem>>
    %dma_wait3A_329 = arith.constant 384 : i32
    %dma_wait3A_330 = tpu.memref_slice %arg7[%dma_wait3A_329] : memref<512xi32, #tpu.memory_space<vmem>> -> memref<128xi32, #tpu.memory_space<vmem>>
    %dma_wait3A_331 = arith.constant 0 : i32
    %dma_wait3A_332 = arith.constant 0 : i32
    %dma_wait3A_333 = tpu.memref_slice %arg4[%dma_wait3A_331, %dma_wait3A_332] : memref<1000x128xf32, #tpu.memory_space<hbm>> -> memref<1000x128xf32, #tpu.memory_space<hbm>>
    tpu.wait_indirect_dma semaphore(%arg10 : memref<!tpu.dma_semaphore, #tpu.memory_space<semaphore_mem>>) src(%dma_wait3A_333 : memref<1000x128xf32, #tpu.memory_space<hbm>>) dst(%dma_wait3A_328 : memref<128x128xf32, #tpu.memory_space<vmem>>)
    %add3A_334 = arith.constant 384 : i32
    %add3A_335 = arith.addi %mul3A_2, %add3A_334 : i32
    %dma_start3A_336 = arith.constant 0 : i32
    %dma_start3A_337 = arith.constant 0 : i32
    %dma_start3A_338 = arith.constant 0 : i32
    %dma_start3A_339 = tpu.memref_slice %arg9[%dma_start3A_336, %dma_start3A_337, %dma_start3A_338] : memref<3x128x128xf32, #tpu.memory_space<vmem>> -> memref<1x128x128xf32, #tpu.memory_space<vmem>>
    %dma_start3A_340 = tpu.memref_squeeze %dma_start3A_339 : memref<1x128x128xf32, #tpu.memory_space<vmem>> -> memref<128x128xf32, #tpu.memory_space<vmem>>
    %dma_start3A_341 = arith.constant 0 : i32
    %dma_start3A_342 = tpu.memref_slice %arg6[%add3A_335, %dma_start3A_341] : memref<16384x128xf32, #tpu.memory_space<hbm>> -> memref<128x128xf32, #tpu.memory_space<hbm>>
    %dma_start3A_343 = arith.constant 0 : i32
    %dma_start3A_344 = tpu.memref_slice %arg6[%add3A_335, %dma_start3A_343] : memref<16384x128xf32, #tpu.memory_space<hbm>> -> memref<128x128xf32, #tpu.memory_space<hbm>>
    %dma_start3A_345 = arith.constant 0 : i32
    %dma_start3A_346 = arith.constant 0 : i32
    %dma_start3A_347 = tpu.memref_slice %arg9[%dma_start3A_336, %dma_start3A_345, %dma_start3A_346] : memref<3x128x128xf32, #tpu.memory_space<vmem>> -> memref<1x128x128xf32, #tpu.memory_space<vmem>>
    %dma_start3A_348 = tpu.memref_squeeze %dma_start3A_347 : memref<1x128x128xf32, #tpu.memory_space<vmem>> -> memref<128x128xf32, #tpu.memory_space<vmem>>
    tpu.enqueue_dma source(%dma_start3A_348 : memref<128x128xf32, #tpu.memory_space<vmem>>) target(%dma_start3A_344 : memref<128x128xf32, #tpu.memory_space<hbm>>) target_semaphore(%arg19 : memref<!tpu.dma_semaphore, #tpu.memory_space<semaphore_mem>>)
    %parallel_loop3A_349 = arith.constant 0 : i32
    %parallel_loop3A_350 = arith.constant 128 : i32
    %parallel_loop3A_351 = arith.constant 1 : i32
    scf.for %parallel_loop3A_443 = %parallel_loop3A_349 to %parallel_loop3A_350 step %parallel_loop3A_351  : i32 {
      %parallel_loop3A_444 = arith.constant 0 : i32
      %parallel_loop3A_445 = arith.index_cast %parallel_loop3A_444 : i32 to index
      %parallel_loop3A_446 = arith.index_cast %parallel_loop3A_443 : i32 to index
      %parallel_loop3A_447 = arith.constant 0 : index
      %parallel_loop3A_448 = tpu.vector_load %arg8[%parallel_loop3A_445, %parallel_loop3A_446, %parallel_loop3A_447] {strides = array<i32>} : memref<3x128x128xf32, #tpu.memory_space<vmem>>, vector<1x1x16xf32>,
      %parallel_loop3A_449 = vector.shape_cast %parallel_loop3A_448 : vector<1x1x16xf32> to vector<16xf32>
      %parallel_loop3A_450 = arith.constant 0 : i32
      %parallel_loop3A_451 = arith.index_cast %parallel_loop3A_450 : i32 to index
      %parallel_loop3A_452 = arith.index_cast %parallel_loop3A_443 : i32 to index
      %parallel_loop3A_453 = arith.constant 16 : index
      %parallel_loop3A_454 = tpu.vector_load %arg8[%parallel_loop3A_451, %parallel_loop3A_452, %parallel_loop3A_453] {strides = array<i32>} : memref<3x128x128xf32, #tpu.memory_space<vmem>>, vector<1x1x16xf32>,
      %parallel_loop3A_455 = vector.shape_cast %parallel_loop3A_454 : vector<1x1x16xf32> to vector<16xf32>
      %parallel_loop3A_456 = arith.constant 0 : i32
      %parallel_loop3A_457 = arith.index_cast %parallel_loop3A_456 : i32 to index
      %parallel_loop3A_458 = arith.index_cast %parallel_loop3A_443 : i32 to index
      %parallel_loop3A_459 = arith.constant 32 : index
      %parallel_loop3A_460 = tpu.vector_load %arg8[%parallel_loop3A_457, %parallel_loop3A_458, %parallel_loop3A_459] {strides = array<i32>} : memref<3x128x128xf32, #tpu.memory_space<vmem>>, vector<1x1x16xf32>,
      %parallel_loop3A_461 = vector.shape_cast %parallel_loop3A_460 : vector<1x1x16xf32> to vector<16xf32>
      %parallel_loop3A_462 = arith.constant 0 : i32
      %parallel_loop3A_463 = arith.index_cast %parallel_loop3A_462 : i32 to index
      %parallel_loop3A_464 = arith.index_cast %parallel_loop3A_443 : i32 to index
      %parallel_loop3A_465 = arith.constant 48 : index
      %parallel_loop3A_466 = tpu.vector_load %arg8[%parallel_loop3A_463, %parallel_loop3A_464, %parallel_loop3A_465] {strides = array<i32>} : memref<3x128x128xf32, #tpu.memory_space<vmem>>, vector<1x1x16xf32>,
      %parallel_loop3A_467 = vector.shape_cast %parallel_loop3A_466 : vector<1x1x16xf32> to vector<16xf32>
      %parallel_loop3A_468 = arith.constant 0 : i32
      %parallel_loop3A_469 = arith.index_cast %parallel_loop3A_468 : i32 to index
      %parallel_loop3A_470 = arith.index_cast %parallel_loop3A_443 : i32 to index
      %parallel_loop3A_471 = arith.constant 64 : index
      %parallel_loop3A_472 = tpu.vector_load %arg8[%parallel_loop3A_469, %parallel_loop3A_470, %parallel_loop3A_471] {strides = array<i32>} : memref<3x128x128xf32, #tpu.memory_space<vmem>>, vector<1x1x16xf32>,
      %parallel_loop3A_473 = vector.shape_cast %parallel_loop3A_472 : vector<1x1x16xf32> to vector<16xf32>
      %parallel_loop3A_474 = arith.constant 0 : i32
      %parallel_loop3A_475 = arith.index_cast %parallel_loop3A_474 : i32 to index
      %parallel_loop3A_476 = arith.index_cast %parallel_loop3A_443 : i32 to index
      %parallel_loop3A_477 = arith.constant 80 : index
      %parallel_loop3A_478 = tpu.vector_load %arg8[%parallel_loop3A_475, %parallel_loop3A_476, %parallel_loop3A_477] {strides = array<i32>} : memref<3x128x128xf32, #tpu.memory_space<vmem>>, vector<1x1x16xf32>,
      %parallel_loop3A_479 = vector.shape_cast %parallel_loop3A_478 : vector<1x1x16xf32> to vector<16xf32>
      %parallel_loop3A_480 = arith.constant 0 : i32
      %parallel_loop3A_481 = arith.index_cast %parallel_loop3A_480 : i32 to index
      %parallel_loop3A_482 = arith.index_cast %parallel_loop3A_443 : i32 to index
      %parallel_loop3A_483 = arith.constant 96 : index
      %parallel_loop3A_484 = tpu.vector_load %arg8[%parallel_loop3A_481, %parallel_loop3A_482, %parallel_loop3A_483] {strides = array<i32>} : memref<3x128x128xf32, #tpu.memory_space<vmem>>, vector<1x1x16xf32>,
      %parallel_loop3A_485 = vector.shape_cast %parallel_loop3A_484 : vector<1x1x16xf32> to vector<16xf32>
      %parallel_loop3A_486 = arith.constant 0 : i32
      %parallel_loop3A_487 = arith.index_cast %parallel_loop3A_486 : i32 to index
      %parallel_loop3A_488 = arith.index_cast %parallel_loop3A_443 : i32 to index
      %parallel_loop3A_489 = arith.constant 112 : index
      %parallel_loop3A_490 = tpu.vector_load %arg8[%parallel_loop3A_487, %parallel_loop3A_488, %parallel_loop3A_489] {strides = array<i32>} : memref<3x128x128xf32, #tpu.memory_space<vmem>>, vector<1x1x16xf32>,
      %parallel_loop3A_491 = vector.shape_cast %parallel_loop3A_490 : vector<1x1x16xf32> to vector<16xf32>
      %parallel_loop3A_492 = arith.constant 0 : i32
      %parallel_loop3A_493 = arith.index_cast %parallel_loop3A_492 : i32 to index
      %parallel_loop3A_494 = arith.index_cast %parallel_loop3A_443 : i32 to index
      %parallel_loop3A_495 = arith.constant 0 : index
      %parallel_loop3A_496 = tpu.vector_load %arg9[%parallel_loop3A_493, %parallel_loop3A_494, %parallel_loop3A_495] {strides = array<i32>} : memref<3x128x128xf32, #tpu.memory_space<vmem>>, vector<1x1x16xf32>,
      %parallel_loop3A_497 = vector.shape_cast %parallel_loop3A_496 : vector<1x1x16xf32> to vector<16xf32>
      %parallel_loop3A_498 = arith.constant 0 : i32
      %parallel_loop3A_499 = arith.index_cast %parallel_loop3A_498 : i32 to index
      %parallel_loop3A_500 = arith.index_cast %parallel_loop3A_443 : i32 to index
      %parallel_loop3A_501 = arith.constant 16 : index
      %parallel_loop3A_502 = tpu.vector_load %arg9[%parallel_loop3A_499, %parallel_loop3A_500, %parallel_loop3A_501] {strides = array<i32>} : memref<3x128x128xf32, #tpu.memory_space<vmem>>, vector<1x1x16xf32>,
      %parallel_loop3A_503 = vector.shape_cast %parallel_loop3A_502 : vector<1x1x16xf32> to vector<16xf32>
      %parallel_loop3A_504 = arith.constant 0 : i32
      %parallel_loop3A_505 = arith.index_cast %parallel_loop3A_504 : i32 to index
      %parallel_loop3A_506 = arith.index_cast %parallel_loop3A_443 : i32 to index
      %parallel_loop3A_507 = arith.constant 32 : index
      %parallel_loop3A_508 = tpu.vector_load %arg9[%parallel_loop3A_505, %parallel_loop3A_506, %parallel_loop3A_507] {strides = array<i32>} : memref<3x128x128xf32, #tpu.memory_space<vmem>>, vector<1x1x16xf32>,
      %parallel_loop3A_509 = vector.shape_cast %parallel_loop3A_508 : vector<1x1x16xf32> to vector<16xf32>
      %parallel_loop3A_510 = arith.constant 0 : i32
      %parallel_loop3A_511 = arith.index_cast %parallel_loop3A_510 : i32 to index
      %parallel_loop3A_512 = arith.index_cast %parallel_loop3A_443 : i32 to index
      %parallel_loop3A_513 = arith.constant 48 : index
      %parallel_loop3A_514 = tpu.vector_load %arg9[%parallel_loop3A_511, %parallel_loop3A_512, %parallel_loop3A_513] {strides = array<i32>} : memref<3x128x128xf32, #tpu.memory_space<vmem>>, vector<1x1x16xf32>,
      %parallel_loop3A_515 = vector.shape_cast %parallel_loop3A_514 : vector<1x1x16xf32> to vector<16xf32>
      %parallel_loop3A_516 = arith.constant 0 : i32
      %parallel_loop3A_517 = arith.index_cast %parallel_loop3A_516 : i32 to index
      %parallel_loop3A_518 = arith.index_cast %parallel_loop3A_443 : i32 to index
      %parallel_loop3A_519 = arith.constant 64 : index
      %parallel_loop3A_520 = tpu.vector_load %arg9[%parallel_loop3A_517, %parallel_loop3A_518, %parallel_loop3A_519] {strides = array<i32>} : memref<3x128x128xf32, #tpu.memory_space<vmem>>, vector<1x1x16xf32>,
      %parallel_loop3A_521 = vector.shape_cast %parallel_loop3A_520 : vector<1x1x16xf32> to vector<16xf32>
      %parallel_loop3A_522 = arith.constant 0 : i32
      %parallel_loop3A_523 = arith.index_cast %parallel_loop3A_522 : i32 to index
      %parallel_loop3A_524 = arith.index_cast %parallel_loop3A_443 : i32 to index
      %parallel_loop3A_525 = arith.constant 80 : index
      %parallel_loop3A_526 = tpu.vector_load %arg9[%parallel_loop3A_523, %parallel_loop3A_524, %parallel_loop3A_525] {strides = array<i32>} : memref<3x128x128xf32, #tpu.memory_space<vmem>>, vector<1x1x16xf32>,
      %parallel_loop3A_527 = vector.shape_cast %parallel_loop3A_526 : vector<1x1x16xf32> to vector<16xf32>
      %parallel_loop3A_528 = arith.constant 0 : i32
      %parallel_loop3A_529 = arith.index_cast %parallel_loop3A_528 : i32 to index
      %parallel_loop3A_530 = arith.index_cast %parallel_loop3A_443 : i32 to index
      %parallel_loop3A_531 = arith.constant 96 : index
      %parallel_loop3A_532 = tpu.vector_load %arg9[%parallel_loop3A_529, %parallel_loop3A_530, %parallel_loop3A_531] {strides = array<i32>} : memref<3x128x128xf32, #tpu.memory_space<vmem>>, vector<1x1x16xf32>,
      %parallel_loop3A_533 = vector.shape_cast %parallel_loop3A_532 : vector<1x1x16xf32> to vector<16xf32>
      %parallel_loop3A_534 = arith.constant 0 : i32
      %parallel_loop3A_535 = arith.index_cast %parallel_loop3A_534 : i32 to index
      %parallel_loop3A_536 = arith.index_cast %parallel_loop3A_443 : i32 to index
      %parallel_loop3A_537 = arith.constant 112 : index
      %parallel_loop3A_538 = tpu.vector_load %arg9[%parallel_loop3A_535, %parallel_loop3A_536, %parallel_loop3A_537] {strides = array<i32>} : memref<3x128x128xf32, #tpu.memory_space<vmem>>, vector<1x1x16xf32>,
      %parallel_loop3A_539 = vector.shape_cast %parallel_loop3A_538 : vector<1x1x16xf32> to vector<16xf32>
      %parallel_loop3A_540 = arith.mulf %parallel_loop3A_449, %parallel_loop3A_497 : vector<16xf32>
      %parallel_loop3A_541 = arith.mulf %parallel_loop3A_455, %parallel_loop3A_503 : vector<16xf32>
      %parallel_loop3A_542 = arith.addf %parallel_loop3A_540, %parallel_loop3A_541 : vector<16xf32>
      %parallel_loop3A_543 = arith.mulf %parallel_loop3A_461, %parallel_loop3A_509 : vector<16xf32>
      %parallel_loop3A_544 = arith.addf %parallel_loop3A_542, %parallel_loop3A_543 : vector<16xf32>
      %parallel_loop3A_545 = arith.mulf %parallel_loop3A_467, %parallel_loop3A_515 : vector<16xf32>
      %parallel_loop3A_546 = arith.addf %parallel_loop3A_544, %parallel_loop3A_545 : vector<16xf32>
      %parallel_loop3A_547 = arith.mulf %parallel_loop3A_473, %parallel_loop3A_521 : vector<16xf32>
      %parallel_loop3A_548 = arith.addf %parallel_loop3A_546, %parallel_loop3A_547 : vector<16xf32>
      %parallel_loop3A_549 = arith.mulf %parallel_loop3A_479, %parallel_loop3A_527 : vector<16xf32>
      %parallel_loop3A_550 = arith.addf %parallel_loop3A_548, %parallel_loop3A_549 : vector<16xf32>
      %parallel_loop3A_551 = arith.mulf %parallel_loop3A_485, %parallel_loop3A_533 : vector<16xf32>
      %parallel_loop3A_552 = arith.addf %parallel_loop3A_550, %parallel_loop3A_551 : vector<16xf32>
      %parallel_loop3A_553 = arith.mulf %parallel_loop3A_491, %parallel_loop3A_539 : vector<16xf32>
      %parallel_loop3A_554 = arith.addf %parallel_loop3A_552, %parallel_loop3A_553 : vector<16xf32>
      %parallel_loop3A_555 = vector.shape_cast %and3A_7 : vector<16xi32> to vector<16x1xi32>
      %parallel_loop3A_556 = vector.shape_cast %parallel_loop3A_555 : vector<16x1xi32> to vector<16xi32>
      %parallel_loop3A_557 = tpu.dynamic_gather %parallel_loop3A_554[%parallel_loop3A_556] in [0] : vector<16xf32>, vector<16xi32> -> vector<16xf32>
      %parallel_loop3A_558 = arith.addf %parallel_loop3A_554, %parallel_loop3A_557 : vector<16xf32>
      %parallel_loop3A_559 = vector.shape_cast %and3A_13 : vector<16xi32> to vector<16x1xi32>
      %parallel_loop3A_560 = vector.shape_cast %parallel_loop3A_559 : vector<16x1xi32> to vector<16xi32>
      %parallel_loop3A_561 = tpu.dynamic_gather %parallel_loop3A_558[%parallel_loop3A_560] in [0] : vector<16xf32>, vector<16xi32> -> vector<16xf32>
      %parallel_loop3A_562 = arith.addf %parallel_loop3A_558, %parallel_loop3A_561 : vector<16xf32>
      %parallel_loop3A_563 = vector.shape_cast %and3A_19 : vector<16xi32> to vector<16x1xi32>
      %parallel_loop3A_564 = vector.shape_cast %parallel_loop3A_563 : vector<16x1xi32> to vector<16xi32>
      %parallel_loop3A_565 = tpu.dynamic_gather %parallel_loop3A_562[%parallel_loop3A_564] in [0] : vector<16xf32>, vector<16xi32> -> vector<16xf32>
      %parallel_loop3A_566 = arith.addf %parallel_loop3A_562, %parallel_loop3A_565 : vector<16xf32>
      %parallel_loop3A_567 = vector.shape_cast %and3A_25 : vector<16xi32> to vector<16x1xi32>
      %parallel_loop3A_568 = vector.shape_cast %parallel_loop3A_567 : vector<16x1xi32> to vector<16xi32>
      %parallel_loop3A_569 = tpu.dynamic_gather %parallel_loop3A_566[%parallel_loop3A_568] in [0] : vector<16xf32>, vector<16xi32> -> vector<16xf32>
      %parallel_loop3A_570 = arith.addf %parallel_loop3A_566, %parallel_loop3A_569 : vector<16xf32>
      %parallel_loop3A_571 = arith.mulf %parallel_loop3A_570, %parallel_loop3A_497 : vector<16xf32>
      %parallel_loop3A_572 = arith.subf %parallel_loop3A_449, %parallel_loop3A_571 : vector<16xf32>
      %parallel_loop3A_573 = arith.constant 0 : i32
      %parallel_loop3A_574 = arith.index_cast %parallel_loop3A_573 : i32 to index
      %parallel_loop3A_575 = arith.index_cast %parallel_loop3A_443 : i32 to index
      %parallel_loop3A_576 = arith.constant 0 : index
      %parallel_loop3A_577 = tpu.vector_load %arg8[%parallel_loop3A_574, %parallel_loop3A_575, %parallel_loop3A_576] {strides = array<i32>} : memref<3x128x128xf32, #tpu.memory_space<vmem>>, vector<1x1x16xf32>,
      %parallel_loop3A_578 = vector.shape_cast %parallel_loop3A_577 : vector<1x1x16xf32> to vector<16xf32>
      %parallel_loop3A_579 = vector.shape_cast %parallel_loop3A_572 : vector<16xf32> to vector<1x1x16xf32>
      tpu.vector_store %arg8[%parallel_loop3A_574, %parallel_loop3A_575, %parallel_loop3A_576], %parallel_loop3A_579 {strides = array<i32>} : memref<3x128x128xf32, #tpu.memory_space<vmem>>, vector<1x1x16xf32>,
      %parallel_loop3A_580 = arith.mulf %parallel_loop3A_570, %parallel_loop3A_503 : vector<16xf32>
      %parallel_loop3A_581 = arith.subf %parallel_loop3A_455, %parallel_loop3A_580 : vector<16xf32>
      %parallel_loop3A_582 = arith.constant 0 : i32
      %parallel_loop3A_583 = arith.index_cast %parallel_loop3A_582 : i32 to index
      %parallel_loop3A_584 = arith.index_cast %parallel_loop3A_443 : i32 to index
      %parallel_loop3A_585 = arith.constant 16 : index
      %parallel_loop3A_586 = tpu.vector_load %arg8[%parallel_loop3A_583, %parallel_loop3A_584, %parallel_loop3A_585] {strides = array<i32>} : memref<3x128x128xf32, #tpu.memory_space<vmem>>, vector<1x1x16xf32>,
      %parallel_loop3A_587 = vector.shape_cast %parallel_loop3A_586 : vector<1x1x16xf32> to vector<16xf32>
      %parallel_loop3A_588 = vector.shape_cast %parallel_loop3A_581 : vector<16xf32> to vector<1x1x16xf32>
      tpu.vector_store %arg8[%parallel_loop3A_583, %parallel_loop3A_584, %parallel_loop3A_585], %parallel_loop3A_588 {strides = array<i32>} : memref<3x128x128xf32, #tpu.memory_space<vmem>>, vector<1x1x16xf32>,
      %parallel_loop3A_589 = arith.mulf %parallel_loop3A_570, %parallel_loop3A_509 : vector<16xf32>
      %parallel_loop3A_590 = arith.subf %parallel_loop3A_461, %parallel_loop3A_589 : vector<16xf32>
      %parallel_loop3A_591 = arith.constant 0 : i32
      %parallel_loop3A_592 = arith.index_cast %parallel_loop3A_591 : i32 to index
      %parallel_loop3A_593 = arith.index_cast %parallel_loop3A_443 : i32 to index
      %parallel_loop3A_594 = arith.constant 32 : index
      %parallel_loop3A_595 = tpu.vector_load %arg8[%parallel_loop3A_592, %parallel_loop3A_593, %parallel_loop3A_594] {strides = array<i32>} : memref<3x128x128xf32, #tpu.memory_space<vmem>>, vector<1x1x16xf32>,
      %parallel_loop3A_596 = vector.shape_cast %parallel_loop3A_595 : vector<1x1x16xf32> to vector<16xf32>
      %parallel_loop3A_597 = vector.shape_cast %parallel_loop3A_590 : vector<16xf32> to vector<1x1x16xf32>
      tpu.vector_store %arg8[%parallel_loop3A_592, %parallel_loop3A_593, %parallel_loop3A_594], %parallel_loop3A_597 {strides = array<i32>} : memref<3x128x128xf32, #tpu.memory_space<vmem>>, vector<1x1x16xf32>,
      %parallel_loop3A_598 = arith.mulf %parallel_loop3A_570, %parallel_loop3A_515 : vector<16xf32>
      %parallel_loop3A_599 = arith.subf %parallel_loop3A_467, %parallel_loop3A_598 : vector<16xf32>
      %parallel_loop3A_600 = arith.constant 0 : i32
      %parallel_loop3A_601 = arith.index_cast %parallel_loop3A_600 : i32 to index
      %parallel_loop3A_602 = arith.index_cast %parallel_loop3A_443 : i32 to index
      %parallel_loop3A_603 = arith.constant 48 : index
      %parallel_loop3A_604 = tpu.vector_load %arg8[%parallel_loop3A_601, %parallel_loop3A_602, %parallel_loop3A_603] {strides = array<i32>} : memref<3x128x128xf32, #tpu.memory_space<vmem>>, vector<1x1x16xf32>,
      %parallel_loop3A_605 = vector.shape_cast %parallel_loop3A_604 : vector<1x1x16xf32> to vector<16xf32>
      %parallel_loop3A_606 = vector.shape_cast %parallel_loop3A_599 : vector<16xf32> to vector<1x1x16xf32>
      tpu.vector_store %arg8[%parallel_loop3A_601, %parallel_loop3A_602, %parallel_loop3A_603], %parallel_loop3A_606 {strides = array<i32>} : memref<3x128x128xf32, #tpu.memory_space<vmem>>, vector<1x1x16xf32>,
      %parallel_loop3A_607 = arith.mulf %parallel_loop3A_570, %parallel_loop3A_521 : vector<16xf32>
      %parallel_loop3A_608 = arith.subf %parallel_loop3A_473, %parallel_loop3A_607 : vector<16xf32>
      %parallel_loop3A_609 = arith.constant 0 : i32
      %parallel_loop3A_610 = arith.index_cast %parallel_loop3A_609 : i32 to index
      %parallel_loop3A_611 = arith.index_cast %parallel_loop3A_443 : i32 to index
      %parallel_loop3A_612 = arith.constant 64 : index
      %parallel_loop3A_613 = tpu.vector_load %arg8[%parallel_loop3A_610, %parallel_loop3A_611, %parallel_loop3A_612] {strides = array<i32>} : memref<3x128x128xf32, #tpu.memory_space<vmem>>, vector<1x1x16xf32>,
      %parallel_loop3A_614 = vector.shape_cast %parallel_loop3A_613 : vector<1x1x16xf32> to vector<16xf32>
      %parallel_loop3A_615 = vector.shape_cast %parallel_loop3A_608 : vector<16xf32> to vector<1x1x16xf32>
      tpu.vector_store %arg8[%parallel_loop3A_610, %parallel_loop3A_611, %parallel_loop3A_612], %parallel_loop3A_615 {strides = array<i32>} : memref<3x128x128xf32, #tpu.memory_space<vmem>>, vector<1x1x16xf32>,
      %parallel_loop3A_616 = arith.mulf %parallel_loop3A_570, %parallel_loop3A_527 : vector<16xf32>
      %parallel_loop3A_617 = arith.subf %parallel_loop3A_479, %parallel_loop3A_616 : vector<16xf32>
      %parallel_loop3A_618 = arith.constant 0 : i32
      %parallel_loop3A_619 = arith.index_cast %parallel_loop3A_618 : i32 to index
      %parallel_loop3A_620 = arith.index_cast %parallel_loop3A_443 : i32 to index
      %parallel_loop3A_621 = arith.constant 80 : index
      %parallel_loop3A_622 = tpu.vector_load %arg8[%parallel_loop3A_619, %parallel_loop3A_620, %parallel_loop3A_621] {strides = array<i32>} : memref<3x128x128xf32, #tpu.memory_space<vmem>>, vector<1x1x16xf32>,
      %parallel_loop3A_623 = vector.shape_cast %parallel_loop3A_622 : vector<1x1x16xf32> to vector<16xf32>
      %parallel_loop3A_624 = vector.shape_cast %parallel_loop3A_617 : vector<16xf32> to vector<1x1x16xf32>
      tpu.vector_store %arg8[%parallel_loop3A_619, %parallel_loop3A_620, %parallel_loop3A_621], %parallel_loop3A_624 {strides = array<i32>} : memref<3x128x128xf32, #tpu.memory_space<vmem>>, vector<1x1x16xf32>,
      %parallel_loop3A_625 = arith.mulf %parallel_loop3A_570, %parallel_loop3A_533 : vector<16xf32>
      %parallel_loop3A_626 = arith.subf %parallel_loop3A_485, %parallel_loop3A_625 : vector<16xf32>
      %parallel_loop3A_627 = arith.constant 0 : i32
      %parallel_loop3A_628 = arith.index_cast %parallel_loop3A_627 : i32 to index
      %parallel_loop3A_629 = arith.index_cast %parallel_loop3A_443 : i32 to index
      %parallel_loop3A_630 = arith.constant 96 : index
      %parallel_loop3A_631 = tpu.vector_load %arg8[%parallel_loop3A_628, %parallel_loop3A_629, %parallel_loop3A_630] {strides = array<i32>} : memref<3x128x128xf32, #tpu.memory_space<vmem>>, vector<1x1x16xf32>,
      %parallel_loop3A_632 = vector.shape_cast %parallel_loop3A_631 : vector<1x1x16xf32> to vector<16xf32>
      %parallel_loop3A_633 = vector.shape_cast %parallel_loop3A_626 : vector<16xf32> to vector<1x1x16xf32>
      tpu.vector_store %arg8[%parallel_loop3A_628, %parallel_loop3A_629, %parallel_loop3A_630], %parallel_loop3A_633 {strides = array<i32>} : memref<3x128x128xf32, #tpu.memory_space<vmem>>, vector<1x1x16xf32>,
      %parallel_loop3A_634 = arith.mulf %parallel_loop3A_570, %parallel_loop3A_539 : vector<16xf32>
      %parallel_loop3A_635 = arith.subf %parallel_loop3A_491, %parallel_loop3A_634 : vector<16xf32>
      %parallel_loop3A_636 = arith.constant 0 : i32
      %parallel_loop3A_637 = arith.index_cast %parallel_loop3A_636 : i32 to index
      %parallel_loop3A_638 = arith.index_cast %parallel_loop3A_443 : i32 to index
      %parallel_loop3A_639 = arith.constant 112 : index
      %parallel_loop3A_640 = tpu.vector_load %arg8[%parallel_loop3A_637, %parallel_loop3A_638, %parallel_loop3A_639] {strides = array<i32>} : memref<3x128x128xf32, #tpu.memory_space<vmem>>, vector<1x1x16xf32>,
      %parallel_loop3A_641 = vector.shape_cast %parallel_loop3A_640 : vector<1x1x16xf32> to vector<16xf32>
      %parallel_loop3A_642 = vector.shape_cast %parallel_loop3A_635 : vector<16xf32> to vector<1x1x16xf32>
      tpu.vector_store %arg8[%parallel_loop3A_637, %parallel_loop3A_638, %parallel_loop3A_639], %parallel_loop3A_642 {strides = array<i32>} : memref<3x128x128xf32, #tpu.memory_space<vmem>>, vector<1x1x16xf32>,
    } {sc.loop_unroll_factor = 4 : i64, sc.parallel_access}
    %dma_start3A_352 = arith.constant 0 : i32
    %dma_start3A_353 = arith.constant 0 : i32
    %dma_start3A_354 = arith.constant 0 : i32
    %dma_start3A_355 = tpu.memref_slice %arg8[%dma_start3A_352, %dma_start3A_353, %dma_start3A_354] : memref<3x128x128xf32, #tpu.memory_space<vmem>> -> memref<1x128x128xf32, #tpu.memory_space<vmem>>
    %dma_start3A_356 = tpu.memref_squeeze %dma_start3A_355 : memref<1x128x128xf32, #tpu.memory_space<vmem>> -> memref<128x128xf32, #tpu.memory_space<vmem>>
    %dma_start3A_357 = arith.constant 0 : i32
    %dma_start3A_358 = tpu.memref_slice %arg5[%add3A_335, %dma_start3A_357] : memref<16384x128xf32, #tpu.memory_space<hbm>> -> memref<128x128xf32, #tpu.memory_space<hbm>>
    %dma_start3A_359 = arith.constant 0 : i32
    %dma_start3A_360 = tpu.memref_slice %arg5[%add3A_335, %dma_start3A_359] : memref<16384x128xf32, #tpu.memory_space<hbm>> -> memref<128x128xf32, #tpu.memory_space<hbm>>
    %dma_start3A_361 = arith.constant 0 : i32
    %dma_start3A_362 = arith.constant 0 : i32
    %dma_start3A_363 = tpu.memref_slice %arg8[%dma_start3A_352, %dma_start3A_361, %dma_start3A_362] : memref<3x128x128xf32, #tpu.memory_space<vmem>> -> memref<1x128x128xf32, #tpu.memory_space<vmem>>
    %dma_start3A_364 = tpu.memref_squeeze %dma_start3A_363 : memref<1x128x128xf32, #tpu.memory_space<vmem>> -> memref<128x128xf32, #tpu.memory_space<vmem>>
    tpu.enqueue_dma source(%dma_start3A_364 : memref<128x128xf32, #tpu.memory_space<vmem>>) target(%dma_start3A_360 : memref<128x128xf32, #tpu.memory_space<hbm>>) target_semaphore(%arg16 : memref<!tpu.dma_semaphore, #tpu.memory_space<semaphore_mem>>)
    %dma_wait3A_365 = arith.constant 1 : i32
    %dma_wait3A_366 = arith.constant 0 : i32
    %dma_wait3A_367 = arith.constant 0 : i32
    %dma_wait3A_368 = tpu.memref_slice %arg8[%dma_wait3A_365, %dma_wait3A_366, %dma_wait3A_367] : memref<3x128x128xf32, #tpu.memory_space<vmem>> -> memref<1x128x128xf32, #tpu.memory_space<vmem>>
    %dma_wait3A_369 = tpu.memref_squeeze %dma_wait3A_368 : memref<1x128x128xf32, #tpu.memory_space<vmem>> -> memref<128x128xf32, #tpu.memory_space<vmem>>
    %dma_wait3A_370 = arith.constant 0 : i32
    %dma_wait3A_371 = tpu.memref_slice %arg5[%add3A_227, %dma_wait3A_370] : memref<16384x128xf32, #tpu.memory_space<hbm>> -> memref<128x128xf32, #tpu.memory_space<hbm>>
    %dma_wait3A_372 = arith.constant 0 : i32
    %dma_wait3A_373 = tpu.memref_slice %arg5[%add3A_227, %dma_wait3A_372] : memref<16384x128xf32, #tpu.memory_space<hbm>> -> memref<128x128xf32, #tpu.memory_space<hbm>>
    %dma_wait3A_374 = arith.constant 0 : i32
    %dma_wait3A_375 = arith.constant 0 : i32
    %dma_wait3A_376 = tpu.memref_slice %arg8[%dma_wait3A_365, %dma_wait3A_374, %dma_wait3A_375] : memref<3x128x128xf32, #tpu.memory_space<vmem>> -> memref<1x128x128xf32, #tpu.memory_space<vmem>>
    %dma_wait3A_377 = tpu.memref_squeeze %dma_wait3A_376 : memref<1x128x128xf32, #tpu.memory_space<vmem>> -> memref<128x128xf32, #tpu.memory_space<vmem>>
    tpu.wait_dma2 semaphore(%arg17 : memref<!tpu.dma_semaphore, #tpu.memory_space<semaphore_mem>>) src(%dma_wait3A_377 : memref<128x128xf32, #tpu.memory_space<vmem>>) dst(%dma_wait3A_373 : memref<128x128xf32, #tpu.memory_space<hbm>>)
    %dma_wait3A_378 = arith.constant 1 : i32
    %dma_wait3A_379 = arith.constant 0 : i32
    %dma_wait3A_380 = arith.constant 0 : i32
    %dma_wait3A_381 = tpu.memref_slice %arg9[%dma_wait3A_378, %dma_wait3A_379, %dma_wait3A_380] : memref<3x128x128xf32, #tpu.memory_space<vmem>> -> memref<1x128x128xf32, #tpu.memory_space<vmem>>
    %dma_wait3A_382 = tpu.memref_squeeze %dma_wait3A_381 : memref<1x128x128xf32, #tpu.memory_space<vmem>> -> memref<128x128xf32, #tpu.memory_space<vmem>>
    %dma_wait3A_383 = arith.constant 0 : i32
    %dma_wait3A_384 = tpu.memref_slice %arg6[%add3A_227, %dma_wait3A_383] : memref<16384x128xf32, #tpu.memory_space<hbm>> -> memref<128x128xf32, #tpu.memory_space<hbm>>
    %dma_wait3A_385 = arith.constant 0 : i32
    %dma_wait3A_386 = tpu.memref_slice %arg6[%add3A_227, %dma_wait3A_385] : memref<16384x128xf32, #tpu.memory_space<hbm>> -> memref<128x128xf32, #tpu.memory_space<hbm>>
    %dma_wait3A_387 = arith.constant 0 : i32
    %dma_wait3A_388 = arith.constant 0 : i32
    %dma_wait3A_389 = tpu.memref_slice %arg9[%dma_wait3A_378, %dma_wait3A_387, %dma_wait3A_388] : memref<3x128x128xf32, #tpu.memory_space<vmem>> -> memref<1x128x128xf32, #tpu.memory_space<vmem>>
    %dma_wait3A_390 = tpu.memref_squeeze %dma_wait3A_389 : memref<1x128x128xf32, #tpu.memory_space<vmem>> -> memref<128x128xf32, #tpu.memory_space<vmem>>
    tpu.wait_dma2 semaphore(%arg20 : memref<!tpu.dma_semaphore, #tpu.memory_space<semaphore_mem>>) src(%dma_wait3A_390 : memref<128x128xf32, #tpu.memory_space<vmem>>) dst(%dma_wait3A_386 : memref<128x128xf32, #tpu.memory_space<hbm>>)
    %dma_wait3A_391 = arith.constant 2 : i32
    %dma_wait3A_392 = arith.constant 0 : i32
    %dma_wait3A_393 = arith.constant 0 : i32
    %dma_wait3A_394 = tpu.memref_slice %arg8[%dma_wait3A_391, %dma_wait3A_392, %dma_wait3A_393] : memref<3x128x128xf32, #tpu.memory_space<vmem>> -> memref<1x128x128xf32, #tpu.memory_space<vmem>>
    %dma_wait3A_395 = tpu.memref_squeeze %dma_wait3A_394 : memref<1x128x128xf32, #tpu.memory_space<vmem>> -> memref<128x128xf32, #tpu.memory_space<vmem>>
    %dma_wait3A_396 = arith.constant 0 : i32
    %dma_wait3A_397 = tpu.memref_slice %arg5[%add3A_281, %dma_wait3A_396] : memref<16384x128xf32, #tpu.memory_space<hbm>> -> memref<128x128xf32, #tpu.memory_space<hbm>>
    %dma_wait3A_398 = arith.constant 0 : i32
    %dma_wait3A_399 = tpu.memref_slice %arg5[%add3A_281, %dma_wait3A_398] : memref<16384x128xf32, #tpu.memory_space<hbm>> -> memref<128x128xf32, #tpu.memory_space<hbm>>
    %dma_wait3A_400 = arith.constant 0 : i32
    %dma_wait3A_401 = arith.constant 0 : i32
    %dma_wait3A_402 = tpu.memref_slice %arg8[%dma_wait3A_391, %dma_wait3A_400, %dma_wait3A_401] : memref<3x128x128xf32, #tpu.memory_space<vmem>> -> memref<1x128x128xf32, #tpu.memory_space<vmem>>
    %dma_wait3A_403 = tpu.memref_squeeze %dma_wait3A_402 : memref<1x128x128xf32, #tpu.memory_space<vmem>> -> memref<128x128xf32, #tpu.memory_space<vmem>>
    tpu.wait_dma2 semaphore(%arg18 : memref<!tpu.dma_semaphore, #tpu.memory_space<semaphore_mem>>) src(%dma_wait3A_403 : memref<128x128xf32, #tpu.memory_space<vmem>>) dst(%dma_wait3A_399 : memref<128x128xf32, #tpu.memory_space<hbm>>)
    %dma_wait3A_404 = arith.constant 2 : i32
    %dma_wait3A_405 = arith.constant 0 : i32
    %dma_wait3A_406 = arith.constant 0 : i32
    %dma_wait3A_407 = tpu.memref_slice %arg9[%dma_wait3A_404, %dma_wait3A_405, %dma_wait3A_406] : memref<3x128x128xf32, #tpu.memory_space<vmem>> -> memref<1x128x128xf32, #tpu.memory_space<vmem>>
    %dma_wait3A_408 = tpu.memref_squeeze %dma_wait3A_407 : memref<1x128x128xf32, #tpu.memory_space<vmem>> -> memref<128x128xf32, #tpu.memory_space<vmem>>
    %dma_wait3A_409 = arith.constant 0 : i32
    %dma_wait3A_410 = tpu.memref_slice %arg6[%add3A_281, %dma_wait3A_409] : memref<16384x128xf32, #tpu.memory_space<hbm>> -> memref<128x128xf32, #tpu.memory_space<hbm>>
    %dma_wait3A_411 = arith.constant 0 : i32
    %dma_wait3A_412 = tpu.memref_slice %arg6[%add3A_281, %dma_wait3A_411] : memref<16384x128xf32, #tpu.memory_space<hbm>> -> memref<128x128xf32, #tpu.memory_space<hbm>>
    %dma_wait3A_413 = arith.constant 0 : i32
    %dma_wait3A_414 = arith.constant 0 : i32
    %dma_wait3A_415 = tpu.memref_slice %arg9[%dma_wait3A_404, %dma_wait3A_413, %dma_wait3A_414] : memref<3x128x128xf32, #tpu.memory_space<vmem>> -> memref<1x128x128xf32, #tpu.memory_space<vmem>>
    %dma_wait3A_416 = tpu.memref_squeeze %dma_wait3A_415 : memref<1x128x128xf32, #tpu.memory_space<vmem>> -> memref<128x128xf32, #tpu.memory_space<vmem>>
    tpu.wait_dma2 semaphore(%arg21 : memref<!tpu.dma_semaphore, #tpu.memory_space<semaphore_mem>>) src(%dma_wait3A_416 : memref<128x128xf32, #tpu.memory_space<vmem>>) dst(%dma_wait3A_412 : memref<128x128xf32, #tpu.memory_space<hbm>>)
    %dma_wait3A_417 = arith.constant 0 : i32
    %dma_wait3A_418 = arith.constant 0 : i32
    %dma_wait3A_419 = arith.constant 0 : i32
    %dma_wait3A_420 = tpu.memref_slice %arg8[%dma_wait3A_417, %dma_wait3A_418, %dma_wait3A_419] : memref<3x128x128xf32, #tpu.memory_space<vmem>> -> memref<1x128x128xf32, #tpu.memory_space<vmem>>
    %dma_wait3A_421 = tpu.memref_squeeze %dma_wait3A_420 : memref<1x128x128xf32, #tpu.memory_space<vmem>> -> memref<128x128xf32, #tpu.memory_space<vmem>>
    %dma_wait3A_422 = arith.constant 0 : i32
    %dma_wait3A_423 = tpu.memref_slice %arg5[%add3A_335, %dma_wait3A_422] : memref<16384x128xf32, #tpu.memory_space<hbm>> -> memref<128x128xf32, #tpu.memory_space<hbm>>
    %dma_wait3A_424 = arith.constant 0 : i32
    %dma_wait3A_425 = tpu.memref_slice %arg5[%add3A_335, %dma_wait3A_424] : memref<16384x128xf32, #tpu.memory_space<hbm>> -> memref<128x128xf32, #tpu.memory_space<hbm>>
    %dma_wait3A_426 = arith.constant 0 : i32
    %dma_wait3A_427 = arith.constant 0 : i32
    %dma_wait3A_428 = tpu.memref_slice %arg8[%dma_wait3A_417, %dma_wait3A_426, %dma_wait3A_427] : memref<3x128x128xf32, #tpu.memory_space<vmem>> -> memref<1x128x128xf32, #tpu.memory_space<vmem>>
    %dma_wait3A_429 = tpu.memref_squeeze %dma_wait3A_428 : memref<1x128x128xf32, #tpu.memory_space<vmem>> -> memref<128x128xf32, #tpu.memory_space<vmem>>
    tpu.wait_dma2 semaphore(%arg16 : memref<!tpu.dma_semaphore, #tpu.memory_space<semaphore_mem>>) src(%dma_wait3A_429 : memref<128x128xf32, #tpu.memory_space<vmem>>) dst(%dma_wait3A_425 : memref<128x128xf32, #tpu.memory_space<hbm>>)
    %dma_wait3A_430 = arith.constant 0 : i32
    %dma_wait3A_431 = arith.constant 0 : i32
    %dma_wait3A_432 = arith.constant 0 : i32
    %dma_wait3A_433 = tpu.memref_slice %arg9[%dma_wait3A_430, %dma_wait3A_431, %dma_wait3A_432] : memref<3x128x128xf32, #tpu.memory_space<vmem>> -> memref<1x128x128xf32, #tpu.memory_space<vmem>>
    %dma_wait3A_434 = tpu.memref_squeeze %dma_wait3A_433 : memref<1x128x128xf32, #tpu.memory_space<vmem>> -> memref<128x128xf32, #tpu.memory_space<vmem>>
    %dma_wait3A_435 = arith.constant 0 : i32
    %dma_wait3A_436 = tpu.memref_slice %arg6[%add3A_335, %dma_wait3A_435] : memref<16384x128xf32, #tpu.memory_space<hbm>> -> memref<128x128xf32, #tpu.memory_space<hbm>>
    %dma_wait3A_437 = arith.constant 0 : i32
    %dma_wait3A_438 = tpu.memref_slice %arg6[%add3A_335, %dma_wait3A_437] : memref<16384x128xf32, #tpu.memory_space<hbm>> -> memref<128x128xf32, #tpu.memory_space<hbm>>
    %dma_wait3A_439 = arith.constant 0 : i32
    %dma_wait3A_440 = arith.constant 0 : i32
    %dma_wait3A_441 = tpu.memref_slice %arg9[%dma_wait3A_430, %dma_wait3A_439, %dma_wait3A_440] : memref<3x128x128xf32, #tpu.memory_space<vmem>> -> memref<1x128x128xf32, #tpu.memory_space<vmem>>
    %dma_wait3A_442 = tpu.memref_squeeze %dma_wait3A_441 : memref<1x128x128xf32, #tpu.memory_space<vmem>> -> memref<128x128xf32, #tpu.memory_space<vmem>>
    tpu.wait_dma2 semaphore(%arg19 : memref<!tpu.dma_semaphore, #tpu.memory_space<semaphore_mem>>) src(%dma_wait3A_442 : memref<128x128xf32, #tpu.memory_space<vmem>>) dst(%dma_wait3A_438 : memref<128x128xf32, #tpu.memory_space<hbm>>)
    return
  }
}

</mosaic_0001>

<sc_bundles>
// kernel: kernel.3.cloned.1.call-start
scs
__scs_entry_jumppad:
0x0: {  	(pc) =	sbr.rel $0x88, $3  }
0x1: {  	(tag) =	ssettag $0x0;
	lr =	simm.s32 $0x1  }
0x2: {  	[smem:$0x3F9E] =	sst lr;
	_ =	strace $0xD0000000  }
0x3: {  	_ = 	snop  }
0x4: {  	_ = 	snop  }
0x5: {  	_ = 	snop  }
0x6: {  	_ = 	snop  }
0x7: {  	_ = 	snop  }
__scs_overlays_trampoline_lowered:
0x8: {  	[smem:$0x3FAD] =	sst s0  }
0x9: {  	[smem:$0x3FAE] =	sst s1  }
0xa: {  	[smem:$0x3FAF] =	sst s2  }
0xb: {  	[smem:$0x3FB0] =	sst s3  }
0xc: {  	[smem:$0x3FB1] =	sst s4  }
0xd: {  	[smem:$0x3FB2] =	sst s5  }
0xe: {  	[smem:$0x3FB3] =	sst s6  }
0xf: {  	[smem:$0x3FB4] =	sst s7  }
0x10: {  	[smem:$0x3FB5] =	sst s8  }
0x11: {  	[smem:$0x3FB6] =	sst s9;
	s0 =	simm.s32 @!p0 $0x0  }
0x12: {  	s1 =	sld [smem:$0x3F9C];
	s0 =	simm.s32 @p0 $0x1  }
0x13: {  	[smem:$0x3FB7] =	sst s0;
	s0 =	simm.s32 @!p1 $0x0  }
0x14: {  	s2 =	sld [smem:$0x3F9B];
	s0 =	simm.s32 @p1 $0x1  }
0x15: {  	[smem:$0x3FB8] =	sst s0;
	s0 =	simm.s32 @!p2 $0x0  }
0x16: {  	s3 =	sld [smem:$0x3FDB];
	s0 =	simm.s32 @p2 $0x1  }
0x17: {  	s4 =	simm.s32 $0x1BF5;
	[smem:$0x3FBA] =	sst s0  }
0x18: {  	s0 =	sld [smem:$0x3F9D];
	_ =	swait.ge [sflag:s4], $0x0  }
0x19: {  	s7 =	sld [smem:$0x3F9E]  }
0x1a: {  	s8 =	sadd.s32 $0xFFFFE003, lr  }
0x1b: {  	s9 =	sadd.s32 $0xFFFFFEF7, lr;
	s5 =	simm.s32 $0xFFFFFFFF;
	p2 =	slt.u32 s8, $0xFFFFF086  }
0x1c: {  	p1 =	slt.u32 s9, $0xF7A;
	s5 =	simm.s32 @!p2 $0x0  }
0x1d: {  	s5 =	simm.s32 @p1 $0x1;
	p0 =	seq.s32 s7, s2  }
0x1e: {  	s7 =	smul.u32 @!p0 $0xF7A, s2;
	p2 =	seq.s32 @!p0 s5, $0x0  }
0x1f: {  	s9 =	smul.u32 $0xF7A, s1;
	s8 =	simm.s32 @!p0 $0x1BF5;
	p2 =	por !p2, p0  }
0x20: {  	[sflag:s8] =	ssyncset.s32 @!p0 $0xFFFFF086;
	s6 =	sadd.s32 @!p0 s3, s7;
	s7 =	simm.s32 @!p0 $0x108  }
0x21: {  	s3 =	sadd.s32 s3, s9;
	s6 =	sadd.s32 @!p0 $0x88, s6;
	s7 =	simm.s32 @p2 $0x1082  }
0x22: {  	[simem:s7], [sflag:s8] =	dma.local @!p0 [hbm:s6], $0xF7A  }
0x23: {  	s9 =	sor.u32 $0xD0000000, s2;
	s6 =	simm.s32 $0x108;
	_ =	swait.ge @!p0 [sflag:s8], $0x0  }
0x24: {  	s3 =	sadd.s32 $0x88, s3;
	s6 =	simm.s32 @!p1 $0x1082;
	[sflag:s4] =	ssyncset.s32 $0xFFFFF086  }
0x25: {  	[simem:s6], [sflag:s4] =	dma.local [hbm:s3], $0xF7A  }
0x26: {  	[smem:$0x3F9E] =	sst s1;
	(tag) =	ssettag s2;
	_ =	strace s9  }
0x27: {  	s1 =	sld [smem:$0x3FAE]  }
0x28: {  	s2 =	sld [smem:$0x3FAF]  }
0x29: {  	s4 =	sld [smem:$0x3FB1]  }
0x2a: {  	p0 =	seq.s32 s5, $0x0;
	s5 =	sld [smem:$0x3FB2]  }
0x2b: {  	s6 =	sld [smem:$0x3FB3]  }
0x2c: {  	s7 =	sld [smem:$0x3FB4]  }
0x2d: {  	s3 =	simm.s32 $0x108;
	s8 =	sld [smem:$0x3FB5]  }
0x2e: {  	s3 =	simm.s32 @!p0 $0x1082;
	s9 =	sld [smem:$0x3FB6]  }
0x2f: {  	lr =	sadd.s32 s0, s3;
	s0 =	sld [smem:$0x3FAD]  }
0x30: {  	s3 =	sld [smem:$0x3FB0]  }
0x31: {  	[smem:$0x3FB9] =	sst s10  }
0x32: {  	s10 =	sld [smem:$0x3FB7];
	_ =	sdelay $0x3  }
0x33: {  	p0 =	seq.s32 s10, $0x1;
	s10 =	sld [smem:$0x3FB9];
	_ =	sdelay $0x3  }
0x34: {  	[smem:$0x3FB9] =	sst s10  }
0x35: {  	s10 =	sld [smem:$0x3FB8];
	_ =	sdelay $0x3  }
0x36: {  	p1 =	seq.s32 s10, $0x1;
	s10 =	sld [smem:$0x3FB9];
	_ =	sdelay $0x3  }
0x37: {  	[smem:$0x3FB9] =	sst s10  }
0x38: {  	s10 =	sld [smem:$0x3FBA]  }
0x39: {  	_ = 	snop;
	(pc) =	sbr.ind lr, $3  }
0x3a: {  	_ = 	snop  }
0x3b: {  	_ = 	snop  }
0x3c: {  	p2 =	seq.s32 s10, $0x1;
	s10 =	sld [smem:$0x3FB9]  }
0x3d: {  	_ =	shalt  }
0x3e: {  	_ =	shalt  }
0x3f: {  	_ =	shalt  }
0x40: {  	_ =	shalt  }
0x41: {  	_ =	shalt  }
0x42: {  	_ =	shalt  }
0x43: {  	_ =	shalt  }
0x44: {  	_ =	shalt  }
0x45: {  	_ =	shalt  }
0x46: {  	_ =	shalt  }
0x47: {  	_ =	shalt  }
0x48: {  	_ =	shalt  }
0x49: {  	_ =	shalt  }
0x4a: {  	_ =	shalt  }
0x4b: {  	_ =	shalt  }
0x4c: {  	_ =	shalt  }
0x4d: {  	_ =	shalt  }
0x4e: {  	_ =	shalt  }
0x4f: {  	_ =	shalt  }
0x50: {  	_ =	shalt  }
0x51: {  	_ =	shalt  }
0x52: {  	_ =	shalt  }
0x53: {  	_ =	shalt  }
0x54: {  	_ =	shalt  }
0x55: {  	_ =	shalt  }
0x56: {  	_ =	shalt  }
0x57: {  	_ =	shalt  }
0x58: {  	_ =	shalt  }
0x59: {  	_ =	shalt  }
0x5a: {  	_ =	shalt  }
0x5b: {  	_ =	shalt  }
0x5c: {  	_ =	shalt  }
0x5d: {  	_ =	shalt  }
0x5e: {  	_ =	shalt  }
0x5f: {  	_ =	shalt  }
0x60: {  	_ =	shalt  }
0x61: {  	_ =	shalt  }
0x62: {  	_ =	shalt  }
0x63: {  	_ =	shalt  }
0x64: {  	_ =	shalt  }
0x65: {  	_ =	shalt  }
0x66: {  	_ =	shalt  }
0x67: {  	_ =	shalt  }
0x68: {  	_ =	shalt  }
0x69: {  	_ =	shalt  }
0x6a: {  	_ =	shalt  }
0x6b: {  	_ =	shalt  }
0x6c: {  	_ =	shalt  }
0x6d: {  	_ =	shalt  }
0x6e: {  	_ =	shalt  }
0x6f: {  	_ =	shalt  }
0x70: {  	_ =	shalt  }
0x71: {  	_ =	shalt  }
0x72: {  	_ =	shalt  }
0x73: {  	_ =	shalt  }
0x74: {  	_ =	shalt  }
0x75: {  	_ =	shalt  }
0x76: {  	_ =	shalt  }
0x77: {  	_ =	shalt  }
0x78: {  	_ =	shalt  }
0x79: {  	_ =	shalt  }
0x7a: {  	_ =	shalt  }
0x7b: {  	_ =	shalt  }
0x7c: {  	_ =	shalt  }
0x7d: {  	_ =	shalt  }
0x7e: {  	_ =	shalt  }
0x7f: {  	_ =	shalt  }
0x80: {  	_ =	shalt  }
0x81: {  	_ =	shalt  }
0x82: {  	_ =	shalt  }
0x83: {  	_ =	shalt  }
0x84: {  	_ =	shalt  }
0x85: {  	_ =	shalt  }
0x86: {  	_ =	shalt  }
0x87: {  	_ =	shalt  }
.Lfunc_end0:
.L_simem_size_0:
called_computation_lowered:
.L_overlay_start_0:
0x88: {  	s2 =	sld [smem:$0x3FD9]  }
0x89: {  	s3 =	sld [smem:$0x3FFE];
	_ =	sdelay $0x1  }
0x8a: {  	s1 =	srdreg.scid  }
0x8b: {  	s0 =	sand.u32 $0x1, s1  }
0x8c: {  	s15 =	sshll.u32 s0, $0xA;
	s2 =	sadd.s32 s3, s2  }
0x8d: {  	s2 =	sadd.s32 s2, s15  }
0x8e: {  	[smem:$0x3FC5] =	sst s2  }
0x8f: {  	_ = 	snop  }
0x90: {  	s2 =	sld [smem:$0x3FD0]  }
0x91: {  	s16 =	sld [smem:$0x3FC9]  }
0x92: {  	s4 =	sld [smem:$0x3FC8]  }
0x93: {  	s6 =	simm.s32 $0xA;
	s7 =	simm.s32 $0x10;
	s5 =	sld [smem:$0x3FC7]  }
0x94: {  	[smem:s7], [sflag:s6] =	dma.local [hbm:s2], $0x1  }
0x95: {  	_ =	swait.eq [sflag:s6], $0x1  }
0x96: {  	[sflag:s6] =	ssyncset.done $0x0  }
0x97: {  	s17 =	sld [smem:$0x10];
	[sflag:s6] =	ssyncadd.s32 $0xFFFFFFFF  }
0x98: {  	s18 =	sld [smem:$0x11];
	(tm) =	ssettm $0x1  }
0x99: {  	s19 =	sld [smem:$0x3FFB];
	_ =	sdelay $0x3  }
0x9a: {  	_ =	strace s19  }
0x9b: {  	s7 =	sld [smem:$0x3FFC];
	_ =	sdelay $0x3  }
0x9c: {  	_ =	strace s7  }
0x9d: {  	s7 =	sld [smem:$0x3FFD];
	_ =	sdelay $0x3  }
0x9e: {  	_ =	strace s7  }
0x9f: {  	_ =	strace $0x8FFFFFFF  }
0xa0: {  	s20 =	sld [smem:$0x3FDB];
	_ =	sdelay $0x1  }
0xa1: {  	s8 =	simm.s32 $_scs_section_size  }
0xa2: {  	s9 =	simm.s32 $_size__tile_overlayer_lowered;
	s10 =	simm.s32 $_tile_overlayer_lowered  }
0xa3: {  	s23 =	simm.s32 $0x1BFF;
	s22 =	sshll.u32 s10, $0x1;
	s7 =	sadd.s32 s8, s20  }
0xa4: {  	s11 =	simm.s32 $0x0;
	s21 =	sshll.u32 s9, $0x1;
	s9 =	sadd.s32 s22, s7  }
0xa5: {  	[timem:s11], [sflag:s23] =	dma.local [hbm:s9], s21  }
0xa6: {  	_ =	swait.ge [sflag:s23], s21  }
0xa7: {  	s8 =	ssub.s32 $0x0, s21;
	[sflag:s23] =	ssyncset.done $0x0  }
0xa8: {  	[sflag:s23] =	ssyncadd.s32 s8;
	_ =	sdelay $0x1  }
0xa9: {  	s24 =	simm.s32 $0x1B8B  }
0xaa: {  	_ =	swait.ge [sflag:s24], $0x1  }
0xab: {  	[sflag:s24] =	ssyncset.done $0x0  }
0xac: {  	s25 =	simm.s32 $0x1B8E;
	[sflag:s24] =	ssyncadd.s32 $0xFFFFFFFF  }
0xad: {  	s26 =	simm.s32 $execute0_lowered;
	[smem:$0x3FD2] =	sst s25  }
0xae: {  	s8 =	sshll.u32 s26, $0x1;
	_ =	strace $0x80000046;
	[dreg:$0x1] =	wrdreg $0xFFFFFFFF  }
0xaf: {  	s28 =	simm.s32 $_size_execute0_lowered;
	s7 =	sadd.s32 s7, s8;
	[dreg:$0x0] =	wrdreg $0x0  }
0xb0: {  	s8 =	sshll.u32 s28, $0x1;
	[dreg:$0x2] =	wrdreg s7  }
0xb1: {  	[dreg:$0x3] =	wrdreg s8  }
0xb2: {  	[dreg:$0x4] =	wrdreg $0xC0  }
0xb3: {  	_ =	task [dreg:s11], $0x5FFFF  }
0xb4: {  	[dreg:$0x1] =	wrdreg $0xFFFFFFFF  }
0xb5: {  	[dreg:$0x0] =	wrdreg $0x60  }
0xb6: {  	[dreg:$0x2] =	wrdreg s16  }
0xb7: {  	[dreg:$0x3] =	wrdreg s4  }
0xb8: {  	[dreg:$0x4] =	wrdreg s5  }
0xb9: {  	[dreg:$0x5] =	wrdreg s17  }
0xba: {  	[dreg:$0x6] =	wrdreg s18  }
0xbb: {  	[dreg:$0x7] =	wrdreg $0x9  }
0xbc: {  	_ =	task.clear_ibuf [dreg:s11], $0x8FFFF;
	_ =	strace $0x90000046  }
0xbd: {  	s29 =	simm.s32 $0x9;
	_ =	strace $0x80000048  }
0xbe: {  	_ =	swait.ge [sflag:s29], $0x1  }
0xbf: {  	[sflag:s29] =	ssyncadd.s32 $0xFFFFFFFF  }
0xc0: {  	_ =	strace $0x90000048  }
0xc1: {  	_ =	sfence  }
0xc2: {  	s30 =	sld [smem:$0x0];
	_ =	sdelay $0x2  }
0xc3: {  	s31 =	sshll.u32 s1, $0xD;
	s1 =	sshrl.u32 s1, $0x2  }
0xc4: {  	s3 =	sand.u32 $0x4000, s31;
	s1 =	sadd.s32 s1, s30  }
0xc5: {  	s0 =	sor.u32 s3, s0;
	s1 =	sshll.u32 s1, $0x11  }
0xc6: {  	s0 =	sor.u32 s1, s0  }
0xc7: {  	s0 =	sadd.s32 $0x8F2B, s0  }
0xc8: {  	[sflag:s0] =	ssyncadd.remote.s32 $0x1  }
0xc9: {  	_ =	sfence.sel $0xFFFF  }
0xca: {  	[dreg:$0x0] =	wrdreg $0xFFFFFFFF;
	(pc) =	sbr.abs _section_cstart, $3  }
0xcb: {  	[dreg:$0x1] =	wrdreg $0xFFFFFFFF  }
0xcc: {  	_ =	task.clear_ibuf [dreg:s11], $0x2FFFF;
	_ =	strace $0x9FFFFFFF  }
0xcd: {  	(tm) =	ssettm $0x7FFFFFFF  }
tec
execute0_lowered:
.L_overlay_start_1:
0x0: {  	(tag) =	ssettag $0x1  }
0x1: {  	s0 =	rddreg [dreg:$0x0]  }
0x2: {  	s2 =	rddreg [dreg:$0x1]  }
0x3: {  	s1 =	rddreg [dreg:$0x2]  }
0x4: {  	s4 =	rddreg [dreg:$0x3]  }
0x5: {  	s5 =	rddreg [dreg:$0x4]  }
0x6: {  	s3 =	srdreg.scid;
	s7 =	stileid.u32;
	s16 =	simm.s32 $0xD  }
0x7: {  	s19 =	simm.s32 $0x80;
	s28 =	simm.s32 $0x4;
	s29 =	simm.s32 $0x1  }
0x8: {  	s30 =	simm.s32 $0x7;
	s31 =	simm.s32 $0xA;
	s6 =	sand.u32 $0x1, s3  }
0x9: {  	v0 =	vimm.s32 $0xFEDCBA98;
	v1 =	vimm.s32 $0x76543210;
	s3 =	simm.s32 $0x0;
	s7 =	sshll.u32 s7, $0xA;
	s8 =	sshll.u32 s6, $0x9  }
0xa: {  	v2 =	vimm.s32 $0x3210FEDC;
	v3 =	vimm.s32 $0xBA987654;
	[smem:$0x7FF] =	sst s3;
	s6 =	ssub.s32 $0x2, s6;
	s7 =	sor.u32 s8, s7  }
0xb: {  	v4 =	vimm.s32 $0x10FEDCBA;
	v5 =	vimm.s32 $0x98765432;
	_ =	strace $0x80000047;
	s20 =	sshrl.u32 s6, $0x1;
	s9 =	sshrl.u32 s7, $0x3  }
0xc: {  	v6 =	vimm.s32 $0xFEDCBA9;
	v7 =	vimm.s32 $0x87654321;
	v0 =	vunpack.c.l.s4.s8 v0;
	s6 =	ssub.s32 s6, s20;
	s21 =	sshll.u32 s7, $0x4;
	s20 =	simm.s32 $0xC200  }
0xd: {  	v1 =	vunpack.c.l.s4.s8 v1;
	v2 =	vunpack.c.l.s4.s8 v2;
	v3 =	vunpack.c.l.s4.s8 v3;
	s2 =	sadd.s32 s2, s9;
	s7 =	sadd.s32 s0, s21;
	s22 =	sor.u32 $0x800, s21  }
0xe: {  	v4 =	vunpack.c.l.s4.s8 v4;
	v5 =	vunpack.c.l.s4.s8 v5;
	v6 =	vunpack.c.l.s4.s8 v6;
	s23 =	sor.u32 $0x1000, s21;
	s26 =	sor.u32 $0x1800, s21;
	s10 =	sadd.s32 s5, s21  }
0xf: {  	v7 =	vunpack.c.l.s4.s8 v7;
	v0 =	vunpack.c.0.s8.s32 v0;
	v2 =	vunpack.c.0.s8.s32 v2;
	s18 =	smax.u32 s6, $0x1;
	s6 =	simm.s32 $0x0;
	[dreg:$0x6] =	wrdreg s2  }
0x10: {  	v3 =	vunpack.c.0.s8.s32 v3;
	v4 =	vunpack.c.0.s8.s32 v4;
	v1 =	vunpack.c.0.s8.s32 v1;
	[dreg:$0x7] =	wrdreg s7;
	s24 =	sadd.s32 s0, s22;
	s25 =	sadd.s32 s0, s23  }
0x11: {  	v5 =	vunpack.c.0.s8.s32 v5;
	v6 =	vunpack.c.0.s8.s32 v6;
	v0 =	vand.u32 $0xF, v0;
	[dreg:$0xa] =	wrdreg s10;
	s2 =	sadd.s32 s4, s21;
	s10 =	sadd.s32 s0, s26  }
0x12: {  	v7 =	vunpack.c.0.s8.s32 v7;
	v2 =	vcombine.low v3, v2;
	s11 =	sadd.s32 s5, s22;
	s12 =	sadd.s32 s4, s22;
	s13 =	sadd.s32 s5, s23;
	v0 =	vcombine.low v0, v1  }
0x13: {  	v59 =	vcombine.low v5, v4;
	s14 =	sadd.s32 s4, s23;
	s15 =	sadd.s32 s5, s26;
	s17 =	sadd.s32 s4, s26  }
0x14: {  	v60 =	vcombine.low v7, v6;
	s21 =	simm.s32 $0x200;
	s0 =	simm.s32 $0x6;
	[dreg:$0x8] =	wrdreg s24;
	v61 =	vand.u32 $0xF, v2;
	[tilespmem:$0x1FFC0] =	vst v0  }
0x15: {  	s22 =	simm.s32 $0x3;
	s4 =	simm.s32 $0x8;
	[dreg:$0x9] =	wrdreg s25;
	v62 =	vand.u32 $0xF, v59;
	[tilespmem:$0x1FFD0] =	vst v61  }
0x16: {  	s23 =	simm.s32 $0xB;
	s5 =	simm.s32 $0x9;
	[dreg:$0xb] =	wrdreg s2;
	v63 =	vand.u32 $0xF, v60;
	[tilespmem:$0x1FFE0] =	vst v62  }
0x17: {  	s2 =	simm.s32 $0x5;
	s24 =	simm.s32 $0x2;
	s25 =	simm.s32 $0xC;
	[tilespmem:$0x1FFF0] =	vst v63  }
.LBB2_1:
0x18: {  	s7 =	rddreg [dreg:$0x6]  }
0x19: {  	[tilespmem:s3], [sflag:$0xD] =	stream.linear.gather [hbm4b:s7+s3], $0x200, $0x38;
	[tilespmem:$0x18200] =	vst v63  }
0x1a: {  	_ =	swait.ge [sflag:s16], $0x200  }
0x1b: {  	[sflag:s16] =	ssyncset.done $0x0  }
0x1c: {  	[sflag:s16] =	ssyncadd.s32 $0xFFFFFE00  }
0x1d: {  	[tilespmem:s20], [sflag:$0x1] =	stream.indirect.gather [hbm4b:s1+s19], $0x80, s3, s19, $0xb8;
	[tilespmem:$0x18200] =	vst v63  }
0x1e: {  	s8 =	rddreg [dreg:$0x7]  }
0x1f: {  	[tilespmem:s21], [sflag:$0x4] =	stream.linear.gather [hbm4b:s8+s3], $0x4000, $0x38;
	[tilespmem:$0x18200] =	vst v63  }
0x20: {  	s9 =	simm.s32 $0x10200  }
0x21: {  	[tilespmem:s9], [sflag:$0x2] =	stream.indirect.gather [hbm4b:s1+s19], $0x80, s19, s19, $0xb8;
	[tilespmem:$0x18200] =	vst v63  }
0x22: {  	s26 =	rddreg [dreg:$0x8];
	s8 =	simm.s32 $0x4200  }
0x23: {  	[tilespmem:s8], [sflag:$0x5] =	stream.linear.gather [hbm4b:s26+s3], $0x4000, $0x38;
	[tilespmem:$0x18200] =	vst v63  }
0x24: {  	s9 =	simm.s32 $0x100;
	s26 =	simm.s32 $0x14200  }
0x25: {  	[tilespmem:s26], [sflag:$0x3] =	stream.indirect.gather [hbm4b:s1+s19], $0x80, s9, s19, $0xb8;
	[tilespmem:$0x18200] =	vst v63  }
0x26: {  	s8 =	rddreg [dreg:$0x9];
	s9 =	simm.s32 $0x8200  }
0x27: {  	[tilespmem:s9], [sflag:$0x6] =	stream.linear.gather [hbm4b:s8+s3], $0x4000, $0x38;
	[tilespmem:$0x18200] =	vst v63  }
0x28: {  	_ =	swait.ge [sflag:s28], $0x4000  }
0x29: {  	[sflag:s28] =	ssyncset.done $0x0  }
0x2a: {  	[sflag:s28] =	ssyncadd.s32 $0xFFFFC000  }
0x2b: {  	_ =	swait.ge [sflag:s29], $0x4000  }
0x2c: {  	[sflag:s29] =	ssyncset.done $0x0  }
0x2d: {  	s7 =	simm.s32 $0x300;
	s26 =	rddreg [dreg:$0xa];
	[sflag:s29] =	ssyncadd.s32 $0xFFFFC000  }
0x2e: {  	[hbm4b:s26+s3] =	stream.linear.scatter [tilespmem:s20], [sflag:$0xA], $0x4000, $0x38;
	[tilespmem:$0x18200] =	vst v63  }
0x2f: {  	v0 =	vld [tilespmem:s7+$0x80]  }
0x30: {  	s26 =	simm.s32 $0xC300;
	v1 =	vld [tilespmem:s7+$0x90]  }
0x31: {  	v2 =	vld [tilespmem:s26+$0x80]  }
0x32: {  	v3 =	vld [tilespmem:s26+$0x90]  }
0x33: {  	v4 =	vld [tilespmem:s7+$0xA0]  }
0x34: {  	v5 =	vld [tilespmem:s26+$0xA0]  }
0x35: {  	v6 =	vld [tilespmem:s7+$0xB0]  }
0x36: {  	v29 =	vld [tilespmem:s26+$0xB0]  }
0x37: {  	v37 =	vld [tilespmem:s7+$0xC0]  }
0x38: {  	v40 =	vld [tilespmem:s26+$0xC0]  }
0x39: {  	v46 =	vld [tilespmem:s7+$0xD0]  }
0x3a: {  	v48 =	vld [tilespmem:s26+$0xD0]  }
0x3b: {  	v9 =	vld [tilespmem:s7+$0xE0]  }
0x3c: {  	v50 =	vld [tilespmem:s26+$0xE0]  }
0x3d: {  	v33 =	vld [tilespmem:s7+$0xF0]  }
0x3e: {  	v24 =	vld [tilespmem:s26+$0xF0]  }
0x3f: {  	v18 =	vld [tilespmem:s7+$0xFFFFFF10]  }
0x40: {  	v25 =	vld [tilespmem:s26+$0xFFFFFF00];
	v7 =	vmul.f32 v2, v0;
	v8 =	vmul.f32 v3, v1  }
0x41: {  	v27 =	vld [tilespmem:s26+$0xFFFFFF10]  }
0x42: {  	v15 =	vld [tilespmem:s7+$0xFFFFFF80];
	v7 =	vadd.f32 v8, v7;
	v8 =	vmul.f32 v5, v4  }
0x43: {  	v16 =	vld [tilespmem:s7+$0xFFFFFF90]  }
0x44: {  	v17 =	vld [tilespmem:s26+$0xFFFFFF80];
	v7 =	vadd.f32 v8, v7;
	v8 =	vmul.f32 v29, v6  }
0x45: {  	v21 =	vld [tilespmem:s26+$0xFFFFFF90]  }
0x46: {  	v20 =	vld [tilespmem:s7+$0x0];
	v7 =	vadd.f32 v8, v7;
	v8 =	vmul.f32 v40, v37  }
0x47: {  	v49 =	vld [tilespmem:s7+$0x10]  }
0x48: {  	v10 =	vld [tilespmem:s26+$0x0];
	v11 =	vmul.f32 v48, v46;
	v7 =	vadd.f32 v8, v7  }
0x49: {  	v14 =	vld [tilespmem:s26+$0x10]  }
0x4a: {  	v54 =	vld [tilespmem:s7+$0xFFFFFF00];
	v45 =	vmul.f32 v50, v9;
	v7 =	vadd.f32 v11, v7  }
0x4b: {  	v53 =	vld [tilespmem:s7+$0xFFFFFF20]  }
0x4c: {  	v32 =	vld [tilespmem:s26+$0xFFFFFF20];
	v47 =	vmul.f32 v24, v33;
	v7 =	vadd.f32 v45, v7  }
0x4d: {  	v22 =	vld [tilespmem:s7+$0xFFFFFFA0]  }
0x4e: {  	v12 =	vadd.f32 v47, v7;
	v7 =	vld [tilespmem:$0x1FFC0]  }
0x4f: {  	v52 =	vld [tilespmem:s26+$0xFFFFFFA0]  }
0x50: {  	v56 =	vld [tilespmem:s26+$0x20]  }
0x51: {  	v31 =	vld [tilespmem:s7+$0xFFFFFF30]  }
0x52: {  	v38 =	vld [tilespmem:s26+$0xFFFFFF30]  }
0x53: {  	v13 =	vperm.xlane v12, v7;
	v7 =	vld [tilespmem:$0x1FFD0]  }
0x54: {  	v28 =	vld [tilespmem:s7+$0xFFFFFFB0]  }
0x55: {  	v30 =	vld [tilespmem:s26+$0xFFFFFFB0]  }
0x56: {  	v19 =	vld [tilespmem:s7+$0x30];
	v13 =	vadd.f32 v12, v13  }
0x57: {  	v8 =	vld [tilespmem:s7+$0x20]  }
0x58: {  	v57 =	vld [tilespmem:s26+$0x30];
	v23 =	vperm.xlane v13, v7  }
0x59: {  	v34 =	vld [tilespmem:s7+$0xFFFFFF40]  }
0x5a: {  	v42 =	vld [tilespmem:s26+$0xFFFFFF40]  }
0x5b: {  	v7 =	vld [tilespmem:$0x1FFE0]  }
0x5c: {  	v13 =	vadd.f32 v13, v23;
	v23 =	vmov v8;
	v8 =	vld [tilespmem:s7+$0xFFFFFFC0];
	[tilespmem:$0x1FEE0] =	vst v18  }
0x5d: {  	[tilespmem:$0x1FEF0] =	vst v27  }
0x5e: {  	v36 =	vld [tilespmem:s26+$0xFFFFFFC0];
	[tilespmem:$0x1FF00] =	vst v15  }
0x5f: {  	[tilespmem:$0x1FF10] =	vst v17  }
0x60: {  	[tilespmem:$0x1FF20] =	vst v16  }
0x61: {  	v26 =	vperm.xlane v13, v7;
	[tilespmem:$0x1FF30] =	vst v21;
	v7 =	vld [tilespmem:$0x1FFF0]  }
0x62: {  	v35 =	vmul.f32 v27, v18;
	v43 =	vmul.f32 v21, v16;
	v21 =	vld [tilespmem:s7+$0x40];
	[tilespmem:$0x1FF40] =	vst v10  }
0x63: {  	v41 =	vmul.f32 v17, v15;
	v45 =	vmul.f32 v25, v54;
	v26 =	vadd.f32 v13, v26;
	v13 =	vld [tilespmem:s26+$0x40];
	[tilespmem:$0x1FF50] =	vst v14  }
0x64: {  	v58 =	vmul.f32 v32, v53;
	v39 =	vld [tilespmem:s7+$0xFFFFFF50];
	[tilespmem:$0x1FF60] =	vst v53  }
0x65: {  	v59 =	vmul.f32 v52, v22;
	v41 =	vadd.f32 v43, v41;
	v35 =	vadd.f32 v35, v45;
	v45 =	vld [tilespmem:s26+$0xFFFFFF50];
	[tilespmem:$0x1FF70] =	vst v22  }
0x66: {  	v44 =	vmul.f32 v10, v20;
	v62 =	vmul.f32 v57, v19;
	[tilespmem:$0x1FF80] =	vst v52  }
0x67: {  	v41 =	vadd.f32 v59, v41;
	v47 =	vmul.f32 v14, v49;
	v35 =	vadd.f32 v58, v35;
	v27 =	vld [tilespmem:s7+$0xFFFFFFD0];
	[tilespmem:$0x1FF90] =	vst v56  }
0x68: {  	v52 =	vmovc v28;
	v28 =	vmov v8;
	v8 =	vmul.f32 v38, v31;
	v51 =	vperm.xlane v26, v7;
	v43 =	vld [tilespmem:s26+$0xFFFFFFD0]  }
0x69: {  	v44 =	vadd.f32 v47, v44;
	v7 =	vmul.f32 v56, v23;
	v61 =	vmul.f32 v30, v52;
	v53 =	vld [tilespmem:s7+$0x50]  }
0x6a: {  	v63 =	vmul.f32 v42, v34;
	v8 =	vadd.f32 v8, v35;
	v35 =	vld [tilespmem:s26+$0x50];
	[tilespmem:$0x1FFA0] =	vst v57;
	v51 =	vadd.f32 v26, v51  }
0x6b: {  	v12 =	vmul.f32 v36, v28;
	v7 =	vadd.f32 v7, v44;
	v44 =	vld [tilespmem:s7+$0xFFFFFF60];
	v41 =	vadd.f32 v61, v41  }
0x6c: {  	v56 =	vld [tilespmem:s26+$0xFFFFFF60];
	[tilespmem:$0x1FFB0] =	vst v13;
	v57 =	vmul.f32 v13, v21;
	v8 =	vadd.f32 v63, v8;
	v60 =	vmul.f32 v51, v24  }
0x6d: {  	v47 =	vld [tilespmem:s26+$0xFFFFFFE0];
	v2 =	vmul.f32 v51, v2;
	v3 =	vmul.f32 v51, v3;
	v7 =	vadd.f32 v62, v7  }
0x6e: {  	v58 =	vld [tilespmem:s26+$0xFFFFFF70];
	v10 =	vadd.f32 v12, v41;
	v14 =	vmul.f32 v45, v39;
	v5 =	vmul.f32 v51, v5  }
0x6f: {  	v59 =	vmul.f32 v51, v29;
	v61 =	vmul.f32 v51, v48;
	v55 =	vsub.f32 v33, v60;
	v33 =	vld [tilespmem:s7+$0xFFFFFFE0]  }
0x70: {  	v24 =	vld [tilespmem:s7+$0x60];
	v7 =	vadd.f32 v57, v7;
	v8 =	vadd.f32 v14, v8;
	v15 =	vmul.f32 v43, v27  }
0x71: {  	v41 =	vld [tilespmem:s26+$0x60];
	v60 =	vsub.f32 v0, v2;
	v0 =	vmul.f32 v51, v40;
	v62 =	vsub.f32 v1, v3  }
0x72: {  	v48 =	vld [tilespmem:s7+$0xFFFFFF70];
	v1 =	vmul.f32 v35, v53;
	v63 =	vsub.f32 v4, v5;
	v5 =	vmul.f32 v51, v50  }
0x73: {  	v2 =	vsub.f32 v6, v59;
	v40 =	vld [tilespmem:s7+$0xFFFFFFF0];
	v3 =	vsub.f32 v46, v61;
	v6 =	vmul.f32 v56, v44;
	[tilespmem:s7+$0xF0] =	vst v55  }
0x74: {  	v57 =	vld [tilespmem:s26+$0xFFFFFFF0];
	v10 =	vadd.f32 v15, v10;
	v0 =	vsub.f32 v37, v0;
	[tilespmem:s7+$0x80] =	vst v60;
	v55 =	vmul.f32 v47, v33  }
0x75: {  	v46 =	vld [tilespmem:s26+$0x70];
	v4 =	vadd.f32 v1, v7;
	v1 =	vsub.f32 v9, v5;
	[tilespmem:s7+$0x90] =	vst v62  }
0x76: {  	s8 =	simm.s32 $0x0;
	s9 =	simm.s32 $0x500;
	v37 =	vld [tilespmem:s7+$0x70];
	[tilespmem:s7+$0xA0] =	vst v63;
	v6 =	vadd.f32 v6, v8;
	v50 =	vmul.f32 v41, v24;
	v5 =	vadd.f32 v55, v10  }
.LBB2_2:
0x77: {  	v7 =	vld [tilespmem:s9+$0x80]  }
0x78: {  	[tilespmem:$0x1FE50] =	vst v20;
	v14 =	vld [tilespmem:$0x1FFC0]  }
0x79: {  	[tilespmem:$0x1FE70] =	vst v19;
	v19 =	vld [tilespmem:$0x1FFD0]  }
0x7a: {  	[tilespmem:$0x1FE60] =	vst v49;
	v49 =	vld [tilespmem:$0x1FFE0]  }
0x7b: {  	[tilespmem:s7+$0xB0] =	vst v2;
	v20 =	vld [tilespmem:$0x1FFF0]  }
0x7c: {  	s26 =	sadd.s32 $0x200, s26;
	v8 =	vld [tilespmem:s9+$0x90];
	[tilespmem:s7+$0xC0] =	vst v0;
	v51 =	vmul.f32 v58, v48  }
0x7d: {  	v59 =	vld [tilespmem:s26+$0x80];
	[tilespmem:s7+$0xD0] =	vst v3  }
0x7e: {  	v60 =	vld [tilespmem:s26+$0x90];
	v2 =	vmul.f32 v57, v40;
	v0 =	vadd.f32 v51, v6  }
0x7f: {  	v4 =	vadd.f32 v50, v4;
	[tilespmem:s7+$0xE0] =	vst v1;
	v9 =	vld [tilespmem:s9+$0xA0]  }
0x80: {  	v3 =	vmul.f32 v46, v37;
	v61 =	vld [tilespmem:s26+$0xA0];
	v2 =	vadd.f32 v2, v5;
	v1 =	vperm.xlane v0, v14  }
0x81: {  	v10 =	vld [tilespmem:s9+$0xB0]  }
0x82: {  	v62 =	vld [tilespmem:s26+$0xB0];
	v3 =	vadd.f32 v3, v4;
	v5 =	vadd.f32 v0, v1;
	v0 =	vperm.xlane v2, v14  }
0x83: {  	v11 =	vld [tilespmem:s9+$0xC0];
	v4 =	vmul.f32 v60, v8;
	v1 =	vmul.f32 v59, v7  }
0x84: {  	v55 =	vperm.xlane v3, v14;
	v2 =	vadd.f32 v2, v0;
	v0 =	vld [tilespmem:s26+$0xC0]  }
0x85: {  	v51 =	vld [tilespmem:s9+$0xD0];
	v63 =	vmul.f32 v61, v9;
	v6 =	vperm.xlane v5, v19;
	v4 =	vadd.f32 v4, v1  }
0x86: {  	v3 =	vadd.f32 v3, v55;
	v1 =	vld [tilespmem:s26+$0xD0]  }
0x87: {  	[tilespmem:$0x1FEA0] =	vst v8;
	v8 =	vmul.f32 v62, v10;
	v55 =	vld [tilespmem:s9+$0xE0];
	v6 =	vadd.f32 v5, v6;
	v5 =	vadd.f32 v63, v4  }
0x88: {  	[tilespmem:$0x1FE90] =	vst v7;
	v12 =	vperm.xlane v3, v19;
	v7 =	vperm.xlane v2, v19;
	v63 =	vld [tilespmem:s26+$0xE0]  }
0x89: {  	v4 =	vld [tilespmem:s9+$0xF0];
	v8 =	vadd.f32 v8, v5;
	v13 =	vmul.f32 v0, v11  }
0x8a: {  	v3 =	vadd.f32 v3, v12;
	v2 =	vadd.f32 v2, v7;
	v5 =	vld [tilespmem:s26+$0xF0]  }
0x8b: {  	v7 =	vperm.xlane v6, v49;
	v50 =	vmul.f32 v1, v51;
	v8 =	vadd.f32 v13, v8  }
0x8c: {  	v12 =	vperm.xlane v3, v49  }
0x8d: {  	v6 =	vadd.f32 v6, v7;
	v8 =	vadd.f32 v50, v8;
	v50 =	vmul.f32 v63, v55  }
0x8e: {  	v15 =	vperm.xlane v2, v49;
	v12 =	vadd.f32 v3, v12  }
0x8f: {  	[tilespmem:$0x1FED0] =	vst v11;
	v11 =	vperm.xlane v6, v20;
	v3 =	vadd.f32 v50, v8;
	v8 =	vmul.f32 v5, v4  }
0x90: {  	v16 =	vld [tilespmem:s9+$0xFFFFFF80];
	v2 =	vadd.f32 v2, v15  }
0x91: {  	v11 =	vadd.f32 v6, v11;
	v8 =	vadd.f32 v8, v3;
	v3 =	vld [tilespmem:$0x1FEF0]  }
0x92: {  	[tilespmem:$0x1FEC0] =	vst v10;
	v10 =	vld [tilespmem:s26+$0xFFFFFF00];
	v22 =	vperm.xlane v12, v20;
	v15 =	vperm.xlane v2, v20  }
0x93: {  	v13 =	vld [tilespmem:s26+$0xFFFFFF10];
	v17 =	vmul.f32 v11, v25;
	v32 =	vmul.f32 v11, v32  }
0x94: {  	v7 =	vld [tilespmem:s9+$0xFFFFFF10];
	v38 =	vmul.f32 v11, v38;
	v42 =	vmul.f32 v11, v42  }
0x95: {  	v12 =	vadd.f32 v12, v22;
	v22 =	vld [tilespmem:s26+$0x0];
	v45 =	vmul.f32 v11, v45;
	v56 =	vmul.f32 v11, v56  }
0x96: {  	[tilespmem:$0x1FE80] =	vst v21;
	v21 =	vmul.f32 v11, v3;
	v11 =	vmul.f32 v11, v58;
	v58 =	vld [tilespmem:$0x1FF60]  }
0x97: {  	v50 =	vld [tilespmem:$0x1FEE0]  }
0x98: {  	[tilespmem:$0x1FEB0] =	vst v9;
	v9 =	vadd.f32 v2, v15;
	v15 =	vld [tilespmem:s26+$0xFFFFFF80];
	v2 =	vmov v13  }
0x99: {  	[tilespmem:$0x1FEF0] =	vst v2;
	v2 =	vld [tilespmem:s9+$0x10];
	v17 =	vsub.f32 v54, v17  }
0x9a: {  	v3 =	vld [tilespmem:s9+$0x0]  }
0x9b: {  	[tilespmem:s7+$0xFFFFFF00] =	vst v17;
	v17 =	vsub.f32 v58, v32;
	v58 =	vld [tilespmem:$0x1FF10]  }
0x9c: {  	v25 =	vmov v10;
	v10 =	vmul.f32 v13, v7;
	v13 =	vperm.xlane v8, v14;
	v32 =	vld [tilespmem:$0x1FF30]  }
0x9d: {  	v21 =	vsub.f32 v50, v21;
	v50 =	vmov v24;
	v24 =	vmov v23;
	v23 =	vld [tilespmem:s26+$0x10]  }
0x9e: {  	v54 =	vmov v7;
	v8 =	vadd.f32 v8, v13  }
0x9f: {  	[tilespmem:$0x1FEE0] =	vst v54;
	v7 =	vmul.f32 v15, v16  }
0xa0: {  	v31 =	vsub.f32 v31, v38;
	v54 =	vld [tilespmem:s9+$0xFFFFFF00];
	[tilespmem:s7+$0xFFFFFF10] =	vst v21;
	v21 =	vmul.f32 v9, v58;
	v58 =	vperm.xlane v8, v19  }
0xa1: {  	v29 =	vmovc v27;
	v27 =	vld [tilespmem:s9+$0xFFFFFF20];
	v14 =	vmul.f32 v9, v32;
	v19 =	vmov v15;
	v15 =	vmul.f32 v9, v30  }
0xa2: {  	v32 =	vld [tilespmem:s26+$0xFFFFFF20];
	v30 =	vmul.f32 v22, v3;
	[tilespmem:s7+$0xFFFFFF30] =	vst v31;
	v31 =	vmul.f32 v23, v2  }
0xa3: {  	v18 =	vld [tilespmem:s26+$0xFFFFFF90];
	v8 =	vadd.f32 v8, v58  }
0xa4: {  	v34 =	vsub.f32 v34, v42;
	v42 =	vadd.f32 v31, v30;
	v30 =	vld [tilespmem:$0x1FF40]  }
0xa5: {  	v26 =	vmov v52;
	v52 =	vld [tilespmem:s26+$0xFFFFFFA0];
	v58 =	vmul.f32 v9, v36;
	v36 =	vperm.xlane v8, v49  }
0xa6: {  	v6 =	vld [tilespmem:s9+$0xFFFFFF90];
	[tilespmem:s7+$0xFFFFFF20] =	vst v17;
	v49 =	vsub.f32 v39, v45  }
0xa7: {  	v38 =	vld [tilespmem:$0x1FF80];
	[tilespmem:s7+$0xFFFFFF40] =	vst v34;
	v8 =	vadd.f32 v8, v36  }
0xa8: {  	v31 =	vld [tilespmem:s9+$0xFFFFFF30];
	[tilespmem:s7+$0xFFFFFF50] =	vst v49  }
0xa9: {  	v49 =	vsub.f32 v44, v56;
	v44 =	vmul.f32 v12, v30;
	v30 =	vld [tilespmem:$0x1FF50];
	v36 =	vperm.xlane v8, v20;
	v20 =	vmovc v23  }
0xaa: {  	[tilespmem:$0x1FF50] =	vst v20;
	v20 =	vld [tilespmem:$0x1FF90]  }
0xab: {  	v17 =	vld [tilespmem:s9+$0xFFFFFFA0];
	[tilespmem:$0x1FF10] =	vst v19;
	v19 =	vmov v18  }
0xac: {  	[tilespmem:$0x1FF30] =	vst v19;
	v19 =	vld [tilespmem:s9+$0x20]  }
0xad: {  	v13 =	vmul.f32 v18, v6;
	v39 =	vld [tilespmem:s26+$0x20]  }
0xae: {  	v18 =	vmul.f32 v25, v54;
	v45 =	vld [tilespmem:$0x1FF20]  }
0xaf: {  	v7 =	vadd.f32 v13, v7;
	v11 =	vsub.f32 v48, v11;
	v23 =	vmul.f32 v12, v20;
	v20 =	vld [tilespmem:$0x1FFA0]  }
0xb0: {  	v13 =	vmul.f32 v9, v38;
	v10 =	vadd.f32 v10, v18;
	v18 =	vmul.f32 v32, v27;
	v38 =	vld [tilespmem:s26+$0xFFFFFF30]  }
0xb1: {  	[tilespmem:s7+$0xFFFFFF70] =	vst v11;
	v8 =	vadd.f32 v8, v36;
	v36 =	vld [tilespmem:$0x1FF00]  }
0xb2: {  	v43 =	vmul.f32 v9, v43;
	v10 =	vadd.f32 v18, v10;
	v18 =	vld [tilespmem:s9+$0xFFFFFFB0];
	[tilespmem:s7+$0xFFFFFF60] =	vst v49;
	v49 =	vmul.f32 v39, v19  }
0xb3: {  	v47 =	vmul.f32 v9, v47;
	[tilespmem:$0x1FF80] =	vst v52;
	v9 =	vmul.f32 v9, v57;
	v34 =	vld [tilespmem:s9+$0xFFFFFF40]  }
0xb4: {  	v57 =	vmul.f32 v12, v35;
	v35 =	vadd.f32 v49, v42;
	v49 =	vld [tilespmem:$0x1FF70];
	v48 =	vmul.f32 v12, v20;
	v20 =	vmovc v39  }
0xb5: {  	v56 =	vmul.f32 v12, v30;
	v30 =	vmov v22;
	[tilespmem:$0x1FF90] =	vst v20;
	v20 =	vld [tilespmem:$0x1FFB0]  }
0xb6: {  	[tilespmem:$0x1FF40] =	vst v30;
	v30 =	vld [tilespmem:s26+$0xFFFFFFB0];
	v11 =	vsub.f32 v36, v21;
	v36 =	vmul.f32 v8, v5  }
0xb7: {  	[tilespmem:$0x1FF60] =	vst v27;
	v42 =	vld [tilespmem:s26+$0xFFFFFF40];
	v22 =	vmul.f32 v52, v17;
	v27 =	vmul.f32 v38, v31  }
0xb8: {  	v52 =	vld [tilespmem:s26+$0x30];
	v0 =	vmul.f32 v8, v0;
	v5 =	vmov v6;
	[tilespmem:s7+$0xFFFFFF80] =	vst v11;
	v4 =	vsub.f32 v4, v36  }
0xb9: {  	v7 =	vadd.f32 v22, v7;
	v6 =	vmul.f32 v8, v60;
	[tilespmem:$0x1FF20] =	vst v5;
	v11 =	vsub.f32 v45, v14;
	v36 =	vld [tilespmem:s26+$0xFFFFFFC0]  }
0xba: {  	v60 =	vsub.f32 v26, v15;
	[tilespmem:s9+$0xF0] =	vst v4;
	v21 =	vmul.f32 v12, v20;
	v20 =	vmov v16;
	v16 =	vld [tilespmem:s9+$0xFFFFFFC0]  }
0xbb: {  	v22 =	vld [tilespmem:s9+$0x30];
	v10 =	vadd.f32 v27, v10;
	v27 =	vmul.f32 v30, v18;
	[tilespmem:s7+$0xFFFFFF90] =	vst v11;
	v11 =	vsub.f32 v49, v13  }
0xbc: {  	v1 =	vmul.f32 v8, v1;
	v5 =	vmul.f32 v8, v59;
	v45 =	vld [tilespmem:s26+$0xFFFFFF50];
	[tilespmem:s7+$0xFFFFFFB0] =	vst v60  }
0xbd: {  	v14 =	vmul.f32 v12, v41;
	v4 =	vmul.f32 v8, v62;
	v39 =	vld [tilespmem:s9+$0xFFFFFF50];
	v7 =	vadd.f32 v27, v7;
	[tilespmem:s7+$0xFFFFFFA0] =	vst v11  }
0xbe: {  	v12 =	vmul.f32 v12, v46;
	v46 =	vmul.f32 v8, v61;
	[tilespmem:$0x1FF00] =	vst v20;
	v20 =	vmov v17;
	v27 =	vld [tilespmem:s9+$0xFFFFFFD0]  }
0xbf: {  	v8 =	vmul.f32 v8, v63;
	v17 =	vsub.f32 v29, v43;
	v43 =	vld [tilespmem:s26+$0xFFFFFFD0];
	v63 =	vmul.f32 v36, v16  }
0xc0: {  	v59 =	vld [tilespmem:s26+$0x40];
	[tilespmem:$0x1FFA0] =	vst v52;
	v61 =	vmul.f32 v42, v34  }
0xc1: {  	v52 =	vmul.f32 v52, v22;
	[tilespmem:$0x1FF70] =	vst v20;
	v20 =	vmov v3;
	v3 =	vadd.f32 v63, v7;
	v7 =	vld [tilespmem:s9+$0x50]  }
0xc2: {  	v62 =	vsub.f32 v28, v58;
	v58 =	vld [tilespmem:$0x1FE50];
	v49 =	vmovc v2;
	v2 =	vmul.f32 v45, v39;
	v10 =	vadd.f32 v61, v10  }
0xc3: {  	v41 =	vadd.f32 v52, v35;
	v35 =	vld [tilespmem:s26+$0x50]  }
0xc4: {  	v10 =	vadd.f32 v2, v10;
	v28 =	vmov v16;
	v16 =	vld [tilespmem:$0x1FE60];
	v2 =	vmul.f32 v43, v27  }
0xc5: {  	v52 =	vmov v18;
	v18 =	vld [tilespmem:$0x1FE70]  }
0xc6: {  	v61 =	vsub.f32 v53, v57;
	v53 =	vmov v7;
	v7 =	vadd.f32 v2, v3;
	v2 =	vld [tilespmem:$0x1FEB0]  }
0xc7: {  	v33 =	vsub.f32 v33, v47;
	v13 =	vld [tilespmem:s9+$0x40]  }
0xc8: {  	v9 =	vsub.f32 v40, v9;
	v60 =	vld [tilespmem:$0x1FE80];
	[tilespmem:s7+$0xFFFFFFC0] =	vst v62  }
0xc9: {  	v11 =	vsub.f32 v58, v44;
	v44 =	vld [tilespmem:s9+$0xFFFFFF60];
	[tilespmem:s7+$0xFFFFFFE0] =	vst v33;
	v16 =	vsub.f32 v16, v56  }
0xca: {  	[tilespmem:s7+$0xFFFFFFF0] =	vst v9;
	v62 =	vld [tilespmem:$0x1FE90]  }
0xcb: {  	[tilespmem:s7+$0x10] =	vst v16;
	v16 =	vsub.f32 v2, v46;
	v2 =	vld [tilespmem:$0x1FEC0]  }
0xcc: {  	[tilespmem:s7+$0xFFFFFFD0] =	vst v17;
	v17 =	vsub.f32 v24, v23;
	v24 =	vld [tilespmem:s9+$0x60]  }
0xcd: {  	v33 =	vld [tilespmem:s9+$0xFFFFFFE0]  }
0xce: {  	[tilespmem:$0x1FFB0] =	vst v59;
	v63 =	vld [tilespmem:$0x1FEA0]  }
0xcf: {  	v18 =	vsub.f32 v18, v48;
	[tilespmem:s7+$0x0] =	vst v11;
	v56 =	vld [tilespmem:s26+$0xFFFFFF60]  }
0xd0: {  	[tilespmem:s7+$0x20] =	vst v17;
	v5 =	vsub.f32 v62, v5;
	v2 =	vsub.f32 v2, v4;
	v4 =	vld [tilespmem:$0x1FED0]  }
0xd1: {  	v59 =	vmul.f32 v59, v13;
	v9 =	vsub.f32 v60, v21;
	v47 =	vld [tilespmem:s26+$0xFFFFFFE0];
	[tilespmem:s7+$0x30] =	vst v18  }
0xd2: {  	s8 =	sadd.s32 $0x4, s8;
	v58 =	vld [tilespmem:s26+$0xFFFFFF70];
	[tilespmem:s9+$0x80] =	vst v5  }
0xd3: {  	p0 =	slt.u32 s8, $0x7C;
	v14 =	vsub.f32 v50, v14;
	v15 =	vadd.f32 v59, v41;
	v3 =	vmul.f32 v35, v53;
	v41 =	vld [tilespmem:s26+$0x60];
	[tilespmem:s7+$0x40] =	vst v9  }
.Ltmp0:
0xd4: {  	v12 =	vsub.f32 v37, v12;
	v48 =	vld [tilespmem:s9+$0xFFFFFF70];
	v21 =	vmov v13;
	v13 =	vsub.f32 v63, v6;
	[tilespmem:s7+$0x50] =	vst v61;
	(pc) =	sbr.rel @p0 .LBB2_2-.Ltmp0, $4  }
0xd5: {  	v40 =	vld [tilespmem:s9+$0xFFFFFFF0];
	[tilespmem:s7+$0x60] =	vst v14;
	v6 =	vmul.f32 v56, v44;
	v0 =	vsub.f32 v4, v0;
	v4 =	vadd.f32 v3, v15  }
0xd6: {  	v57 =	vld [tilespmem:s26+$0xFFFFFFF0];
	[tilespmem:s7+$0x70] =	vst v12;
	v3 =	vsub.f32 v51, v1;
	v1 =	vsub.f32 v55, v8;
	v8 =	vmul.f32 v47, v33  }
0xd7: {  	v23 =	vmov v19;
	v19 =	vmov v22;
	s7 =	smov.u32 s9;
	v37 =	vld [tilespmem:s9+$0x70];
	[tilespmem:s9+$0x90] =	vst v13  }
0xd8: {  	s9 =	sadd.s32 $0x200, s9;
	v6 =	vadd.f32 v6, v10;
	v46 =	vld [tilespmem:s26+$0x70];
	v50 =	vmul.f32 v41, v24;
	[tilespmem:s7+$0xA0] =	vst v16;
	v5 =	vadd.f32 v8, v7  }
0xd9: {  	v10 =	vld [tilespmem:$0x1FFC0]  }
0xda: {  	v7 =	vmul.f32 v58, v48;
	_ =	sdelay $0x1  }
0xdb: {  	v6 =	vadd.f32 v7, v6  }
0xdc: {  	v11 =	vld [tilespmem:$0x1FFD0]  }
0xdd: {  	v7 =	vperm.xlane v6, v10;
	_ =	sdelay $0x1  }
0xde: {  	v6 =	vadd.f32 v6, v7  }
0xdf: {  	v12 =	vld [tilespmem:$0x1FFE0]  }
0xe0: {  	v7 =	vmul.f32 v57, v40;
	v8 =	vperm.xlane v6, v11;
	_ =	sdelay $0x1  }
0xe1: {  	v5 =	vadd.f32 v7, v5;
	v6 =	vadd.f32 v6, v8  }
0xe2: {  	v13 =	vld [tilespmem:$0x1FFF0]  }
0xe3: {  	v7 =	vperm.xlane v5, v10;
	v8 =	vperm.xlane v6, v12;
	_ =	sdelay $0x1  }
0xe4: {  	v5 =	vadd.f32 v5, v7;
	v6 =	vadd.f32 v6, v8  }
0xe5: {  	v4 =	vadd.f32 v50, v4;
	v7 =	vmul.f32 v46, v37  }
0xe6: {  	v8 =	vperm.xlane v5, v11;
	v9 =	vperm.xlane v6, v13  }
0xe7: {  	v4 =	vadd.f32 v7, v4  }
0xe8: {  	v5 =	vadd.f32 v5, v8;
	v6 =	vadd.f32 v6, v9  }
0xe9: {  	v7 =	vperm.xlane v4, v10  }
0xea: {  	[tilespmem:s7+$0xB0] =	vst v2;
	v2 =	vperm.xlane v5, v12;
	v8 =	vmul.f32 v6, v25  }
0xeb: {  	[tilespmem:s7+$0xC0] =	vst v0;
	v0 =	vadd.f32 v4, v7  }
0xec: {  	v4 =	vld [tilespmem:$0x1FEF0];
	[tilespmem:s7+$0xD0] =	vst v3;
	v2 =	vadd.f32 v5, v2;
	v5 =	vsub.f32 v54, v8  }
0xed: {  	[tilespmem:s7+$0xE0] =	vst v1  }
0xee: {  	v8 =	vld [tilespmem:$0x1FEE0];
	[tilespmem:s7+$0xFFFFFF00] =	vst v5  }
0xef: {  	v5 =	vld [tilespmem:$0x1FF60];
	_ =	sdelay $0x1  }
0xf0: {  	v4 =	vmul.f32 v6, v4  }
0xf1: {  	v3 =	vmul.f32 v6, v32  }
0xf2: {  	v1 =	vperm.xlane v0, v11;
	v7 =	vmul.f32 v6, v38;
	v4 =	vsub.f32 v8, v4  }
0xf3: {  	v9 =	vmul.f32 v6, v42;
	v3 =	vsub.f32 v5, v3  }
0xf4: {  	v0 =	vadd.f32 v0, v1;
	v1 =	vmul.f32 v6, v45;
	[tilespmem:s7+$0xFFFFFF10] =	vst v4;
	v4 =	vsub.f32 v31, v7  }
0xf5: {  	v5 =	vmul.f32 v6, v56;
	[tilespmem:s7+$0xFFFFFF20] =	vst v3;
	v3 =	vsub.f32 v34, v9  }
0xf6: {  	v1 =	vsub.f32 v39, v1;
	[tilespmem:s7+$0xFFFFFF30] =	vst v4  }
0xf7: {  	v4 =	vperm.xlane v0, v12;
	v7 =	vld [tilespmem:$0x1FF10];
	[tilespmem:s7+$0xFFFFFF40] =	vst v3;
	v3 =	vsub.f32 v44, v5  }
0xf8: {  	v5 =	vld [tilespmem:$0x1FF30];
	[tilespmem:s7+$0xFFFFFF50] =	vst v1  }
0xf9: {  	v8 =	vperm.xlane v2, v13;
	v0 =	vadd.f32 v0, v4;
	v4 =	vld [tilespmem:$0x1FF80];
	[tilespmem:s7+$0xFFFFFF60] =	vst v3  }
0xfa: {  	v3 =	vld [tilespmem:$0x1FF00]  }
0xfb: {  	v2 =	vadd.f32 v2, v8  }
0xfc: {  	v6 =	vmul.f32 v6, v58  }
0xfd: {  	v7 =	vmul.f32 v2, v7  }
0xfe: {  	v1 =	vsub.f32 v48, v6  }
0xff: {  	v3 =	vsub.f32 v3, v7  }
0x100: {  	[tilespmem:s7+$0xFFFFFF70] =	vst v1  }
0x101: {  	v1 =	vld [tilespmem:$0x1FF20];
	[tilespmem:s7+$0xFFFFFF80] =	vst v3  }
0x102: {  	v3 =	vld [tilespmem:$0x1FF70];
	_ =	sdelay $0x1  }
0x103: {  	v5 =	vmul.f32 v2, v5  }
0x104: {  	v4 =	vmul.f32 v2, v4  }
0x105: {  	v6 =	vmul.f32 v2, v30;
	v1 =	vsub.f32 v1, v5  }
0x106: {  	v7 =	vmul.f32 v2, v36;
	v5 =	vperm.xlane v0, v13;
	v3 =	vsub.f32 v3, v4  }
0x107: {  	[tilespmem:s7+$0xFFFFFF90] =	vst v1;
	v1 =	vsub.f32 v52, v6;
	v4 =	vmul.f32 v2, v43  }
0x108: {  	v0 =	vadd.f32 v0, v5;
	v5 =	vmul.f32 v2, v47;
	[tilespmem:s7+$0xFFFFFFA0] =	vst v3;
	v3 =	vsub.f32 v28, v7  }
0x109: {  	[tilespmem:s7+$0xFFFFFFB0] =	vst v1;
	v2 =	vmul.f32 v2, v57;
	v1 =	vsub.f32 v27, v4  }
0x10a: {  	v5 =	vsub.f32 v33, v5;
	v4 =	vld [tilespmem:$0x1FF40];
	[tilespmem:s7+$0xFFFFFFC0] =	vst v3  }
0x10b: {  	v2 =	vsub.f32 v40, v2;
	v3 =	vld [tilespmem:$0x1FF50];
	[tilespmem:s7+$0xFFFFFFD0] =	vst v1  }
0x10c: {  	v1 =	vld [tilespmem:$0x1FF90];
	[tilespmem:s7+$0xFFFFFFE0] =	vst v5  }
0x10d: {  	v5 =	vld [tilespmem:$0x1FFA0];
	[tilespmem:s7+$0xFFFFFFF0] =	vst v2  }
0x10e: {  	v2 =	vld [tilespmem:$0x1FFB0]  }
0x10f: {  	v4 =	vmul.f32 v0, v4  }
0x110: {  	v3 =	vmul.f32 v0, v3  }
0x111: {  	v4 =	vsub.f32 v20, v4;
	v1 =	vmul.f32 v0, v1  }
0x112: {  	v5 =	vmul.f32 v0, v5;
	v3 =	vsub.f32 v49, v3  }
0x113: {  	[tilespmem:s7+$0x0] =	vst v4;
	v2 =	vmul.f32 v0, v2;
	v1 =	vsub.f32 v23, v1  }
0x114: {  	v4 =	vmul.f32 v0, v35;
	v5 =	vsub.f32 v19, v5;
	[tilespmem:s7+$0x10] =	vst v3  }
0x115: {  	v3 =	vmul.f32 v0, v41;
	v2 =	vsub.f32 v21, v2;
	[tilespmem:s7+$0x20] =	vst v1  }
0x116: {  	v0 =	vmul.f32 v0, v46;
	v1 =	vsub.f32 v53, v4;
	[tilespmem:s7+$0x30] =	vst v5  }
0x117: {  	v3 =	vsub.f32 v24, v3;
	[tilespmem:s7+$0x40] =	vst v2  }
0x118: {  	v0 =	vsub.f32 v37, v0;
	[tilespmem:s7+$0x50] =	vst v1  }
0x119: {  	[tilespmem:s7+$0x60] =	vst v3  }
0x11a: {  	[tilespmem:s7+$0x70] =	vst v0  }
0x11b: {  	s7 =	simm.s32 $0x0;
	s8 =	rddreg [dreg:$0xb]  }
0x11c: {  	[hbm4b:s8+s7] =	stream.linear.scatter [tilespmem:s21], [sflag:$0x7], $0x4000, $0x38;
	[tilespmem:$0x18200] =	vst v63  }
0x11d: {  	_ =	swait.ge [sflag:s30], $0x4000  }
0x11e: {  	[sflag:s30] =	ssyncset.done $0x0  }
0x11f: {  	[sflag:s30] =	ssyncadd.s32 $0xFFFFC000  }
0x120: {  	_ =	swait.ge [sflag:s31], $0x4000  }
0x121: {  	[sflag:s31] =	ssyncset.done $0x0  }
0x122: {  	s9 =	simm.s32 $0x180;
	[sflag:s31] =	ssyncadd.s32 $0xFFFFC000  }
0x123: {  	[tilespmem:s20], [sflag:$0x1] =	stream.indirect.gather [hbm4b:s1+s19], $0x80, s9, s19, $0xb8;
	[tilespmem:$0x18200] =	vst v63  }
0x124: {  	_ = 	snop  }
0x125: {  	[tilespmem:s21], [sflag:$0x4] =	stream.linear.gather [hbm4b:s10+s7], $0x4000, $0x38;
	[tilespmem:$0x18200] =	vst v63  }
0x126: {  	_ =	swait.ge [sflag:s2], $0x4000  }
0x127: {  	[sflag:s2] =	ssyncset.done $0x0  }
0x128: {  	[sflag:s2] =	ssyncadd.s32 $0xFFFFC000  }
0x129: {  	_ =	swait.ge [sflag:s24], $0x4000  }
0x12a: {  	[sflag:s24] =	ssyncset.done $0x0  }
0x12b: {  	s26 =	simm.s32 $0x10200;
	[sflag:s24] =	ssyncadd.s32 $0xFFFFC000  }
0x12c: {  	[hbm4b:s11+s7] =	stream.linear.scatter [tilespmem:s26], [sflag:$0xB], $0x4000, $0x38;
	[tilespmem:$0x18200] =	vst v63  }
0x12d: {  	s7 =	simm.s32 $0x0  }
0x12e: {  	v0 =	vld [tilespmem:s7+$0x4380]  }
0x12f: {  	v1 =	vld [tilespmem:s7+$0x4390]  }
0x130: {  	v2 =	vld [tilespmem:s7+$0x10380]  }
0x131: {  	v3 =	vld [tilespmem:s7+$0x10390]  }
0x132: {  	v4 =	vld [tilespmem:s7+$0x43A0]  }
0x133: {  	v5 =	vld [tilespmem:s7+$0x103A0]  }
0x134: {  	v37 =	vld [tilespmem:s7+$0x43B0]  }
0x135: {  	v25 =	vld [tilespmem:s7+$0x103B0]  }
0x136: {  	v42 =	vld [tilespmem:s7+$0x43C0]  }
0x137: {  	v39 =	vld [tilespmem:s7+$0x103C0]  }
0x138: {  	v14 =	vld [tilespmem:s7+$0x43D0]  }
0x139: {  	v48 =	vld [tilespmem:s7+$0x103D0]  }
0x13a: {  	v49 =	vld [tilespmem:s7+$0x43E0]  }
0x13b: {  	v16 =	vld [tilespmem:s7+$0x103E0]  }
0x13c: {  	v34 =	vld [tilespmem:s7+$0x43F0]  }
0x13d: {  	v19 =	vld [tilespmem:s7+$0x103F0]  }
0x13e: {  	v20 =	vld [tilespmem:s7+$0x4200]  }
0x13f: {  	v21 =	vld [tilespmem:s7+$0x4210]  }
0x140: {  	v50 =	vld [tilespmem:s7+$0x10200]  }
0x141: {  	v58 =	vld [tilespmem:s7+$0x10210]  }
0x142: {  	v59 =	vld [tilespmem:s7+$0x10280]  }
0x143: {  	v41 =	vld [tilespmem:s7+$0x10290]  }
0x144: {  	v26 =	vld [tilespmem:s7+$0x4300];
	v6 =	vmul.f32 v2, v0;
	v7 =	vmul.f32 v3, v1  }
0x145: {  	v24 =	vld [tilespmem:s7+$0x4310]  }
0x146: {  	v29 =	vld [tilespmem:s7+$0x10300];
	v8 =	vmul.f32 v5, v4;
	v6 =	vadd.f32 v7, v6  }
0x147: {  	v46 =	vld [tilespmem:s7+$0x10310]  }
0x148: {  	v56 =	vld [tilespmem:s7+$0x4220];
	v9 =	vmul.f32 v25, v37;
	v6 =	vadd.f32 v8, v6  }
0x149: {  	v31 =	vld [tilespmem:s7+$0x10220]  }
0x14a: {  	v57 =	vld [tilespmem:s7+$0x42A0];
	v6 =	vadd.f32 v9, v6;
	v9 =	vmul.f32 v39, v42  }
0x14b: {  	v30 =	vld [tilespmem:s7+$0x102A0]  }
0x14c: {  	v18 =	vld [tilespmem:s7+$0x4320];
	v6 =	vadd.f32 v9, v6;
	v9 =	vmul.f32 v48, v14  }
0x14d: {  	v63 =	vld [tilespmem:s7+$0x10320]  }
0x14e: {  	v28 =	vld [tilespmem:s7+$0x4230];
	v6 =	vadd.f32 v9, v6;
	v9 =	vmul.f32 v16, v49  }
0x14f: {  	v38 =	vld [tilespmem:s7+$0x10230]  }
0x150: {  	v23 =	vld [tilespmem:s7+$0x102B0];
	v6 =	vadd.f32 v9, v6;
	v9 =	vmul.f32 v19, v34  }
0x151: {  	v27 =	vld [tilespmem:s7+$0x4330]  }
0x152: {  	v36 =	vld [tilespmem:s7+$0x4240];
	v9 =	vadd.f32 v9, v6  }
0x153: {  	v43 =	vld [tilespmem:s7+$0x10240]  }
0x154: {  	v7 =	vld [tilespmem:s7+$0x4280];
	v10 =	vperm.xlane v9, v10  }
0x155: {  	v8 =	vld [tilespmem:s7+$0x4290]  }
0x156: {  	v6 =	vld [tilespmem:s7+$0x10330];
	v9 =	vadd.f32 v9, v10  }
0x157: {  	v10 =	vld [tilespmem:s7+$0x42B0];
	[tilespmem:$0x1FD80] =	vst v20  }
0x158: {  	v53 =	vld [tilespmem:s7+$0x42C0];
	[tilespmem:$0x1FD90] =	vst v21;
	v15 =	vperm.xlane v9, v11  }
0x159: {  	[tilespmem:$0x1FDA0] =	vst v58  }
0x15a: {  	[tilespmem:$0x1FDB0] =	vst v59;
	v15 =	vadd.f32 v9, v15  }
0x15b: {  	v33 =	vld [tilespmem:s7+$0x102C0];
	[tilespmem:$0x1FDC0] =	vst v8  }
0x15c: {  	[tilespmem:$0x1FDD0] =	vst v41;
	v17 =	vperm.xlane v15, v12  }
0x15d: {  	v22 =	vmul.f32 v50, v20;
	v58 =	vmul.f32 v58, v21;
	[tilespmem:$0x1FDE0] =	vst v29  }
0x15e: {  	v59 =	vmul.f32 v59, v7;
	v41 =	vmul.f32 v41, v8;
	v60 =	vadd.f32 v15, v17;
	v17 =	vld [tilespmem:s7+$0x4340];
	[tilespmem:$0x1FDF0] =	vst v46  }
0x15f: {  	v61 =	vmul.f32 v29, v26;
	v22 =	vadd.f32 v58, v22;
	v9 =	vmov v7;
	v7 =	vld [tilespmem:s7+$0x10340];
	[tilespmem:$0x1FE00] =	vst v56  }
0x160: {  	v52 =	vmul.f32 v30, v57;
	v62 =	vadd.f32 v41, v59;
	v46 =	vmul.f32 v46, v24;
	v41 =	vld [tilespmem:s7+$0x4250];
	[tilespmem:$0x1FE10] =	vst v30  }
0x161: {  	v12 =	vmul.f32 v31, v56;
	v51 =	vperm.xlane v60, v13;
	[tilespmem:$0x1FE20] =	vst v57  }
0x162: {  	v35 =	vadd.f32 v52, v62;
	v62 =	vmul.f32 v33, v53;
	v45 =	vadd.f32 v46, v61;
	v46 =	vld [tilespmem:s7+$0x10250]  }
0x163: {  	v13 =	vadd.f32 v12, v22;
	v22 =	vmovc v10;
	v10 =	vmul.f32 v63, v18;
	v40 =	vld [tilespmem:s7+$0x102D0];
	v8 =	vadd.f32 v60, v51  }
0x164: {  	v57 =	vmul.f32 v38, v28;
	v61 =	vmul.f32 v43, v36;
	v51 =	vld [tilespmem:s7+$0x42D0]  }
0x165: {  	v59 =	vmul.f32 v23, v22;
	v58 =	vmul.f32 v8, v19;
	v19 =	vld [tilespmem:s7+$0x4350];
	[tilespmem:$0x1FE30] =	vst v6  }
0x166: {  	v10 =	vadd.f32 v10, v45;
	v44 =	vadd.f32 v57, v13;
	v60 =	vmul.f32 v6, v27;
	v45 =	vld [tilespmem:s7+$0x4260]  }
0x167: {  	v35 =	vadd.f32 v59, v35;
	v2 =	vmul.f32 v8, v2;
	v52 =	vsub.f32 v34, v58;
	v34 =	vld [tilespmem:s7+$0x10350];
	[tilespmem:$0x1FE40] =	vst v7  }
0x168: {  	v3 =	vmul.f32 v8, v3;
	v6 =	vadd.f32 v60, v10;
	v12 =	vmul.f32 v7, v17;
	v55 =	vld [tilespmem:s7+$0x10260]  }
0x169: {  	v5 =	vmul.f32 v8, v5;
	v59 =	vmul.f32 v8, v25;
	v57 =	vadd.f32 v62, v35;
	v35 =	vld [tilespmem:s7+$0x42E0]  }
0x16a: {  	v56 =	vadd.f32 v61, v44;
	v48 =	vmul.f32 v8, v48;
	v13 =	vmul.f32 v46, v41;
	v44 =	vld [tilespmem:s7+$0x102E0]  }
0x16b: {  	v6 =	vadd.f32 v12, v6;
	v47 =	vsub.f32 v0, v2;
	v0 =	vmul.f32 v8, v39;
	v21 =	vld [tilespmem:s7+$0x4360]  }
0x16c: {  	v61 =	vsub.f32 v1, v3;
	v62 =	vsub.f32 v4, v5;
	v32 =	vmul.f32 v40, v51;
	v39 =	vld [tilespmem:s7+$0x10360]  }
0x16d: {  	v2 =	vsub.f32 v37, v59;
	v3 =	vsub.f32 v14, v48;
	v54 =	vld [tilespmem:s7+$0x4270];
	v1 =	vmul.f32 v34, v19  }
0x16e: {  	v5 =	vmul.f32 v8, v16;
	v60 =	vld [tilespmem:s7+$0x10270];
	v56 =	vadd.f32 v13, v56;
	[tilespmem:s7+$0x43F0] =	vst v52;
	v57 =	vadd.f32 v32, v57  }
0x16f: {  	v37 =	vld [tilespmem:s7+$0x4370];
	[tilespmem:s7+$0x4380] =	vst v47;
	v59 =	vmul.f32 v55, v45;
	v4 =	vadd.f32 v1, v6;
	v6 =	vmul.f32 v44, v35  }
0x170: {  	v0 =	vsub.f32 v42, v0;
	v42 =	vld [tilespmem:s7+$0x42F0];
	[tilespmem:s7+$0x4390] =	vst v61;
	v1 =	vsub.f32 v49, v5  }
0x171: {  	s8 =	simm.s32 $0x800;
	s26 =	simm.s32 $0x0;
	v52 =	vld [tilespmem:s7+$0x102F0];
	[tilespmem:s7+$0x43A0] =	vst v62;
	v48 =	vmul.f32 v39, v21;
	v49 =	vadd.f32 v59, v56;
	v5 =	vadd.f32 v6, v57  }
.LBB2_4:
0x172: {  	v57 =	vld [tilespmem:s7+$0x10370]  }
0x173: {  	v30 =	vld [tilespmem:$0x1FFC0]  }
0x174: {  	s9 =	sshra.s32 s8, $0x2;
	[tilespmem:s7+$0x43B0] =	vst v2;
	v32 =	vld [tilespmem:$0x1FFD0]  }
0x175: {  	v6 =	vld [tilespmem:s9+$0x4380];
	[tilespmem:s7+$0x43C0] =	vst v0  }
0x176: {  	v7 =	vld [tilespmem:s9+$0x4390];
	[tilespmem:s7+$0x43D0] =	vst v3  }
0x177: {  	v58 =	vld [tilespmem:s9+$0x10380];
	[tilespmem:s7+$0x43E0] =	vst v1  }
0x178: {  	v2 =	vmul.f32 v60, v54;
	v59 =	vld [tilespmem:s9+$0x10390]  }
0x179: {  	v4 =	vadd.f32 v48, v4;
	v8 =	vld [tilespmem:s9+$0x43A0];
	v3 =	vmul.f32 v57, v37  }
0x17a: {  	v61 =	vld [tilespmem:s9+$0x103A0];
	v0 =	vadd.f32 v2, v49  }
0x17b: {  	v10 =	vld [tilespmem:s9+$0x43B0];
	v2 =	vmul.f32 v52, v42;
	v3 =	vadd.f32 v3, v4  }
0x17c: {  	[tilespmem:$0x1FD00] =	vst v17;
	v17 =	vmov v9;
	v62 =	vld [tilespmem:s9+$0x103B0];
	v1 =	vperm.xlane v0, v30;
	v4 =	vmul.f32 v58, v6  }
0x17d: {  	v9 =	vld [tilespmem:$0x1FFE0];
	[tilespmem:$0x1FD30] =	vst v6;
	v2 =	vadd.f32 v2, v5;
	v5 =	vmul.f32 v59, v7;
	v6 =	vperm.xlane v3, v30  }
0x17e: {  	v14 =	vld [tilespmem:$0x1FFF0];
	v1 =	vadd.f32 v0, v1  }
0x17f: {  	v11 =	vld [tilespmem:s9+$0x43C0];
	v4 =	vadd.f32 v5, v4;
	v5 =	vmul.f32 v61, v8;
	v3 =	vadd.f32 v3, v6  }
0x180: {  	[tilespmem:$0x1FCF0] =	vst v51;
	v51 =	vmov v63;
	v63 =	vld [tilespmem:s9+$0x103C0];
	v0 =	vperm.xlane v2, v30;
	v56 =	vperm.xlane v1, v32  }
0x181: {  	v49 =	vld [tilespmem:s9+$0x43D0];
	[tilespmem:$0x1FD60] =	vst v10;
	v4 =	vadd.f32 v5, v4;
	v5 =	vmul.f32 v62, v10;
	v10 =	vperm.xlane v3, v32  }
0x182: {  	v2 =	vadd.f32 v2, v0;
	v0 =	vld [tilespmem:s9+$0x103D0]  }
0x183: {  	[tilespmem:$0x1FD50] =	vst v8;
	v8 =	vadd.f32 v1, v56;
	v56 =	vld [tilespmem:s9+$0x43E0];
	v3 =	vadd.f32 v3, v10  }
0x184: {  	[tilespmem:$0x1FD40] =	vst v7;
	v7 =	vperm.xlane v2, v32;
	v1 =	vld [tilespmem:s9+$0x103E0]  }
0x185: {  	[tilespmem:$0x1FD70] =	vst v11;
	v11 =	vmul.f32 v63, v11;
	v4 =	vadd.f32 v5, v4;
	v13 =	vperm.xlane v3, v9  }
0x186: {  	v5 =	vld [tilespmem:s9+$0x103F0];
	v6 =	vadd.f32 v2, v7;
	v7 =	vperm.xlane v8, v9  }
0x187: {  	v2 =	vld [tilespmem:s9+$0x43F0];
	v4 =	vadd.f32 v11, v4;
	v10 =	vmul.f32 v0, v49;
	v3 =	vadd.f32 v3, v13  }
0x188: {  	v12 =	vperm.xlane v6, v9;
	v7 =	vadd.f32 v8, v7  }
0x189: {  	[tilespmem:$0x1FD20] =	vst v21;
	v15 =	vld [tilespmem:s9+$0x10200];
	v4 =	vadd.f32 v10, v4;
	v10 =	vmul.f32 v1, v56;
	v21 =	vperm.xlane v3, v14  }
0x18a: {  	v8 =	vld [tilespmem:s9+$0x4200];
	v6 =	vadd.f32 v6, v12;
	v48 =	vperm.xlane v7, v14  }
0x18b: {  	v4 =	vadd.f32 v10, v4;
	v21 =	vadd.f32 v3, v21;
	v3 =	vld [tilespmem:$0x1FD80]  }
0x18c: {  	v10 =	vmul.f32 v5, v2;
	v16 =	vperm.xlane v6, v14;
	v7 =	vadd.f32 v7, v48;
	_ =	sdelay $0x1  }
0x18d: {  	v10 =	vadd.f32 v10, v4;
	v4 =	vld [tilespmem:$0x1FDA0];
	v6 =	vadd.f32 v6, v16;
	v16 =	vmul.f32 v7, v50  }
0x18e: {  	v20 =	vld [tilespmem:s9+$0x10210]  }
0x18f: {  	[tilespmem:$0x1FD10] =	vst v19;
	v19 =	vmovc v27;
	v27 =	vmul.f32 v15, v8;
	v16 =	vsub.f32 v3, v16;
	v3 =	vmov v8;
	v8 =	vld [tilespmem:$0x1FD90]  }
0x190: {  	v29 =	vld [tilespmem:s9+$0x10290]  }
0x191: {  	v11 =	vld [tilespmem:s9+$0x4210]  }
0x192: {  	v47 =	vmov v26;
	v13 =	vld [tilespmem:s9+$0x4290];
	v30 =	vperm.xlane v10, v30;
	v26 =	vmul.f32 v7, v4  }
0x193: {  	v12 =	vld [tilespmem:s9+$0x4280]  }
0x194: {  	v10 =	vadd.f32 v10, v30;
	v30 =	vld [tilespmem:s9+$0x10310];
	v8 =	vsub.f32 v8, v26  }
0x195: {  	v4 =	vld [tilespmem:s9+$0x4300]  }
0x196: {  	v50 =	vmov v15;
	v15 =	vmul.f32 v20, v11;
	[tilespmem:s7+$0x4210] =	vst v8;
	v8 =	vld [tilespmem:$0x1FE00]  }
0x197: {  	[tilespmem:$0x1FD80] =	vst v3;
	v3 =	vld [tilespmem:s9+$0x4310];
	v26 =	vmov v11  }
0x198: {  	v38 =	vmul.f32 v7, v38;
	[tilespmem:s7+$0x4200] =	vst v16;
	v11 =	vadd.f32 v15, v27;
	v15 =	vld [tilespmem:s9+$0x10300]  }
0x199: {  	v25 =	vmov v53;
	v53 =	vmov v22;
	v31 =	vmul.f32 v7, v31;
	v22 =	vld [tilespmem:s9+$0x4220]  }
0x19a: {  	v28 =	vsub.f32 v28, v38;
	[tilespmem:$0x1FD90] =	vst v26;
	v26 =	vmov v20;
	v20 =	vld [tilespmem:$0x1FDB0]  }
0x19b: {  	v43 =	vmul.f32 v7, v43;
	[tilespmem:$0x1FDA0] =	vst v26;
	v26 =	vld [tilespmem:$0x1FDD0];
	v8 =	vsub.f32 v8, v31  }
0x19c: {  	v46 =	vmul.f32 v7, v46;
	v31 =	vld [tilespmem:s9+$0x10220];
	[tilespmem:s7+$0x4230] =	vst v28  }
0x19d: {  	v16 =	vmul.f32 v7, v55;
	v7 =	vmul.f32 v7, v60;
	v28 =	vld [tilespmem:$0x1FE10];
	[tilespmem:s7+$0x4220] =	vst v8;
	v8 =	vsub.f32 v36, v43  }
0x19e: {  	v48 =	vmovc v18;
	v18 =	vmov v24;
	v24 =	vld [tilespmem:s9+$0x10280];
	v60 =	vperm.xlane v10, v32;
	v38 =	vmul.f32 v15, v4  }
0x19f: {  	v32 =	vld [tilespmem:s9+$0x102A0];
	[tilespmem:s7+$0x4240] =	vst v8;
	v8 =	vsub.f32 v41, v46;
	v41 =	vmul.f32 v6, v23;
	v23 =	vmul.f32 v30, v3  }
0x1a0: {  	v16 =	vsub.f32 v45, v16;
	v36 =	vmul.f32 v6, v26;
	v26 =	vld [tilespmem:s9+$0x42A0]  }
0x1a1: {  	v7 =	vsub.f32 v54, v7;
	v20 =	vmul.f32 v6, v20;
	[tilespmem:s7+$0x4250] =	vst v8;
	v45 =	vadd.f32 v23, v38;
	v23 =	vld [tilespmem:s9+$0x102B0]  }
0x1a2: {  	v43 =	vmul.f32 v6, v28;
	v28 =	vld [tilespmem:s9+$0x4230];
	[tilespmem:s7+$0x4260] =	vst v16  }
0x1a3: {  	v38 =	vld [tilespmem:s9+$0x10230];
	[tilespmem:s7+$0x4270] =	vst v7;
	v7 =	vsub.f32 v17, v20  }
0x1a4: {  	v20 =	vld [tilespmem:s9+$0x42B0]  }
0x1a5: {  	[tilespmem:s7+$0x4280] =	vst v7;
	v7 =	vld [tilespmem:$0x1FDC0];
	_ =	sdelay $0x3  }
0x1a6: {  	v10 =	vadd.f32 v10, v60  }
0x1a7: {  	v7 =	vsub.f32 v7, v36  }
0x1a8: {  	v60 =	vperm.xlane v10, v9  }
0x1a9: {  	v55 =	vmul.f32 v29, v13;
	v27 =	vmul.f32 v24, v12;
	[tilespmem:s7+$0x4290] =	vst v7;
	v7 =	vld [tilespmem:$0x1FE20]  }
0x1aa: {  	v40 =	vmul.f32 v6, v40;
	v9 =	vmov v24;
	v24 =	vld [tilespmem:s9+$0x10320];
	v10 =	vadd.f32 v10, v60  }
0x1ab: {  	v27 =	vadd.f32 v55, v27;
	v55 =	vld [tilespmem:s9+$0x4320];
	v54 =	vmul.f32 v31, v22;
	v8 =	vmul.f32 v6, v33  }
0x1ac: {  	v46 =	vld [tilespmem:$0x1FE30];
	v16 =	vmul.f32 v6, v44;
	v44 =	vperm.xlane v10, v14  }
0x1ad: {  	[tilespmem:$0x1FE10] =	vst v32;
	v6 =	vmul.f32 v6, v52;
	v11 =	vadd.f32 v54, v11;
	v60 =	vmul.f32 v32, v26;
	v52 =	vld [tilespmem:$0x1FDE0]  }
0x1ae: {  	[tilespmem:$0x1FE00] =	vst v22;
	v54 =	vld [tilespmem:$0x1FDF0];
	v17 =	vmov v29;
	v10 =	vadd.f32 v10, v44;
	v7 =	vsub.f32 v7, v43  }
0x1af: {  	v27 =	vadd.f32 v60, v27;
	[tilespmem:$0x1FDD0] =	vst v17;
	v17 =	vld [tilespmem:$0x1FE40];
	v32 =	vmul.f32 v38, v28  }
0x1b0: {  	v44 =	vmovc v13;
	v13 =	vmul.f32 v21, v51;
	v51 =	vld [tilespmem:s9+$0x10330];
	v22 =	vmul.f32 v10, v5;
	v5 =	vmov v15;
	[tilespmem:s7+$0x42A0] =	vst v7  }
0x1b1: {  	v60 =	vmul.f32 v24, v55;
	[tilespmem:$0x1FDE0] =	vst v5;
	v5 =	vsub.f32 v25, v8;
	v11 =	vadd.f32 v32, v11;
	v32 =	vld [tilespmem:s9+$0x42C0]  }
0x1b2: {  	v33 =	vld [tilespmem:s9+$0x102C0]  }
0x1b3: {  	v45 =	vadd.f32 v60, v45;
	v60 =	vmul.f32 v21, v34;
	[tilespmem:s7+$0x42C0] =	vst v5;
	v5 =	vld [tilespmem:$0x1FCF0]  }
0x1b4: {  	[tilespmem:$0x1FDB0] =	vst v9;
	v9 =	vmov v12;
	v12 =	vmul.f32 v21, v52;
	v52 =	vmul.f32 v21, v54;
	v54 =	vld [tilespmem:s9+$0x4330]  }
0x1b5: {  	v1 =	vmul.f32 v10, v1;
	[tilespmem:$0x1FDC0] =	vst v44;
	v44 =	vmul.f32 v21, v46;
	v36 =	vld [tilespmem:s9+$0x4240]  }
0x1b6: {  	v2 =	vsub.f32 v2, v22;
	v29 =	vmul.f32 v21, v17;
	v17 =	vmul.f32 v23, v20;
	v43 =	vld [tilespmem:s9+$0x10240]  }
0x1b7: {  	v8 =	vmul.f32 v21, v57;
	v57 =	vmul.f32 v10, v61;
	v7 =	vsub.f32 v53, v41  }
0x1b8: {  	[tilespmem:s9+$0x43F0] =	vst v2;
	v2 =	vmul.f32 v10, v59;
	v59 =	vmul.f32 v10, v0;
	v5 =	vsub.f32 v5, v40  }
0x1b9: {  	v34 =	vld [tilespmem:s9+$0x10340];
	v0 =	vsub.f32 v35, v16;
	v15 =	vadd.f32 v17, v27;
	v27 =	vmul.f32 v51, v54;
	[tilespmem:s7+$0x42B0] =	vst v7  }
0x1ba: {  	v17 =	vmov v30;
	v30 =	vmul.f32 v10, v63;
	v7 =	vmul.f32 v21, v39;
	v21 =	vld [tilespmem:s9+$0x4340];
	[tilespmem:s7+$0x42D0] =	vst v5  }
0x1bb: {  	[tilespmem:$0x1FE30] =	vst v51;
	v39 =	vmul.f32 v10, v58;
	v22 =	vmul.f32 v43, v36;
	v51 =	vld [tilespmem:s9+$0x42D0]  }
0x1bc: {  	v58 =	vmul.f32 v10, v62;
	v10 =	vmov v26;
	v40 =	vld [tilespmem:s9+$0x102D0];
	[tilespmem:s7+$0x42E0] =	vst v0;
	v0 =	vsub.f32 v42, v6  }
0x1bd: {  	[tilespmem:$0x1FE20] =	vst v10;
	v5 =	vadd.f32 v22, v11;
	v11 =	vmul.f32 v33, v32  }
0x1be: {  	v10 =	vld [tilespmem:s9+$0x4350];
	[tilespmem:s7+$0x42F0] =	vst v0;
	v0 =	vsub.f32 v48, v13  }
0x1bf: {  	[tilespmem:$0x1FE40] =	vst v34;
	v26 =	vmov v4;
	v4 =	vadd.f32 v11, v15;
	v11 =	vmul.f32 v34, v21;
	v34 =	vld [tilespmem:s9+$0x10350]  }
0x1c0: {  	[tilespmem:s7+$0x4320] =	vst v0;
	v0 =	vld [tilespmem:$0x1FD30];
	_ =	sdelay $0x4  }
0x1c1: {  	v15 =	vsub.f32 v0, v39;
	v0 =	vld [tilespmem:$0x1FD40];
	_ =	sdelay $0x1  }
0x1c2: {  	v46 =	vld [tilespmem:s9+$0x10250]  }
0x1c3: {  	v27 =	vadd.f32 v27, v45;
	v45 =	vld [tilespmem:s9+$0x4260]  }
0x1c4: {  	v41 =	vld [tilespmem:s9+$0x4250];
	v6 =	vsub.f32 v47, v12  }
0x1c5: {  	v16 =	vsub.f32 v0, v2;
	v0 =	vld [tilespmem:$0x1FD50]  }
0x1c6: {  	[tilespmem:s7+$0x4300] =	vst v6;
	v6 =	vld [tilespmem:$0x1FD00]  }
0x1c7: {  	v53 =	vld [tilespmem:$0x1FD20]  }
0x1c8: {  	v42 =	vsub.f32 v18, v52;
	v52 =	vld [tilespmem:$0x1FD10]  }
0x1c9: {  	v63 =	vmovc v24;
	v24 =	vmov v3;
	v3 =	vsub.f32 v19, v44;
	v18 =	vmov v55;
	v55 =	vld [tilespmem:s9+$0x10260]  }
0x1ca: {  	[tilespmem:$0x1FDF0] =	vst v17;
	v57 =	vsub.f32 v0, v57;
	v0 =	vld [tilespmem:$0x1FD60]  }
0x1cb: {  	[tilespmem:s7+$0x4330] =	vst v3;
	v35 =	vld [tilespmem:s9+$0x42E0];
	v6 =	vsub.f32 v6, v29  }
0x1cc: {  	v8 =	vsub.f32 v37, v8;
	[tilespmem:s7+$0x4310] =	vst v42;
	v44 =	vld [tilespmem:s9+$0x102E0]  }
0x1cd: {  	v7 =	vsub.f32 v53, v7;
	v17 =	vmov v21;
	v12 =	vsub.f32 v52, v60;
	v21 =	vld [tilespmem:s9+$0x4360];
	[tilespmem:s7+$0x4340] =	vst v6  }
0x1ce: {  	s26 =	sadd.s32 $0x4, s26;
	v19 =	vmovc v10;
	v48 =	vmul.f32 v46, v41;
	v11 =	vadd.f32 v11, v27;
	v27 =	vmov v54;
	v39 =	vld [tilespmem:s9+$0x10360]  }
0x1cf: {  	p0 =	slt.u32 s26, $0x7C;
	v54 =	vmul.f32 v40, v51;
	v3 =	vmul.f32 v34, v19;
	[tilespmem:s7+$0x4350] =	vst v12;
	v2 =	vsub.f32 v0, v58;
	v0 =	vld [tilespmem:$0x1FD70]  }
.Ltmp1:
0x1d0: {  	v5 =	vadd.f32 v48, v5;
	v60 =	vld [tilespmem:s9+$0x10270];
	v6 =	vmul.f32 v55, v45;
	[tilespmem:s7+$0x4360] =	vst v7;
	(pc) =	sbr.rel @p0 .LBB2_4-.Ltmp1, $4  }
0x1d1: {  	v10 =	vadd.f32 v54, v4;
	v54 =	vld [tilespmem:s9+$0x4270];
	v4 =	vadd.f32 v3, v11;
	[tilespmem:s7+$0x4370] =	vst v8;
	s7 =	smov.u32 s9  }
0x1d2: {  	v3 =	vsub.f32 v49, v59;
	v49 =	vadd.f32 v6, v5;
	v42 =	vld [tilespmem:s7+$0x42F0];
	v5 =	vmul.f32 v44, v35;
	[tilespmem:s7+$0x4380] =	vst v15  }
0x1d3: {  	v1 =	vsub.f32 v56, v1;
	v53 =	vmov v32;
	v22 =	vmov v20;
	v52 =	vld [tilespmem:s7+$0x102F0];
	[tilespmem:s7+$0x4390] =	vst v16  }
0x1d4: {  	s8 =	sadd.s32 $0x800, s8;
	v37 =	vld [tilespmem:s7+$0x4370];
	v5 =	vadd.f32 v5, v10;
	v48 =	vmul.f32 v39, v21;
	[tilespmem:s7+$0x43A0] =	vst v57;
	v0 =	vsub.f32 v0, v30  }
0x1d5: {  	v12 =	vld [tilespmem:$0x1FFC0]  }
0x1d6: {  	v6 =	vmul.f32 v60, v54;
	_ =	sdelay $0x1  }
0x1d7: {  	v6 =	vadd.f32 v6, v49  }
0x1d8: {  	v13 =	vld [tilespmem:$0x1FFD0]  }
0x1d9: {  	v7 =	vperm.xlane v6, v12;
	_ =	sdelay $0x1  }
0x1da: {  	v6 =	vadd.f32 v6, v7;
	v7 =	vmul.f32 v52, v42  }
0x1db: {  	v16 =	vld [tilespmem:$0x1FFE0]  }
0x1dc: {  	v10 =	vld [tilespmem:s7+$0x10370];
	v8 =	vperm.xlane v6, v13;
	v5 =	vadd.f32 v7, v5;
	_ =	sdelay $0x1  }
0x1dd: {  	v6 =	vadd.f32 v6, v8;
	v7 =	vperm.xlane v5, v12;
	_ =	sdelay $0x1  }
0x1de: {  	v8 =	vperm.xlane v6, v16;
	v5 =	vadd.f32 v5, v7  }
0x1df: {  	v4 =	vadd.f32 v48, v4;
	v7 =	vmul.f32 v10, v37  }
0x1e0: {  	v20 =	vld [tilespmem:$0x1FFF0];
	v6 =	vadd.f32 v6, v8;
	v8 =	vperm.xlane v5, v13  }
0x1e1: {  	v4 =	vadd.f32 v7, v4  }
0x1e2: {  	v5 =	vadd.f32 v5, v8  }
0x1e3: {  	[tilespmem:s7+$0x43B0] =	vst v2;
	v7 =	vperm.xlane v4, v12  }
0x1e4: {  	[tilespmem:s7+$0x43C0] =	vst v0;
	v2 =	vperm.xlane v5, v16  }
0x1e5: {  	v11 =	vperm.xlane v6, v20;
	v0 =	vadd.f32 v4, v7;
	v4 =	vld [tilespmem:$0x1FDA0];
	[tilespmem:s7+$0x43D0] =	vst v3  }
0x1e6: {  	v2 =	vadd.f32 v5, v2;
	v5 =	vld [tilespmem:$0x1FD80]  }
0x1e7: {  	v6 =	vadd.f32 v6, v11;
	_ =	sdelay $0x1  }
0x1e8: {  	v8 =	vmul.f32 v6, v50  }
0x1e9: {  	[tilespmem:s7+$0x43E0] =	vst v1  }
0x1ea: {  	v5 =	vsub.f32 v5, v8;
	v8 =	vld [tilespmem:$0x1FD90];
	_ =	sdelay $0x1  }
0x1eb: {  	[tilespmem:s7+$0x4200] =	vst v5  }
0x1ec: {  	v4 =	vmul.f32 v6, v4;
	v5 =	vld [tilespmem:$0x1FE00];
	_ =	sdelay $0x1  }
0x1ed: {  	v7 =	vmul.f32 v6, v38;
	v4 =	vsub.f32 v8, v4  }
0x1ee: {  	v3 =	vmul.f32 v6, v31  }
0x1ef: {  	[tilespmem:s7+$0x4210] =	vst v4;
	v4 =	vsub.f32 v28, v7  }
0x1f0: {  	v3 =	vsub.f32 v5, v3  }
0x1f1: {  	v1 =	vperm.xlane v0, v13;
	[tilespmem:s7+$0x4230] =	vst v4  }
0x1f2: {  	v11 =	vmul.f32 v6, v43;
	[tilespmem:s7+$0x4220] =	vst v3  }
0x1f3: {  	v0 =	vadd.f32 v0, v1;
	v1 =	vmul.f32 v6, v46;
	v7 =	vld [tilespmem:$0x1FDB0]  }
0x1f4: {  	v8 =	vperm.xlane v2, v20;
	v5 =	vmul.f32 v6, v55;
	v3 =	vsub.f32 v36, v11  }
0x1f5: {  	v1 =	vsub.f32 v41, v1;
	v6 =	vmul.f32 v6, v60  }
0x1f6: {  	v2 =	vadd.f32 v2, v8;
	v4 =	vperm.xlane v0, v16;
	[tilespmem:s7+$0x4240] =	vst v3;
	v3 =	vsub.f32 v45, v5  }
0x1f7: {  	v5 =	vld [tilespmem:$0x1FDD0];
	[tilespmem:s7+$0x4250] =	vst v1;
	v1 =	vsub.f32 v54, v6  }
0x1f8: {  	v0 =	vadd.f32 v0, v4;
	v4 =	vld [tilespmem:$0x1FE10];
	[tilespmem:s7+$0x4260] =	vst v3;
	v7 =	vmul.f32 v2, v7  }
0x1f9: {  	[tilespmem:s7+$0x4270] =	vst v1  }
0x1fa: {  	v1 =	vld [tilespmem:$0x1FDC0];
	v3 =	vsub.f32 v9, v7;
	_ =	sdelay $0x1  }
0x1fb: {  	[tilespmem:s7+$0x4280] =	vst v3  }
0x1fc: {  	v5 =	vmul.f32 v2, v5;
	v3 =	vld [tilespmem:$0x1FE20];
	_ =	sdelay $0x1  }
0x1fd: {  	v6 =	vmul.f32 v2, v23;
	v1 =	vsub.f32 v1, v5  }
0x1fe: {  	v4 =	vmul.f32 v2, v4  }
0x1ff: {  	[tilespmem:s7+$0x4290] =	vst v1;
	v1 =	vsub.f32 v22, v6  }
0x200: {  	v7 =	vmul.f32 v2, v33;
	v3 =	vsub.f32 v3, v4  }
0x201: {  	v5 =	vperm.xlane v0, v20;
	[tilespmem:s7+$0x42B0] =	vst v1;
	v4 =	vmul.f32 v2, v40  }
0x202: {  	[tilespmem:s7+$0x42A0] =	vst v3;
	v3 =	vsub.f32 v53, v7  }
0x203: {  	v0 =	vadd.f32 v0, v5;
	v5 =	vmul.f32 v2, v44;
	v1 =	vsub.f32 v51, v4;
	v4 =	vld [tilespmem:$0x1FDE0]  }
0x204: {  	[tilespmem:s7+$0x42C0] =	vst v3  }
0x205: {  	v3 =	vsub.f32 v35, v5;
	v5 =	vld [tilespmem:$0x1FDF0]  }
0x206: {  	v2 =	vmul.f32 v2, v52;
	_ =	sdelay $0x1  }
0x207: {  	[tilespmem:s7+$0x42D0] =	vst v1;
	v1 =	vsub.f32 v42, v2;
	v4 =	vmul.f32 v0, v4  }
0x208: {  	[tilespmem:s7+$0x42E0] =	vst v3  }
0x209: {  	v5 =	vmul.f32 v0, v5;
	v3 =	vsub.f32 v26, v4;
	v4 =	vld [tilespmem:$0x1FE30];
	[tilespmem:s7+$0x42F0] =	vst v1  }
0x20a: {  	v2 =	vmul.f32 v0, v63;
	v1 =	vld [tilespmem:$0x1FE40]  }
0x20b: {  	v5 =	vsub.f32 v24, v5  }
0x20c: {  	v2 =	vsub.f32 v18, v2;
	[tilespmem:s7+$0x4300] =	vst v3;
	v3 =	vmul.f32 v0, v34  }
0x20d: {  	[tilespmem:s7+$0x4310] =	vst v5;
	v5 =	vmul.f32 v0, v39  }
0x20e: {  	[tilespmem:s7+$0x4320] =	vst v2;
	v2 =	vsub.f32 v19, v3;
	v4 =	vmul.f32 v0, v4  }
0x20f: {  	v1 =	vmul.f32 v0, v1;
	v3 =	vsub.f32 v21, v5  }
0x210: {  	v0 =	vmul.f32 v0, v10;
	[tilespmem:s7+$0x4350] =	vst v2;
	v4 =	vsub.f32 v27, v4  }
0x211: {  	v1 =	vsub.f32 v17, v1;
	[tilespmem:s7+$0x4360] =	vst v3  }
0x212: {  	v0 =	vsub.f32 v37, v0;
	[tilespmem:s7+$0x4330] =	vst v4  }
0x213: {  	[tilespmem:s7+$0x4340] =	vst v1  }
0x214: {  	s9 =	simm.s32 $0x0;
	s8 =	simm.s32 $0x4200;
	[tilespmem:s7+$0x4370] =	vst v0  }
0x215: {  	[hbm4b:s12+s9] =	stream.linear.scatter [tilespmem:s8], [sflag:$0x8], $0x4000, $0x38;
	[tilespmem:$0x18200] =	vst v63  }
0x216: {  	_ =	swait.ge [sflag:s0], $0x4000  }
0x217: {  	[sflag:s0] =	ssyncset.done $0x0  }
0x218: {  	[sflag:s0] =	ssyncadd.s32 $0xFFFFC000  }
0x219: {  	_ =	swait.ge [sflag:s22], $0x4000  }
0x21a: {  	[sflag:s22] =	ssyncset.done $0x0  }
0x21b: {  	s26 =	simm.s32 $0x14200;
	s7 =	simm.s32 $0x0;
	[sflag:s22] =	ssyncadd.s32 $0xFFFFC000  }
0x21c: {  	[hbm4b:s13+s9] =	stream.linear.scatter [tilespmem:s26], [sflag:$0xC], $0x4000, $0x38;
	[tilespmem:$0x18200] =	vst v63  }
0x21d: {  	v0 =	vld [tilespmem:s7+$0x8380]  }
0x21e: {  	v1 =	vld [tilespmem:s7+$0x8390]  }
0x21f: {  	v2 =	vld [tilespmem:s7+$0x14380]  }
0x220: {  	v3 =	vld [tilespmem:s7+$0x14390]  }
0x221: {  	v4 =	vld [tilespmem:s7+$0x83A0]  }
0x222: {  	v5 =	vld [tilespmem:s7+$0x143A0]  }
0x223: {  	v37 =	vld [tilespmem:s7+$0x83B0]  }
0x224: {  	v25 =	vld [tilespmem:s7+$0x143B0]  }
0x225: {  	v42 =	vld [tilespmem:s7+$0x83C0]  }
0x226: {  	v39 =	vld [tilespmem:s7+$0x143C0]  }
0x227: {  	v11 =	vld [tilespmem:s7+$0x83D0]  }
0x228: {  	v48 =	vld [tilespmem:s7+$0x143D0]  }
0x229: {  	v49 =	vld [tilespmem:s7+$0x83E0]  }
0x22a: {  	v21 =	vld [tilespmem:s7+$0x143E0]  }
0x22b: {  	v34 =	vld [tilespmem:s7+$0x83F0]  }
0x22c: {  	v19 =	vld [tilespmem:s7+$0x143F0]  }
0x22d: {  	v22 =	vld [tilespmem:s7+$0x8200]  }
0x22e: {  	v27 =	vld [tilespmem:s7+$0x8210]  }
0x22f: {  	v50 =	vld [tilespmem:s7+$0x14200]  }
0x230: {  	v59 =	vld [tilespmem:s7+$0x14210]  }
0x231: {  	v32 =	vld [tilespmem:s7+$0x14280]  }
0x232: {  	v41 =	vld [tilespmem:s7+$0x14290];
	v6 =	vmul.f32 v2, v0;
	v7 =	vmul.f32 v3, v1  }
0x233: {  	v14 =	vld [tilespmem:s7+$0x8300]  }
0x234: {  	v24 =	vld [tilespmem:s7+$0x8310];
	v8 =	vmul.f32 v5, v4;
	v6 =	vadd.f32 v7, v6  }
0x235: {  	v29 =	vld [tilespmem:s7+$0x14300]  }
0x236: {  	v56 =	vld [tilespmem:s7+$0x14310];
	v9 =	vmul.f32 v25, v37;
	v6 =	vadd.f32 v8, v6  }
0x237: {  	v47 =	vld [tilespmem:s7+$0x8220]  }
0x238: {  	v31 =	vld [tilespmem:s7+$0x14220];
	v6 =	vadd.f32 v9, v6;
	v9 =	vmul.f32 v39, v42  }
0x239: {  	v52 =	vld [tilespmem:s7+$0x82A0]  }
0x23a: {  	v30 =	vld [tilespmem:s7+$0x142A0];
	v6 =	vadd.f32 v9, v6;
	v9 =	vmul.f32 v48, v11  }
0x23b: {  	v18 =	vld [tilespmem:s7+$0x8320]  }
0x23c: {  	v63 =	vld [tilespmem:s7+$0x14320];
	v6 =	vadd.f32 v9, v6;
	v9 =	vmul.f32 v21, v49  }
0x23d: {  	v28 =	vld [tilespmem:s7+$0x8230]  }
0x23e: {  	v38 =	vld [tilespmem:s7+$0x14230];
	v6 =	vadd.f32 v9, v6;
	v9 =	vmul.f32 v19, v34  }
0x23f: {  	v23 =	vld [tilespmem:s7+$0x142B0]  }
0x240: {  	v26 =	vld [tilespmem:s7+$0x8330];
	v9 =	vadd.f32 v9, v6  }
0x241: {  	v36 =	vld [tilespmem:s7+$0x8240]  }
0x242: {  	v43 =	vld [tilespmem:s7+$0x14240];
	v10 =	vperm.xlane v9, v12  }
0x243: {  	v7 =	vld [tilespmem:s7+$0x8280]  }
0x244: {  	v8 =	vld [tilespmem:s7+$0x8290];
	v9 =	vadd.f32 v9, v10  }
0x245: {  	v6 =	vld [tilespmem:s7+$0x14330]  }
0x246: {  	v10 =	vld [tilespmem:s7+$0x82B0];
	[tilespmem:$0x1FC30] =	vst v22;
	v15 =	vperm.xlane v9, v13  }
0x247: {  	v53 =	vld [tilespmem:s7+$0x82C0];
	[tilespmem:$0x1FC40] =	vst v27  }
0x248: {  	[tilespmem:$0x1FC50] =	vst v32;
	v15 =	vadd.f32 v9, v15  }
0x249: {  	v33 =	vld [tilespmem:s7+$0x142C0];
	[tilespmem:$0x1FC60] =	vst v8  }
0x24a: {  	v57 =	vmul.f32 v59, v27;
	[tilespmem:$0x1FC70] =	vst v41;
	v17 =	vperm.xlane v15, v16  }
0x24b: {  	v58 =	vmul.f32 v32, v7;
	v22 =	vmul.f32 v50, v22;
	[tilespmem:$0x1FC80] =	vst v29  }
0x24c: {  	v27 =	vmov v59;
	v41 =	vmul.f32 v41, v8;
	v59 =	vadd.f32 v15, v17;
	v17 =	vld [tilespmem:s7+$0x8340];
	[tilespmem:$0x1FC90] =	vst v56  }
0x24d: {  	v22 =	vadd.f32 v57, v22;
	v9 =	vmov v7;
	v7 =	vld [tilespmem:s7+$0x14340];
	[tilespmem:$0x1FCA0] =	vst v47  }
0x24e: {  	v60 =	vmul.f32 v29, v14;
	v46 =	vmul.f32 v56, v24;
	v62 =	vadd.f32 v41, v58;
	v41 =	vld [tilespmem:s7+$0x8250];
	[tilespmem:$0x1FCB0] =	vst v30  }
0x24f: {  	v56 =	vmul.f32 v31, v47;
	v61 =	vperm.xlane v59, v20;
	[tilespmem:$0x1FCC0] =	vst v52  }
0x250: {  	v45 =	vadd.f32 v46, v60;
	v58 =	vmul.f32 v38, v28;
	v52 =	vmul.f32 v30, v52;
	v46 =	vld [tilespmem:s7+$0x14250]  }
0x251: {  	v57 =	vadd.f32 v56, v22;
	v22 =	vmovc v10;
	v10 =	vmul.f32 v63, v18;
	v47 =	vld [tilespmem:s7+$0x82D0];
	v8 =	vadd.f32 v59, v61  }
0x252: {  	v56 =	vmul.f32 v43, v36;
	v40 =	vld [tilespmem:s7+$0x142D0];
	v60 =	vmul.f32 v23, v22  }
0x253: {  	v35 =	vadd.f32 v52, v62;
	v10 =	vadd.f32 v10, v45;
	v59 =	vmul.f32 v8, v19;
	v19 =	vld [tilespmem:s7+$0x8350];
	[tilespmem:$0x1FCD0] =	vst v6  }
0x254: {  	v44 =	vadd.f32 v58, v57;
	v61 =	vmul.f32 v6, v26;
	v57 =	vmul.f32 v33, v53;
	v45 =	vld [tilespmem:s7+$0x8260]  }
0x255: {  	v2 =	vmul.f32 v8, v2;
	v35 =	vadd.f32 v60, v35;
	v52 =	vsub.f32 v34, v59;
	v34 =	vld [tilespmem:s7+$0x14350];
	[tilespmem:$0x1FCE0] =	vst v7  }
0x256: {  	v3 =	vmul.f32 v8, v3;
	v6 =	vadd.f32 v61, v10;
	v62 =	vmul.f32 v7, v17;
	v55 =	vld [tilespmem:s7+$0x14260]  }
0x257: {  	v5 =	vmul.f32 v8, v5;
	v48 =	vmul.f32 v8, v48;
	v57 =	vadd.f32 v57, v35;
	v35 =	vld [tilespmem:s7+$0x82E0]  }
0x258: {  	v56 =	vadd.f32 v56, v44;
	v58 =	vmul.f32 v46, v41;
	v59 =	vmul.f32 v8, v25;
	v44 =	vld [tilespmem:s7+$0x142E0]  }
0x259: {  	v6 =	vadd.f32 v62, v6;
	v54 =	vmul.f32 v40, v47;
	v32 =	vsub.f32 v0, v2;
	v20 =	vld [tilespmem:s7+$0x8360]  }
0x25a: {  	v0 =	vmul.f32 v8, v39;
	v61 =	vsub.f32 v1, v3;
	v62 =	vsub.f32 v4, v5;
	v39 =	vld [tilespmem:s7+$0x14360]  }
0x25b: {  	v60 =	vld [tilespmem:s7+$0x14270];
	v56 =	vadd.f32 v58, v56;
	v57 =	vadd.f32 v54, v57;
	v1 =	vmul.f32 v34, v19  }
0x25c: {  	v5 =	vmul.f32 v8, v21;
	v54 =	vld [tilespmem:s7+$0x8270];
	[tilespmem:s7+$0x83F0] =	vst v52;
	v2 =	vsub.f32 v37, v59;
	v0 =	vsub.f32 v42, v0  }
0x25d: {  	v42 =	vld [tilespmem:s7+$0x82F0];
	[tilespmem:s7+$0x8380] =	vst v32;
	v59 =	vmul.f32 v55, v45;
	v4 =	vadd.f32 v1, v6;
	v6 =	vmul.f32 v44, v35  }
0x25e: {  	v3 =	vsub.f32 v11, v48;
	v52 =	vld [tilespmem:s7+$0x142F0];
	[tilespmem:s7+$0x8390] =	vst v61;
	v1 =	vsub.f32 v49, v5  }
0x25f: {  	s8 =	simm.s32 $0x800;
	s26 =	simm.s32 $0x0;
	v37 =	vld [tilespmem:s7+$0x8370];
	[tilespmem:s7+$0x83A0] =	vst v62;
	v48 =	vmul.f32 v39, v20;
	v49 =	vadd.f32 v59, v56;
	v5 =	vadd.f32 v6, v57  }
.LBB2_6:
0x260: {  	v57 =	vld [tilespmem:s7+$0x14370]  }
0x261: {  	v30 =	vld [tilespmem:$0x1FFC0]  }
0x262: {  	s9 =	sshra.s32 s8, $0x2;
	[tilespmem:s7+$0x83B0] =	vst v2;
	v32 =	vld [tilespmem:$0x1FFD0]  }
0x263: {  	v6 =	vld [tilespmem:s9+$0x8380];
	[tilespmem:s7+$0x83C0] =	vst v0  }
0x264: {  	v7 =	vld [tilespmem:s9+$0x8390];
	[tilespmem:s7+$0x83D0] =	vst v3  }
0x265: {  	v58 =	vld [tilespmem:s9+$0x14380];
	[tilespmem:s7+$0x83E0] =	vst v1  }
0x266: {  	v2 =	vmul.f32 v60, v54;
	v59 =	vld [tilespmem:s9+$0x14390]  }
0x267: {  	v4 =	vadd.f32 v48, v4;
	v8 =	vld [tilespmem:s9+$0x83A0];
	v3 =	vmul.f32 v57, v37  }
0x268: {  	v61 =	vld [tilespmem:s9+$0x143A0];
	v0 =	vadd.f32 v2, v49;
	v2 =	vmul.f32 v52, v42  }
0x269: {  	v10 =	vld [tilespmem:s9+$0x83B0];
	v3 =	vadd.f32 v3, v4  }
0x26a: {  	v62 =	vld [tilespmem:s9+$0x143B0];
	v1 =	vperm.xlane v0, v30;
	v2 =	vadd.f32 v2, v5;
	v4 =	vmul.f32 v58, v6  }
0x26b: {  	[tilespmem:$0x1FBD0] =	vst v6;
	v5 =	vmul.f32 v59, v7;
	v6 =	vperm.xlane v3, v30  }
0x26c: {  	[tilespmem:$0x1FBB0] =	vst v17;
	v17 =	vmov v9;
	v9 =	vld [tilespmem:$0x1FFE0];
	v1 =	vadd.f32 v0, v1;
	v0 =	vperm.xlane v2, v30  }
0x26d: {  	v13 =	vld [tilespmem:s9+$0x83D0];
	v4 =	vadd.f32 v5, v4;
	v5 =	vmul.f32 v61, v8;
	v3 =	vadd.f32 v3, v6  }
0x26e: {  	v2 =	vadd.f32 v2, v0;
	v0 =	vld [tilespmem:s9+$0x143D0]  }
0x26f: {  	[tilespmem:$0x1FC00] =	vst v10;
	v4 =	vadd.f32 v5, v4;
	v5 =	vmul.f32 v62, v10;
	v10 =	vperm.xlane v3, v32  }
0x270: {  	[tilespmem:$0x1FBA0] =	vst v14;
	v56 =	vperm.xlane v1, v32  }
0x271: {  	[tilespmem:$0x1FBE0] =	vst v7;
	v3 =	vadd.f32 v3, v10  }
0x272: {  	v14 =	vld [tilespmem:$0x1FFF0];
	[tilespmem:$0x1FBF0] =	vst v8;
	v7 =	vperm.xlane v2, v32;
	v8 =	vadd.f32 v1, v56  }
0x273: {  	[tilespmem:$0x1FC20] =	vst v13;
	v10 =	vmul.f32 v0, v13;
	v13 =	vperm.xlane v3, v9  }
0x274: {  	v15 =	vld [tilespmem:s9+$0x14200];
	v6 =	vadd.f32 v2, v7;
	v7 =	vperm.xlane v8, v9  }
0x275: {  	v11 =	vld [tilespmem:s9+$0x83C0];
	v3 =	vadd.f32 v3, v13  }
0x276: {  	[tilespmem:$0x1FB90] =	vst v47;
	v47 =	vmovc v22;
	v22 =	vmov v63;
	v63 =	vld [tilespmem:s9+$0x143C0];
	v12 =	vperm.xlane v6, v9;
	v7 =	vadd.f32 v8, v7  }
0x277: {  	v56 =	vld [tilespmem:s9+$0x83E0];
	v21 =	vperm.xlane v3, v14  }
0x278: {  	v8 =	vld [tilespmem:s9+$0x8200];
	v6 =	vadd.f32 v6, v12;
	v12 =	vperm.xlane v7, v14  }
0x279: {  	v21 =	vadd.f32 v3, v21;
	v3 =	vld [tilespmem:$0x1FC30]  }
0x27a: {  	v1 =	vld [tilespmem:s9+$0x143E0];
	v16 =	vperm.xlane v6, v14;
	v7 =	vadd.f32 v7, v12  }
0x27b: {  	[tilespmem:$0x1FC10] =	vst v11;
	v11 =	vmul.f32 v63, v11;
	v4 =	vadd.f32 v5, v4;
	v5 =	vld [tilespmem:s9+$0x143F0]  }
0x27c: {  	v2 =	vld [tilespmem:s9+$0x83F0];
	v6 =	vadd.f32 v6, v16;
	v16 =	vmul.f32 v7, v50  }
0x27d: {  	[tilespmem:$0x1FBC0] =	vst v20;
	v20 =	vld [tilespmem:s9+$0x14210];
	v4 =	vadd.f32 v11, v4  }
0x27e: {  	v25 =	vmul.f32 v7, v27;
	v27 =	vmul.f32 v15, v8;
	v16 =	vsub.f32 v3, v16;
	v3 =	vmovc v8;
	v8 =	vld [tilespmem:$0x1FC40]  }
0x27f: {  	v11 =	vld [tilespmem:s9+$0x8210];
	v4 =	vadd.f32 v10, v4;
	v10 =	vmul.f32 v1, v56  }
0x280: {  	v29 =	vld [tilespmem:s9+$0x14290]  }
0x281: {  	v49 =	vmovc v18;
	v18 =	vmov v24;
	v24 =	vld [tilespmem:s9+$0x14280];
	v4 =	vadd.f32 v10, v4;
	v10 =	vmul.f32 v5, v2  }
0x282: {  	v13 =	vld [tilespmem:s9+$0x8290]  }
0x283: {  	v10 =	vadd.f32 v10, v4;
	v4 =	vld [tilespmem:s9+$0x8300];
	v8 =	vsub.f32 v8, v25  }
0x284: {  	v51 =	vmov v20;
	v50 =	vmov v15;
	v15 =	vmul.f32 v20, v11;
	v20 =	vld [tilespmem:$0x1FC50]  }
0x285: {  	v30 =	vperm.xlane v10, v30;
	[tilespmem:s7+$0x8210] =	vst v8;
	v8 =	vld [tilespmem:$0x1FCA0]  }
0x286: {  	v48 =	vmov v26;
	v26 =	vmov v11;
	v11 =	vadd.f32 v15, v27;
	v15 =	vld [tilespmem:s9+$0x14300]  }
0x287: {  	v38 =	vmul.f32 v7, v38;
	v10 =	vadd.f32 v10, v30;
	v30 =	vld [tilespmem:s9+$0x14310];
	[tilespmem:$0x1FC40] =	vst v26  }
0x288: {  	v31 =	vmul.f32 v7, v31;
	v26 =	vld [tilespmem:$0x1FC70];
	[tilespmem:$0x1FC30] =	vst v3  }
0x289: {  	v28 =	vsub.f32 v28, v38;
	v3 =	vld [tilespmem:s9+$0x8310];
	[tilespmem:s7+$0x8200] =	vst v16  }
0x28a: {  	v43 =	vmul.f32 v7, v43;
	v25 =	vmov v19;
	v19 =	vld [tilespmem:s9+$0x8220];
	v8 =	vsub.f32 v8, v31  }
0x28b: {  	v46 =	vmul.f32 v7, v46;
	v31 =	vld [tilespmem:s9+$0x14220];
	[tilespmem:s7+$0x8230] =	vst v28  }
0x28c: {  	v16 =	vmul.f32 v7, v55;
	v7 =	vmul.f32 v7, v60;
	v28 =	vld [tilespmem:$0x1FCB0];
	[tilespmem:s7+$0x8220] =	vst v8;
	v8 =	vsub.f32 v36, v43  }
0x28d: {  	v12 =	vld [tilespmem:s9+$0x8280];
	v60 =	vperm.xlane v10, v32;
	v38 =	vmul.f32 v15, v4  }
0x28e: {  	v32 =	vld [tilespmem:s9+$0x142A0];
	[tilespmem:s7+$0x8240] =	vst v8;
	v8 =	vsub.f32 v41, v46;
	v41 =	vmul.f32 v6, v23;
	v23 =	vmul.f32 v30, v3  }
0x28f: {  	v16 =	vsub.f32 v45, v16;
	v36 =	vmul.f32 v6, v26;
	v26 =	vld [tilespmem:s9+$0x82A0]  }
0x290: {  	v20 =	vmul.f32 v6, v20;
	v7 =	vsub.f32 v54, v7;
	[tilespmem:s7+$0x8250] =	vst v8;
	v45 =	vadd.f32 v23, v38;
	v23 =	vld [tilespmem:s9+$0x142B0]  }
0x291: {  	v10 =	vadd.f32 v10, v60;
	v43 =	vmul.f32 v6, v28;
	v28 =	vld [tilespmem:s9+$0x8230];
	[tilespmem:s7+$0x8260] =	vst v16  }
0x292: {  	v38 =	vld [tilespmem:s9+$0x14230];
	[tilespmem:s7+$0x8270] =	vst v7;
	v7 =	vsub.f32 v17, v20  }
0x293: {  	v60 =	vperm.xlane v10, v9;
	v20 =	vld [tilespmem:s9+$0x82B0]  }
0x294: {  	[tilespmem:s7+$0x8280] =	vst v7;
	v7 =	vld [tilespmem:$0x1FC60]  }
0x295: {  	v10 =	vadd.f32 v10, v60;
	_ =	sdelay $0x1  }
0x296: {  	v16 =	vmul.f32 v6, v44;
	v44 =	vperm.xlane v10, v14;
	v14 =	vld [tilespmem:$0x1FC90];
	_ =	sdelay $0x1  }
0x297: {  	v7 =	vsub.f32 v7, v36  }
0x298: {  	v40 =	vmul.f32 v6, v40;
	v27 =	vmul.f32 v24, v12  }
0x299: {  	v55 =	vmul.f32 v29, v13;
	v8 =	vmul.f32 v6, v33;
	[tilespmem:s7+$0x8290] =	vst v7;
	v7 =	vld [tilespmem:$0x1FCC0]  }
0x29a: {  	v6 =	vmul.f32 v6, v52;
	v52 =	vmul.f32 v21, v14;
	v14 =	vmov v13  }
0x29b: {  	v9 =	vmov v24;
	[tilespmem:$0x1FC60] =	vst v14;
	v14 =	vld [tilespmem:$0x1FCD0]  }
0x29c: {  	v27 =	vadd.f32 v55, v27;
	v55 =	vld [tilespmem:s9+$0x8320];
	[tilespmem:$0x1FC50] =	vst v9  }
0x29d: {  	v24 =	vld [tilespmem:s9+$0x14320];
	[tilespmem:$0x1FCB0] =	vst v32;
	v54 =	vmul.f32 v31, v19  }
0x29e: {  	v9 =	vmovc v12;
	v12 =	vld [tilespmem:$0x1FC80];
	[tilespmem:$0x1FCA0] =	vst v19;
	v17 =	vmov v29;
	v10 =	vadd.f32 v10, v44;
	v7 =	vsub.f32 v7, v43  }
0x29f: {  	v11 =	vadd.f32 v54, v11;
	v60 =	vmul.f32 v32, v26;
	[tilespmem:$0x1FC70] =	vst v17;
	v17 =	vld [tilespmem:$0x1FCE0];
	v32 =	vmul.f32 v38, v28  }
0x2a0: {  	v19 =	vmul.f32 v10, v5;
	v5 =	vmov v15;
	v44 =	vmul.f32 v21, v14;
	v14 =	vld [tilespmem:s9+$0x14330];
	[tilespmem:s7+$0x82A0] =	vst v7  }
0x2a1: {  	[tilespmem:$0x1FC80] =	vst v5;
	v5 =	vsub.f32 v53, v8;
	v11 =	vadd.f32 v32, v11;
	v32 =	vld [tilespmem:s9+$0x82C0]  }
0x2a2: {  	v27 =	vadd.f32 v60, v27;
	v60 =	vmul.f32 v24, v55;
	v33 =	vld [tilespmem:s9+$0x142C0]  }
0x2a3: {  	[tilespmem:s7+$0x82C0] =	vst v5;
	v5 =	vld [tilespmem:$0x1FB90]  }
0x2a4: {  	v54 =	vld [tilespmem:s9+$0x8330];
	v45 =	vadd.f32 v60, v45;
	v60 =	vmul.f32 v21, v34  }
0x2a5: {  	v1 =	vmul.f32 v10, v1;
	v13 =	vmul.f32 v21, v22;
	v2 =	vsub.f32 v2, v19;
	v36 =	vld [tilespmem:s9+$0x8240]  }
0x2a6: {  	v8 =	vmul.f32 v21, v57;
	v57 =	vmul.f32 v10, v61;
	v43 =	vld [tilespmem:s9+$0x14240]  }
0x2a7: {  	v29 =	vmul.f32 v21, v17;
	v17 =	vmul.f32 v23, v20;
	[tilespmem:s9+$0x83F0] =	vst v2;
	v7 =	vsub.f32 v47, v41  }
0x2a8: {  	v2 =	vmul.f32 v10, v59;
	v59 =	vmul.f32 v10, v0;
	[tilespmem:$0x1FCD0] =	vst v14;
	v5 =	vsub.f32 v5, v40  }
0x2a9: {  	v34 =	vld [tilespmem:s9+$0x14350];
	v0 =	vsub.f32 v35, v16;
	v15 =	vadd.f32 v17, v27;
	v27 =	vmul.f32 v14, v54;
	[tilespmem:s7+$0x82B0] =	vst v7  }
0x2aa: {  	v17 =	vld [tilespmem:s9+$0x14340];
	v14 =	vmov v30;
	v30 =	vmul.f32 v10, v63;
	v7 =	vmul.f32 v21, v39;
	[tilespmem:s7+$0x82D0] =	vst v5  }
0x2ab: {  	v39 =	vmul.f32 v10, v58;
	v22 =	vmul.f32 v43, v36;
	v47 =	vld [tilespmem:s9+$0x82D0]  }
0x2ac: {  	v58 =	vmul.f32 v10, v62;
	v10 =	vmov v26;
	v40 =	vld [tilespmem:s9+$0x142D0];
	[tilespmem:s7+$0x82E0] =	vst v0;
	v0 =	vsub.f32 v42, v6  }
0x2ad: {  	v12 =	vmul.f32 v21, v12;
	v21 =	vld [tilespmem:s9+$0x8340];
	[tilespmem:$0x1FCC0] =	vst v10;
	v5 =	vadd.f32 v22, v11;
	v11 =	vmul.f32 v33, v32  }
0x2ae: {  	v10 =	vld [tilespmem:s9+$0x8350];
	[tilespmem:s7+$0x82F0] =	vst v0;
	v0 =	vsub.f32 v49, v13  }
0x2af: {  	[tilespmem:$0x1FC90] =	vst v14;
	v14 =	vmov v4;
	v4 =	vadd.f32 v11, v15;
	v15 =	vld [tilespmem:$0x1FBC0]  }
0x2b0: {  	[tilespmem:s7+$0x8320] =	vst v0;
	v0 =	vld [tilespmem:$0x1FBD0];
	_ =	sdelay $0x2  }
0x2b1: {  	v46 =	vld [tilespmem:s9+$0x14250]  }
0x2b2: {  	v6 =	vld [tilespmem:$0x1FBA0]  }
0x2b3: {  	v7 =	vsub.f32 v15, v7;
	v15 =	vsub.f32 v0, v39;
	v0 =	vld [tilespmem:$0x1FBE0]  }
0x2b4: {  	v41 =	vld [tilespmem:s9+$0x8250];
	_ =	sdelay $0x2  }
0x2b5: {  	v6 =	vsub.f32 v6, v12  }
0x2b6: {  	v16 =	vsub.f32 v0, v2;
	v0 =	vld [tilespmem:$0x1FBF0]  }
0x2b7: {  	v13 =	vmul.f32 v46, v41;
	[tilespmem:s7+$0x8300] =	vst v6;
	v6 =	vld [tilespmem:$0x1FBB0]  }
0x2b8: {  	v63 =	vmov v24;
	v27 =	vadd.f32 v27, v45;
	v45 =	vld [tilespmem:s9+$0x8260];
	v11 =	vmul.f32 v17, v21  }
0x2b9: {  	v24 =	vmovc v3;
	v3 =	vsub.f32 v48, v44;
	v35 =	vld [tilespmem:s9+$0x82E0];
	v5 =	vadd.f32 v13, v5;
	v13 =	vmul.f32 v40, v47  }
0x2ba: {  	v19 =	vmov v10;
	v11 =	vadd.f32 v11, v27;
	v44 =	vld [tilespmem:s9+$0x142E0];
	v12 =	vsub.f32 v18, v52  }
0x2bb: {  	[tilespmem:s7+$0x8330] =	vst v3;
	v3 =	vmul.f32 v34, v19;
	v10 =	vadd.f32 v13, v4;
	v13 =	vsub.f32 v0, v57;
	v0 =	vld [tilespmem:$0x1FC00]  }
0x2bc: {  	v18 =	vmov v55;
	v55 =	vld [tilespmem:s9+$0x14260];
	v6 =	vsub.f32 v6, v29  }
0x2bd: {  	[tilespmem:s7+$0x8310] =	vst v12;
	v4 =	vadd.f32 v3, v11;
	v3 =	vld [tilespmem:$0x1FC20]  }
0x2be: {  	v22 =	vmov v20;
	v12 =	vsub.f32 v25, v60;
	v20 =	vld [tilespmem:s9+$0x8360];
	[tilespmem:s7+$0x8340] =	vst v6  }
0x2bf: {  	s26 =	sadd.s32 $0x4, s26;
	[tilespmem:$0x1FCE0] =	vst v17;
	v39 =	vld [tilespmem:s9+$0x14360]  }
0x2c0: {  	p0 =	slt.u32 s26, $0x7C;
	v8 =	vsub.f32 v37, v8;
	[tilespmem:s7+$0x8350] =	vst v12;
	v2 =	vsub.f32 v0, v58;
	v0 =	vld [tilespmem:$0x1FC10]  }
.Ltmp2:
0x2c1: {  	v26 =	vmov v54;
	v54 =	vld [tilespmem:s9+$0x8270];
	v6 =	vmul.f32 v55, v45;
	[tilespmem:s7+$0x8360] =	vst v7;
	(pc) =	sbr.rel @p0 .LBB2_6-.Ltmp2, $4  }
0x2c2: {  	v60 =	vld [tilespmem:s9+$0x14270];
	[tilespmem:s7+$0x8370] =	vst v8;
	s7 =	smov.u32 s9  }
0x2c3: {  	v1 =	vsub.f32 v56, v1;
	v49 =	vadd.f32 v6, v5;
	v42 =	vld [tilespmem:s7+$0x82F0];
	v5 =	vmul.f32 v44, v35;
	[tilespmem:s7+$0x8380] =	vst v15  }
0x2c4: {  	v53 =	vmovc v32;
	v17 =	vmov v21;
	v27 =	vmov v51;
	v3 =	vsub.f32 v3, v59;
	v52 =	vld [tilespmem:s7+$0x142F0];
	[tilespmem:s7+$0x8390] =	vst v16  }
0x2c5: {  	s8 =	sadd.s32 $0x800, s8;
	v37 =	vld [tilespmem:s7+$0x8370];
	v5 =	vadd.f32 v5, v10;
	v48 =	vmul.f32 v39, v20;
	[tilespmem:s7+$0x83A0] =	vst v13;
	v0 =	vsub.f32 v0, v30  }
0x2c6: {  	v13 =	vld [tilespmem:$0x1FFC0]  }
0x2c7: {  	v6 =	vmul.f32 v60, v54;
	_ =	sdelay $0x1  }
0x2c8: {  	v6 =	vadd.f32 v6, v49  }
0x2c9: {  	v15 =	vld [tilespmem:$0x1FFD0]  }
0x2ca: {  	v7 =	vperm.xlane v6, v13;
	_ =	sdelay $0x1  }
0x2cb: {  	v6 =	vadd.f32 v6, v7;
	v7 =	vmul.f32 v52, v42  }
0x2cc: {  	v16 =	vld [tilespmem:$0x1FFE0]  }
0x2cd: {  	v8 =	vperm.xlane v6, v15;
	v5 =	vadd.f32 v7, v5;
	_ =	sdelay $0x1  }
0x2ce: {  	v6 =	vadd.f32 v6, v8;
	v7 =	vperm.xlane v5, v13;
	_ =	sdelay $0x1  }
0x2cf: {  	v8 =	vperm.xlane v6, v16;
	v5 =	vadd.f32 v5, v7;
	_ =	sdelay $0x1  }
0x2d0: {  	v21 =	vld [tilespmem:$0x1FFF0];
	v6 =	vadd.f32 v6, v8;
	v8 =	vperm.xlane v5, v15;
	_ =	sdelay $0x1  }
0x2d1: {  	v5 =	vadd.f32 v5, v8  }
0x2d2: {  	v10 =	vld [tilespmem:s7+$0x14370];
	[tilespmem:s7+$0x83B0] =	vst v2  }
0x2d3: {  	[tilespmem:s7+$0x83D0] =	vst v3;
	v2 =	vperm.xlane v5, v16  }
0x2d4: {  	[tilespmem:s7+$0x83C0] =	vst v0;
	v11 =	vperm.xlane v6, v21  }
0x2d5: {  	v2 =	vadd.f32 v5, v2;
	v5 =	vld [tilespmem:$0x1FC30]  }
0x2d6: {  	v6 =	vadd.f32 v6, v11  }
0x2d7: {  	v4 =	vadd.f32 v48, v4;
	v7 =	vmul.f32 v10, v37  }
0x2d8: {  	v8 =	vmul.f32 v6, v50  }
0x2d9: {  	v4 =	vadd.f32 v7, v4;
	[tilespmem:s7+$0x83E0] =	vst v1  }
0x2da: {  	v5 =	vsub.f32 v5, v8;
	v8 =	vld [tilespmem:$0x1FC40]  }
0x2db: {  	v7 =	vperm.xlane v4, v13  }
0x2dc: {  	[tilespmem:s7+$0x8200] =	vst v5  }
0x2dd: {  	v0 =	vadd.f32 v4, v7;
	v4 =	vmul.f32 v6, v27;
	v5 =	vld [tilespmem:$0x1FCA0];
	_ =	sdelay $0x1  }
0x2de: {  	v7 =	vmul.f32 v6, v38;
	v4 =	vsub.f32 v8, v4  }
0x2df: {  	v3 =	vmul.f32 v6, v31  }
0x2e0: {  	[tilespmem:s7+$0x8210] =	vst v4;
	v4 =	vsub.f32 v28, v7  }
0x2e1: {  	v3 =	vsub.f32 v5, v3  }
0x2e2: {  	v1 =	vperm.xlane v0, v15;
	[tilespmem:s7+$0x8230] =	vst v4  }
0x2e3: {  	v11 =	vmul.f32 v6, v43;
	[tilespmem:s7+$0x8220] =	vst v3  }
0x2e4: {  	v0 =	vadd.f32 v0, v1;
	v1 =	vmul.f32 v6, v46;
	v7 =	vld [tilespmem:$0x1FC50]  }
0x2e5: {  	v8 =	vperm.xlane v2, v21;
	v5 =	vmul.f32 v6, v55;
	v3 =	vsub.f32 v36, v11  }
0x2e6: {  	v1 =	vsub.f32 v41, v1;
	v6 =	vmul.f32 v6, v60  }
0x2e7: {  	v2 =	vadd.f32 v2, v8;
	v4 =	vperm.xlane v0, v16;
	[tilespmem:s7+$0x8240] =	vst v3;
	v3 =	vsub.f32 v45, v5  }
0x2e8: {  	v5 =	vld [tilespmem:$0x1FC70];
	[tilespmem:s7+$0x8250] =	vst v1;
	v1 =	vsub.f32 v54, v6  }
0x2e9: {  	v0 =	vadd.f32 v0, v4;
	v4 =	vld [tilespmem:$0x1FCB0];
	[tilespmem:s7+$0x8260] =	vst v3;
	v7 =	vmul.f32 v2, v7  }
0x2ea: {  	[tilespmem:s7+$0x8270] =	vst v1  }
0x2eb: {  	v1 =	vld [tilespmem:$0x1FC60];
	v3 =	vsub.f32 v9, v7;
	_ =	sdelay $0x1  }
0x2ec: {  	[tilespmem:s7+$0x8280] =	vst v3  }
0x2ed: {  	v5 =	vmul.f32 v2, v5;
	v3 =	vld [tilespmem:$0x1FCC0];
	_ =	sdelay $0x1  }
0x2ee: {  	v6 =	vmul.f32 v2, v23;
	v1 =	vsub.f32 v1, v5  }
0x2ef: {  	v4 =	vmul.f32 v2, v4  }
0x2f0: {  	[tilespmem:s7+$0x8290] =	vst v1;
	v1 =	vsub.f32 v22, v6  }
0x2f1: {  	v7 =	vmul.f32 v2, v33;
	v3 =	vsub.f32 v3, v4  }
0x2f2: {  	v5 =	vperm.xlane v0, v21;
	[tilespmem:s7+$0x82B0] =	vst v1;
	v4 =	vmul.f32 v2, v40  }
0x2f3: {  	[tilespmem:s7+$0x82A0] =	vst v3;
	v3 =	vsub.f32 v53, v7  }
0x2f4: {  	v0 =	vadd.f32 v0, v5;
	v5 =	vmul.f32 v2, v44;
	v1 =	vsub.f32 v47, v4;
	v4 =	vld [tilespmem:$0x1FC80]  }
0x2f5: {  	[tilespmem:s7+$0x82C0] =	vst v3  }
0x2f6: {  	v3 =	vsub.f32 v35, v5;
	v5 =	vld [tilespmem:$0x1FC90]  }
0x2f7: {  	v2 =	vmul.f32 v2, v52;
	_ =	sdelay $0x1  }
0x2f8: {  	[tilespmem:s7+$0x82D0] =	vst v1;
	v1 =	vsub.f32 v42, v2;
	v4 =	vmul.f32 v0, v4  }
0x2f9: {  	[tilespmem:s7+$0x82E0] =	vst v3  }
0x2fa: {  	v5 =	vmul.f32 v0, v5;
	v3 =	vsub.f32 v14, v4;
	v4 =	vld [tilespmem:$0x1FCD0];
	[tilespmem:s7+$0x82F0] =	vst v1  }
0x2fb: {  	v2 =	vmul.f32 v0, v63;
	v1 =	vld [tilespmem:$0x1FCE0]  }
0x2fc: {  	v5 =	vsub.f32 v24, v5  }
0x2fd: {  	v2 =	vsub.f32 v18, v2;
	[tilespmem:s7+$0x8300] =	vst v3;
	v3 =	vmul.f32 v0, v34  }
0x2fe: {  	[tilespmem:s7+$0x8310] =	vst v5;
	v5 =	vmul.f32 v0, v39  }
0x2ff: {  	[tilespmem:s7+$0x8320] =	vst v2;
	v2 =	vsub.f32 v19, v3;
	v4 =	vmul.f32 v0, v4  }
0x300: {  	v1 =	vmul.f32 v0, v1;
	v3 =	vsub.f32 v20, v5  }
0x301: {  	v0 =	vmul.f32 v0, v10;
	[tilespmem:s7+$0x8350] =	vst v2;
	v4 =	vsub.f32 v26, v4  }
0x302: {  	v1 =	vsub.f32 v17, v1;
	[tilespmem:s7+$0x8360] =	vst v3  }
0x303: {  	v0 =	vsub.f32 v37, v0;
	[tilespmem:s7+$0x8330] =	vst v4  }
0x304: {  	[tilespmem:s7+$0x8340] =	vst v1  }
0x305: {  	s26 =	simm.s32 $0x8200;
	[tilespmem:s7+$0x8370] =	vst v0  }
0x306: {  	[hbm4b:s14+s3] =	stream.linear.scatter [tilespmem:s26], [sflag:$0x9], $0x4000, $0x38;
	[tilespmem:$0x18200] =	vst v63  }
0x307: {  	_ =	swait.ge [sflag:s28], $0x4000  }
0x308: {  	[sflag:s28] =	ssyncset.done $0x0  }
0x309: {  	[sflag:s28] =	ssyncadd.s32 $0xFFFFC000  }
0x30a: {  	_ =	swait.ge [sflag:s29], $0x4000  }
0x30b: {  	[sflag:s29] =	ssyncset.done $0x0  }
0x30c: {  	s7 =	simm.s32 $0x300;
	[sflag:s29] =	ssyncadd.s32 $0xFFFFC000  }
0x30d: {  	[hbm4b:s15+s3] =	stream.linear.scatter [tilespmem:s20], [sflag:$0xA], $0x4000, $0x38;
	[tilespmem:$0x18200] =	vst v63  }
0x30e: {  	v0 =	vld [tilespmem:s7+$0x80]  }
0x30f: {  	s26 =	simm.s32 $0xC300;
	v1 =	vld [tilespmem:s7+$0x90]  }
0x310: {  	v2 =	vld [tilespmem:s26+$0x80]  }
0x311: {  	v3 =	vld [tilespmem:s26+$0x90]  }
0x312: {  	v4 =	vld [tilespmem:s7+$0xA0]  }
0x313: {  	v5 =	vld [tilespmem:s26+$0xA0]  }
0x314: {  	v6 =	vld [tilespmem:s7+$0xB0]  }
0x315: {  	v29 =	vld [tilespmem:s26+$0xB0]  }
0x316: {  	v37 =	vld [tilespmem:s7+$0xC0]  }
0x317: {  	v40 =	vld [tilespmem:s26+$0xC0]  }
0x318: {  	v46 =	vld [tilespmem:s7+$0xD0]  }
0x319: {  	v48 =	vld [tilespmem:s26+$0xD0]  }
0x31a: {  	v9 =	vld [tilespmem:s7+$0xE0]  }
0x31b: {  	v50 =	vld [tilespmem:s26+$0xE0]  }
0x31c: {  	v33 =	vld [tilespmem:s7+$0xF0]  }
0x31d: {  	v24 =	vld [tilespmem:s26+$0xF0]  }
0x31e: {  	v22 =	vld [tilespmem:s7+$0xFFFFFF10]  }
0x31f: {  	v25 =	vld [tilespmem:s26+$0xFFFFFF00]  }
0x320: {  	v63 =	vld [tilespmem:s26+$0xFFFFFF10];
	v7 =	vmul.f32 v2, v0;
	v8 =	vmul.f32 v3, v1  }
0x321: {  	v45 =	vld [tilespmem:s7+$0xFFFFFF80]  }
0x322: {  	v17 =	vld [tilespmem:s7+$0xFFFFFF90];
	v7 =	vadd.f32 v8, v7;
	v8 =	vmul.f32 v5, v4  }
0x323: {  	v18 =	vld [tilespmem:s26+$0xFFFFFF80]  }
0x324: {  	v27 =	vld [tilespmem:s26+$0xFFFFFF90];
	v7 =	vadd.f32 v8, v7;
	v8 =	vmul.f32 v29, v6  }
0x325: {  	v20 =	vld [tilespmem:s7+$0x0]  }
0x326: {  	v49 =	vld [tilespmem:s7+$0x10];
	v7 =	vadd.f32 v8, v7;
	v8 =	vmul.f32 v40, v37  }
0x327: {  	v47 =	vld [tilespmem:s26+$0x0]  }
0x328: {  	v54 =	vld [tilespmem:s7+$0xFFFFFF00];
	v51 =	vmul.f32 v48, v46;
	v7 =	vadd.f32 v8, v7  }
0x329: {  	v55 =	vld [tilespmem:s7+$0xFFFFFF20]  }
0x32a: {  	v32 =	vld [tilespmem:s26+$0xFFFFFF20];
	v57 =	vmul.f32 v50, v9;
	v7 =	vadd.f32 v51, v7  }
0x32b: {  	v59 =	vld [tilespmem:s7+$0xFFFFFFA0]  }
0x32c: {  	v28 =	vld [tilespmem:s26+$0xFFFFFFA0];
	v58 =	vmul.f32 v24, v33;
	v7 =	vadd.f32 v57, v7  }
0x32d: {  	v60 =	vld [tilespmem:s26+$0x20]  }
0x32e: {  	v31 =	vld [tilespmem:s7+$0xFFFFFF30];
	v12 =	vadd.f32 v58, v7  }
0x32f: {  	v38 =	vld [tilespmem:s26+$0xFFFFFF30]  }
0x330: {  	v61 =	vld [tilespmem:s7+$0xFFFFFFB0];
	v13 =	vperm.xlane v12, v13  }
0x331: {  	v30 =	vld [tilespmem:s26+$0xFFFFFFB0]  }
0x332: {  	v19 =	vld [tilespmem:s7+$0x30];
	v13 =	vadd.f32 v12, v13  }
0x333: {  	v7 =	vld [tilespmem:s7+$0x20]  }
0x334: {  	v34 =	vld [tilespmem:s7+$0xFFFFFF40];
	v23 =	vperm.xlane v13, v15  }
0x335: {  	v42 =	vld [tilespmem:s26+$0xFFFFFF40]  }
0x336: {  	v8 =	vld [tilespmem:s26+$0x10]  }
0x337: {  	v12 =	vld [tilespmem:s26+$0x30]  }
0x338: {  	v13 =	vadd.f32 v13, v23;
	v23 =	vmov v7;
	v7 =	vld [tilespmem:s7+$0xFFFFFFC0];
	[tilespmem:$0x1FAB0] =	vst v22  }
0x339: {  	[tilespmem:$0x1FAC0] =	vst v63  }
0x33a: {  	v36 =	vld [tilespmem:s26+$0xFFFFFFC0];
	[tilespmem:$0x1FAD0] =	vst v45  }
0x33b: {  	[tilespmem:$0x1FAE0] =	vst v18  }
0x33c: {  	[tilespmem:$0x1FAF0] =	vst v17  }
0x33d: {  	v26 =	vperm.xlane v13, v16;
	[tilespmem:$0x1FB00] =	vst v27  }
0x33e: {  	v35 =	vmul.f32 v63, v22;
	v22 =	vld [tilespmem:s7+$0x40];
	[tilespmem:$0x1FB10] =	vst v47  }
0x33f: {  	v56 =	vmul.f32 v25, v54;
	v26 =	vadd.f32 v13, v26;
	v13 =	vld [tilespmem:s26+$0x40];
	[tilespmem:$0x1FB20] =	vst v8  }
0x340: {  	v62 =	vmul.f32 v18, v45;
	v63 =	vmul.f32 v27, v17;
	v39 =	vld [tilespmem:s7+$0xFFFFFF50];
	[tilespmem:$0x1FB30] =	vst v55  }
0x341: {  	v10 =	vmul.f32 v47, v20;
	v35 =	vadd.f32 v35, v56;
	v58 =	vmul.f32 v32, v55;
	v45 =	vld [tilespmem:s26+$0xFFFFFF50];
	[tilespmem:$0x1FB40] =	vst v59  }
0x342: {  	v57 =	vmul.f32 v8, v49;
	v41 =	vadd.f32 v63, v62;
	v62 =	vmul.f32 v12, v19;
	[tilespmem:$0x1FB50] =	vst v28  }
0x343: {  	v35 =	vadd.f32 v58, v35;
	v8 =	vmul.f32 v38, v31;
	v51 =	vperm.xlane v26, v21;
	v27 =	vld [tilespmem:s7+$0xFFFFFFD0];
	[tilespmem:$0x1FB60] =	vst v60  }
0x344: {  	v44 =	vadd.f32 v57, v10;
	v63 =	vmul.f32 v42, v34;
	v59 =	vmul.f32 v28, v59;
	v43 =	vld [tilespmem:s26+$0xFFFFFFD0]  }
0x345: {  	v28 =	vmovc v7;
	v7 =	vmul.f32 v60, v23;
	v8 =	vadd.f32 v8, v35;
	v51 =	vadd.f32 v26, v51;
	v17 =	vld [tilespmem:s7+$0x50]  }
0x346: {  	v26 =	vmov v61;
	v61 =	vmul.f32 v30, v61;
	v35 =	vld [tilespmem:s26+$0x50];
	[tilespmem:$0x1FB70] =	vst v12;
	v12 =	vmul.f32 v36, v28  }
0x347: {  	v7 =	vadd.f32 v7, v44;
	v60 =	vmul.f32 v51, v24;
	v2 =	vmul.f32 v51, v2;
	v44 =	vld [tilespmem:s7+$0xFFFFFF60]  }
0x348: {  	v41 =	vadd.f32 v59, v41;
	v56 =	vld [tilespmem:s26+$0xFFFFFF60];
	v3 =	vmul.f32 v51, v3;
	[tilespmem:$0x1FB80] =	vst v13;
	v57 =	vmul.f32 v13, v22  }
0x349: {  	v8 =	vadd.f32 v63, v8;
	v5 =	vmul.f32 v51, v5;
	v59 =	vmul.f32 v51, v29;
	v47 =	vld [tilespmem:s26+$0xFFFFFFE0]  }
0x34a: {  	v41 =	vadd.f32 v61, v41;
	v7 =	vadd.f32 v62, v7;
	v21 =	vld [tilespmem:s7+$0x60];
	v61 =	vmul.f32 v51, v48  }
0x34b: {  	v55 =	vsub.f32 v33, v60;
	v33 =	vld [tilespmem:s7+$0xFFFFFFE0];
	v13 =	vmul.f32 v45, v39;
	v52 =	vsub.f32 v0, v2  }
0x34c: {  	v48 =	vld [tilespmem:s7+$0xFFFFFF70];
	v0 =	vmul.f32 v51, v40;
	v62 =	vsub.f32 v1, v3;
	v53 =	vsub.f32 v4, v5  }
0x34d: {  	v5 =	vmul.f32 v51, v50;
	v2 =	vsub.f32 v6, v59;
	v10 =	vadd.f32 v12, v41;
	v41 =	vld [tilespmem:s26+$0x60]  }
0x34e: {  	v58 =	vld [tilespmem:s26+$0xFFFFFF70];
	v7 =	vadd.f32 v57, v7;
	v3 =	vsub.f32 v46, v61;
	v14 =	vmul.f32 v43, v27  }
0x34f: {  	v40 =	vld [tilespmem:s7+$0xFFFFFFF0];
	v8 =	vadd.f32 v13, v8;
	v1 =	vmul.f32 v35, v17;
	[tilespmem:s7+$0xF0] =	vst v55;
	v0 =	vsub.f32 v37, v0  }
0x350: {  	v57 =	vld [tilespmem:s26+$0xFFFFFFF0];
	[tilespmem:s7+$0x80] =	vst v52;
	v6 =	vmul.f32 v56, v44;
	v10 =	vadd.f32 v14, v10;
	v55 =	vmul.f32 v47, v33  }
0x351: {  	v46 =	vld [tilespmem:s26+$0x70];
	[tilespmem:s7+$0x90] =	vst v62;
	v4 =	vadd.f32 v1, v7;
	v1 =	vsub.f32 v9, v5  }
0x352: {  	s8 =	simm.s32 $0x0;
	s9 =	simm.s32 $0x500;
	v37 =	vld [tilespmem:s7+$0x70];
	[tilespmem:s7+$0xA0] =	vst v53;
	v6 =	vadd.f32 v6, v8;
	v50 =	vmul.f32 v41, v21;
	v5 =	vadd.f32 v55, v10  }
.LBB2_8:
0x353: {  	v7 =	vld [tilespmem:s9+$0x80]  }
0x354: {  	[tilespmem:$0x1FA20] =	vst v20;
	v14 =	vld [tilespmem:$0x1FFC0]  }
0x355: {  	[tilespmem:$0x1FA40] =	vst v19;
	v19 =	vld [tilespmem:$0x1FFD0]  }
0x356: {  	[tilespmem:$0x1FA30] =	vst v49;
	v49 =	vld [tilespmem:$0x1FFE0]  }
0x357: {  	[tilespmem:s7+$0xB0] =	vst v2;
	v20 =	vld [tilespmem:$0x1FFF0]  }
0x358: {  	s26 =	sadd.s32 $0x200, s26;
	v8 =	vld [tilespmem:s9+$0x90];
	[tilespmem:s7+$0xC0] =	vst v0;
	v51 =	vmul.f32 v58, v48  }
0x359: {  	v59 =	vld [tilespmem:s26+$0x80];
	[tilespmem:s7+$0xD0] =	vst v3  }
0x35a: {  	v60 =	vld [tilespmem:s26+$0x90];
	v2 =	vmul.f32 v57, v40;
	v0 =	vadd.f32 v51, v6  }
0x35b: {  	v4 =	vadd.f32 v50, v4;
	[tilespmem:s7+$0xE0] =	vst v1;
	v9 =	vld [tilespmem:s9+$0xA0]  }
0x35c: {  	v3 =	vmul.f32 v46, v37;
	v61 =	vld [tilespmem:s26+$0xA0];
	v2 =	vadd.f32 v2, v5;
	v1 =	vperm.xlane v0, v14  }
0x35d: {  	v10 =	vld [tilespmem:s9+$0xB0]  }
0x35e: {  	v62 =	vld [tilespmem:s26+$0xB0];
	v3 =	vadd.f32 v3, v4;
	v5 =	vadd.f32 v0, v1;
	v0 =	vperm.xlane v2, v14  }
0x35f: {  	v51 =	vld [tilespmem:s9+$0xC0];
	v4 =	vmul.f32 v60, v8;
	v1 =	vmul.f32 v59, v7  }
0x360: {  	v55 =	vperm.xlane v3, v14;
	v2 =	vadd.f32 v2, v0;
	v0 =	vld [tilespmem:s26+$0xC0]  }
0x361: {  	v50 =	vld [tilespmem:s9+$0xD0];
	v63 =	vmul.f32 v61, v9;
	v6 =	vperm.xlane v5, v19;
	v4 =	vadd.f32 v4, v1  }
0x362: {  	v3 =	vadd.f32 v3, v55;
	v1 =	vld [tilespmem:s26+$0xD0]  }
0x363: {  	[tilespmem:$0x1FA80] =	vst v8;
	v8 =	vmul.f32 v62, v10;
	v55 =	vld [tilespmem:s9+$0xE0];
	v6 =	vadd.f32 v5, v6;
	v5 =	vadd.f32 v63, v4  }
0x364: {  	[tilespmem:$0x1FA70] =	vst v7;
	v13 =	vperm.xlane v3, v19;
	v7 =	vperm.xlane v2, v19;
	v63 =	vld [tilespmem:s26+$0xE0]  }
0x365: {  	v4 =	vld [tilespmem:s9+$0xF0];
	v8 =	vadd.f32 v8, v5;
	v52 =	vmul.f32 v0, v51  }
0x366: {  	v3 =	vadd.f32 v3, v13;
	v2 =	vadd.f32 v2, v7;
	v5 =	vld [tilespmem:s26+$0xF0]  }
0x367: {  	v7 =	vperm.xlane v6, v49;
	v53 =	vmul.f32 v1, v50;
	v8 =	vadd.f32 v52, v8  }
0x368: {  	v12 =	vperm.xlane v3, v49  }
0x369: {  	v6 =	vadd.f32 v6, v7;
	v8 =	vadd.f32 v53, v8;
	v53 =	vmul.f32 v63, v55  }
0x36a: {  	v16 =	vld [tilespmem:s9+$0xFFFFFF80];
	v11 =	vperm.xlane v2, v49;
	v12 =	vadd.f32 v3, v12  }
0x36b: {  	v18 =	vld [tilespmem:s26+$0xFFFFFF90];
	v52 =	vperm.xlane v6, v20;
	v3 =	vadd.f32 v53, v8;
	v8 =	vmul.f32 v5, v4  }
0x36c: {  	[tilespmem:$0x1FAA0] =	vst v10;
	v10 =	vld [tilespmem:s26+$0xFFFFFF00];
	v2 =	vadd.f32 v2, v11  }
0x36d: {  	v11 =	vadd.f32 v6, v52;
	v8 =	vadd.f32 v8, v3;
	v3 =	vld [tilespmem:$0x1FAC0]  }
0x36e: {  	v13 =	vld [tilespmem:s26+$0xFFFFFF10];
	v24 =	vperm.xlane v12, v20;
	v15 =	vperm.xlane v2, v20  }
0x36f: {  	[tilespmem:$0x1FA50] =	vst v17;
	v7 =	vld [tilespmem:s9+$0xFFFFFF10];
	v17 =	vmul.f32 v11, v25;
	v32 =	vmul.f32 v11, v32  }
0x370: {  	v6 =	vld [tilespmem:s9+$0xFFFFFF90];
	v38 =	vmul.f32 v11, v38;
	v42 =	vmul.f32 v11, v42  }
0x371: {  	[tilespmem:$0x1FA90] =	vst v9;
	v9 =	vadd.f32 v2, v15;
	v15 =	vld [tilespmem:s26+$0xFFFFFF80];
	v45 =	vmul.f32 v11, v45;
	v56 =	vmul.f32 v11, v56  }
0x372: {  	[tilespmem:$0x1FA60] =	vst v21;
	v21 =	vmul.f32 v11, v3;
	v11 =	vmul.f32 v11, v58;
	v58 =	vld [tilespmem:$0x1FB30]  }
0x373: {  	v52 =	vmov v22;
	v22 =	vld [tilespmem:s26+$0x0]  }
0x374: {  	v17 =	vsub.f32 v54, v17;
	v54 =	vld [tilespmem:$0x1FAB0]  }
0x375: {  	v12 =	vadd.f32 v12, v24;
	v2 =	vmov v13;
	v24 =	vmov v23;
	v23 =	vld [tilespmem:s26+$0x10]  }
0x376: {  	[tilespmem:$0x1FAC0] =	vst v2;
	v2 =	vld [tilespmem:s9+$0x10]  }
0x377: {  	[tilespmem:s7+$0xFFFFFF00] =	vst v17;
	v17 =	vsub.f32 v58, v32;
	v58 =	vld [tilespmem:$0x1FAE0]  }
0x378: {  	v53 =	vmovc v28;
	v28 =	vmovc v26;
	v26 =	vmov v10;
	v10 =	vmul.f32 v13, v7;
	v13 =	vperm.xlane v8, v14;
	v32 =	vld [tilespmem:$0x1FB00]  }
0x379: {  	v3 =	vld [tilespmem:s9+$0x0];
	v21 =	vsub.f32 v54, v21;
	v54 =	vmov v7  }
0x37a: {  	v25 =	vld [tilespmem:s26+$0xFFFFFFA0];
	v8 =	vadd.f32 v8, v13;
	[tilespmem:$0x1FAB0] =	vst v54  }
0x37b: {  	v31 =	vsub.f32 v31, v38;
	v7 =	vmul.f32 v15, v16;
	v54 =	vld [tilespmem:s9+$0xFFFFFF00];
	[tilespmem:s7+$0xFFFFFF10] =	vst v21  }
0x37c: {  	v29 =	vmovc v27;
	v34 =	vsub.f32 v34, v42;
	v27 =	vld [tilespmem:s9+$0xFFFFFF20];
	v21 =	vmul.f32 v9, v58;
	v58 =	vperm.xlane v8, v19  }
0x37d: {  	v14 =	vmul.f32 v9, v32;
	v19 =	vmov v15;
	v32 =	vld [tilespmem:s26+$0xFFFFFF20];
	[tilespmem:s7+$0xFFFFFF20] =	vst v17;
	v15 =	vmul.f32 v9, v30  }
0x37e: {  	v38 =	vld [tilespmem:$0x1FB50];
	v30 =	vmul.f32 v22, v3;
	[tilespmem:s7+$0xFFFFFF30] =	vst v31;
	v31 =	vmul.f32 v23, v2  }
0x37f: {  	v17 =	vld [tilespmem:s9+$0xFFFFFFA0];
	[tilespmem:s7+$0xFFFFFF40] =	vst v34;
	v8 =	vadd.f32 v8, v58  }
0x380: {  	v13 =	vmul.f32 v18, v6;
	[tilespmem:$0x1FAE0] =	vst v19;
	v42 =	vadd.f32 v31, v30;
	v30 =	vld [tilespmem:$0x1FB10]  }
0x381: {  	v58 =	vmul.f32 v9, v36;
	v31 =	vld [tilespmem:s9+$0xFFFFFF30];
	v19 =	vmovc v18;
	v36 =	vperm.xlane v8, v49;
	v49 =	vsub.f32 v39, v45  }
0x382: {  	v11 =	vsub.f32 v48, v11;
	v18 =	vmul.f32 v26, v54;
	[tilespmem:$0x1FB00] =	vst v19;
	v19 =	vld [tilespmem:s9+$0x20]  }
0x383: {  	v7 =	vadd.f32 v13, v7;
	v13 =	vmul.f32 v9, v38;
	v39 =	vld [tilespmem:s26+$0x20];
	v8 =	vadd.f32 v8, v36;
	[tilespmem:s7+$0xFFFFFF50] =	vst v49  }
0x384: {  	v10 =	vadd.f32 v10, v18;
	v18 =	vmul.f32 v32, v27;
	v49 =	vsub.f32 v44, v56;
	v38 =	vld [tilespmem:s26+$0xFFFFFF30]  }
0x385: {  	v44 =	vmul.f32 v12, v30;
	v30 =	vld [tilespmem:$0x1FB20];
	[tilespmem:s7+$0xFFFFFF70] =	vst v11;
	v36 =	vperm.xlane v8, v20;
	v20 =	vmov v23  }
0x386: {  	[tilespmem:$0x1FB20] =	vst v20;
	v20 =	vld [tilespmem:$0x1FB60]  }
0x387: {  	v10 =	vadd.f32 v18, v10;
	v18 =	vld [tilespmem:s9+$0xFFFFFFB0];
	[tilespmem:s7+$0xFFFFFF60] =	vst v49  }
0x388: {  	v34 =	vld [tilespmem:s9+$0xFFFFFF40]  }
0x389: {  	v45 =	vld [tilespmem:s26+$0xFFFFFF50]  }
0x38a: {  	v43 =	vmul.f32 v9, v43;
	v49 =	vmul.f32 v39, v19;
	v8 =	vadd.f32 v8, v36;
	v36 =	vld [tilespmem:$0x1FAD0]  }
0x38b: {  	v47 =	vmul.f32 v9, v47;
	v23 =	vmul.f32 v12, v20;
	v20 =	vld [tilespmem:$0x1FB70]  }
0x38c: {  	v9 =	vmul.f32 v9, v57;
	v57 =	vmul.f32 v12, v35;
	v35 =	vadd.f32 v49, v42;
	v42 =	vld [tilespmem:s26+$0xFFFFFF40]  }
0x38d: {  	[tilespmem:$0x1FB50] =	vst v25;
	v49 =	vld [tilespmem:$0x1FAF0];
	v56 =	vmul.f32 v12, v30;
	v30 =	vmov v22;
	v22 =	vmul.f32 v25, v17  }
0x38e: {  	[tilespmem:$0x1FB10] =	vst v30;
	v30 =	vld [tilespmem:s26+$0xFFFFFFB0]  }
0x38f: {  	[tilespmem:$0x1FB30] =	vst v27;
	v25 =	vmovc v26;
	v26 =	vmul.f32 v8, v5;
	v5 =	vmov v6;
	v7 =	vadd.f32 v22, v7;
	v22 =	vld [tilespmem:s9+$0x30]  }
0x390: {  	[tilespmem:$0x1FAF0] =	vst v5;
	v11 =	vsub.f32 v36, v21;
	v48 =	vmul.f32 v12, v20;
	v20 =	vmov v39;
	v39 =	vld [tilespmem:s26+$0x30]  }
0x391: {  	[tilespmem:$0x1FB60] =	vst v20;
	v20 =	vld [tilespmem:$0x1FB80]  }
0x392: {  	v27 =	vmul.f32 v38, v31;
	v5 =	vmul.f32 v8, v59;
	v59 =	vld [tilespmem:$0x1FB40];
	[tilespmem:s7+$0xFFFFFF80] =	vst v11  }
0x393: {  	v36 =	vld [tilespmem:s26+$0xFFFFFFC0]  }
0x394: {  	v10 =	vadd.f32 v27, v10;
	v4 =	vsub.f32 v4, v26;
	v26 =	vmovc v18;
	v27 =	vmul.f32 v30, v18;
	v18 =	vld [tilespmem:$0x1FA40]  }
0x395: {  	v6 =	vmul.f32 v8, v60;
	v11 =	vsub.f32 v49, v14;
	[tilespmem:$0x1FB70] =	vst v39;
	v60 =	vmul.f32 v39, v22;
	v39 =	vld [tilespmem:s9+$0xFFFFFF50]  }
0x396: {  	[tilespmem:s9+$0xF0] =	vst v4;
	v4 =	vmul.f32 v8, v62;
	v21 =	vmul.f32 v12, v20;
	v20 =	vmov v16;
	v16 =	vld [tilespmem:s9+$0xFFFFFFC0]  }
0x397: {  	v62 =	vsub.f32 v28, v15;
	v14 =	vmul.f32 v12, v41;
	[tilespmem:s7+$0xFFFFFF90] =	vst v11;
	v11 =	vsub.f32 v59, v13;
	v13 =	vld [tilespmem:s9+$0x40]  }
0x398: {  	v12 =	vmul.f32 v12, v46;
	v46 =	vmul.f32 v8, v61;
	v61 =	vld [tilespmem:s26+$0x40]  }
0x399: {  	[tilespmem:s7+$0xFFFFFFB0] =	vst v62;
	v59 =	vld [tilespmem:$0x1FA20]  }
0x39a: {  	v15 =	vmul.f32 v42, v34;
	v62 =	vld [tilespmem:$0x1FA70];
	[tilespmem:s7+$0xFFFFFFA0] =	vst v11  }
0x39b: {  	v0 =	vmul.f32 v8, v0;
	v7 =	vadd.f32 v27, v7;
	[tilespmem:$0x1FAD0] =	vst v20;
	v20 =	vmov v17;
	v27 =	vld [tilespmem:s9+$0xFFFFFFD0]  }
0x39c: {  	v10 =	vadd.f32 v15, v10;
	v17 =	vsub.f32 v29, v43;
	v43 =	vld [tilespmem:s26+$0xFFFFFFD0];
	v15 =	vmul.f32 v36, v16  }
0x39d: {  	v1 =	vmul.f32 v8, v1;
	v8 =	vmul.f32 v8, v63;
	v63 =	vld [tilespmem:$0x1FA80]  }
0x39e: {  	v58 =	vsub.f32 v53, v58;
	v49 =	vmovc v2;
	[tilespmem:$0x1FB40] =	vst v20;
	v20 =	vmov v3;
	v3 =	vadd.f32 v15, v7;
	v7 =	vld [tilespmem:s9+$0x50]  }
0x39f: {  	v41 =	vadd.f32 v60, v35;
	v35 =	vld [tilespmem:s26+$0x50];
	v2 =	vmul.f32 v45, v39;
	[tilespmem:s7+$0xFFFFFFD0] =	vst v17;
	v17 =	vsub.f32 v24, v23  }
0x3a0: {  	v33 =	vsub.f32 v33, v47;
	v60 =	vsub.f32 v52, v21;
	v21 =	vld [tilespmem:s9+$0x60]  }
0x3a1: {  	[tilespmem:s7+$0xFFFFFFC0] =	vst v58;
	v28 =	vmov v16;
	v16 =	vld [tilespmem:$0x1FA30];
	v10 =	vadd.f32 v2, v10;
	v2 =	vmul.f32 v43, v27  }
0x3a2: {  	v9 =	vsub.f32 v40, v9;
	[tilespmem:s7+$0xFFFFFFE0] =	vst v33;
	v11 =	vsub.f32 v59, v44;
	v44 =	vld [tilespmem:s9+$0xFFFFFF60]  }
0x3a3: {  	[tilespmem:s7+$0x20] =	vst v17;
	v17 =	vmov v7;
	v7 =	vadd.f32 v2, v3;
	v2 =	vld [tilespmem:$0x1FA90]  }
0x3a4: {  	[tilespmem:s7+$0xFFFFFFF0] =	vst v9;
	v23 =	vmov v19;
	v19 =	vld [tilespmem:$0x1FA60]  }
0x3a5: {  	v33 =	vld [tilespmem:s9+$0xFFFFFFE0]  }
0x3a6: {  	[tilespmem:$0x1FB80] =	vst v61;
	v15 =	vmul.f32 v61, v13;
	v61 =	vld [tilespmem:$0x1FA50];
	v16 =	vsub.f32 v16, v56  }
0x3a7: {  	v18 =	vsub.f32 v18, v48;
	[tilespmem:s7+$0x0] =	vst v11;
	v56 =	vld [tilespmem:s26+$0xFFFFFF60]  }
0x3a8: {  	v5 =	vsub.f32 v62, v5;
	[tilespmem:s7+$0x10] =	vst v16;
	v16 =	vsub.f32 v2, v46;
	v2 =	vld [tilespmem:$0x1FAA0]  }
0x3a9: {  	v47 =	vld [tilespmem:s26+$0xFFFFFFE0];
	[tilespmem:s7+$0x30] =	vst v18  }
0x3aa: {  	s8 =	sadd.s32 $0x4, s8;
	v48 =	vld [tilespmem:s9+$0xFFFFFF70];
	[tilespmem:s9+$0x80] =	vst v5;
	v14 =	vsub.f32 v19, v14  }
0x3ab: {  	p0 =	slt.u32 s8, $0x7C;
	v12 =	vsub.f32 v37, v12;
	v15 =	vadd.f32 v15, v41;
	v3 =	vmul.f32 v35, v17;
	v41 =	vld [tilespmem:s26+$0x60];
	[tilespmem:s7+$0x40] =	vst v60  }
.Ltmp3:
0x3ac: {  	v58 =	vld [tilespmem:s26+$0xFFFFFF70];
	v19 =	vmovc v22;
	v22 =	vmov v13;
	v13 =	vsub.f32 v63, v6;
	v11 =	vsub.f32 v61, v57;
	[tilespmem:s7+$0x60] =	vst v14;
	(pc) =	sbr.rel @p0 .LBB2_8-.Ltmp3, $4  }
0x3ad: {  	v40 =	vld [tilespmem:s9+$0xFFFFFFF0];
	[tilespmem:s7+$0x70] =	vst v12;
	v6 =	vmul.f32 v56, v44;
	v2 =	vsub.f32 v2, v4;
	v4 =	vadd.f32 v3, v15  }
0x3ae: {  	v57 =	vld [tilespmem:s26+$0xFFFFFFF0];
	[tilespmem:s7+$0x50] =	vst v11;
	v3 =	vsub.f32 v50, v1;
	v1 =	vsub.f32 v55, v8;
	v8 =	vmul.f32 v47, v33  }
0x3af: {  	v0 =	vsub.f32 v51, v0;
	[tilespmem:s9+$0x90] =	vst v13;
	s7 =	smov.u32 s9;
	v37 =	vld [tilespmem:s9+$0x70]  }
0x3b0: {  	s9 =	sadd.s32 $0x200, s9;
	v6 =	vadd.f32 v6, v10;
	v46 =	vld [tilespmem:s26+$0x70];
	[tilespmem:s7+$0xA0] =	vst v16;
	v50 =	vmul.f32 v41, v21;
	v5 =	vadd.f32 v8, v7  }
0x3b1: {  	v10 =	vld [tilespmem:$0x1FFC0]  }
0x3b2: {  	v7 =	vmul.f32 v58, v48;
	_ =	sdelay $0x1  }
0x3b3: {  	v6 =	vadd.f32 v7, v6  }
0x3b4: {  	v11 =	vld [tilespmem:$0x1FFD0]  }
0x3b5: {  	v7 =	vperm.xlane v6, v10;
	_ =	sdelay $0x1  }
0x3b6: {  	v6 =	vadd.f32 v6, v7  }
0x3b7: {  	v12 =	vld [tilespmem:$0x1FFE0]  }
0x3b8: {  	v8 =	vperm.xlane v6, v11;
	_ =	sdelay $0x1  }
0x3b9: {  	v6 =	vadd.f32 v6, v8  }
0x3ba: {  	v13 =	vld [tilespmem:$0x1FFF0];
	v55 =	vmul.f32 v57, v40  }
0x3bb: {  	v8 =	vperm.xlane v6, v12  }
0x3bc: {  	v5 =	vadd.f32 v55, v5  }
0x3bd: {  	v6 =	vadd.f32 v6, v8  }
0x3be: {  	v7 =	vperm.xlane v5, v10  }
0x3bf: {  	v9 =	vperm.xlane v6, v13  }
0x3c0: {  	v4 =	vadd.f32 v50, v4;
	v59 =	vmul.f32 v46, v37;
	v5 =	vadd.f32 v5, v7  }
0x3c1: {  	v6 =	vadd.f32 v6, v9  }
0x3c2: {  	[tilespmem:s7+$0xB0] =	vst v2;
	v4 =	vadd.f32 v59, v4;
	v60 =	vperm.xlane v5, v11  }
0x3c3: {  	[tilespmem:s7+$0xC0] =	vst v0;
	v62 =	vmul.f32 v6, v25  }
0x3c4: {  	v7 =	vperm.xlane v4, v10;
	v10 =	vld [tilespmem:$0x1FAC0];
	[tilespmem:s7+$0xD0] =	vst v3;
	v5 =	vadd.f32 v5, v60  }
0x3c5: {  	[tilespmem:s7+$0xE0] =	vst v1;
	v15 =	vsub.f32 v54, v62  }
0x3c6: {  	v24 =	vld [tilespmem:$0x1FAB0];
	v61 =	vperm.xlane v5, v12  }
0x3c7: {  	[tilespmem:s7+$0xFFFFFF00] =	vst v15  }
0x3c8: {  	v2 =	vadd.f32 v5, v61;
	v5 =	vld [tilespmem:$0x1FB30]  }
0x3c9: {  	v63 =	vadd.f32 v4, v7;
	v4 =	vmul.f32 v6, v10  }
0x3ca: {  	v18 =	vmul.f32 v6, v38  }
0x3cb: {  	v14 =	vmul.f32 v6, v32;
	v4 =	vsub.f32 v24, v4  }
0x3cc: {  	v9 =	vmul.f32 v6, v42;
	v31 =	vsub.f32 v31, v18  }
0x3cd: {  	v29 =	vmul.f32 v6, v45;
	[tilespmem:s7+$0xFFFFFF10] =	vst v4;
	v3 =	vsub.f32 v5, v14  }
0x3ce: {  	v32 =	vmul.f32 v6, v56;
	v38 =	vsub.f32 v34, v9;
	[tilespmem:s7+$0xFFFFFF30] =	vst v31  }
0x3cf: {  	v1 =	vsub.f32 v39, v29;
	[tilespmem:s7+$0xFFFFFF20] =	vst v3  }
0x3d0: {  	v44 =	vsub.f32 v44, v32;
	v42 =	vld [tilespmem:$0x1FAE0];
	[tilespmem:s7+$0xFFFFFF40] =	vst v38  }
0x3d1: {  	v45 =	vld [tilespmem:$0x1FB00];
	[tilespmem:s7+$0xFFFFFF50] =	vst v1  }
0x3d2: {  	v25 =	vperm.xlane v2, v13;
	v50 =	vld [tilespmem:$0x1FB50];
	[tilespmem:s7+$0xFFFFFF60] =	vst v44  }
0x3d3: {  	v3 =	vld [tilespmem:$0x1FAD0]  }
0x3d4: {  	v6 =	vmul.f32 v6, v58;
	v2 =	vadd.f32 v2, v25;
	_ =	sdelay $0x1  }
0x3d5: {  	v48 =	vsub.f32 v48, v6;
	v7 =	vmul.f32 v2, v42;
	_ =	sdelay $0x1  }
0x3d6: {  	[tilespmem:s7+$0xFFFFFF70] =	vst v48;
	v3 =	vsub.f32 v3, v7  }
0x3d7: {  	v1 =	vld [tilespmem:$0x1FAF0]  }
0x3d8: {  	[tilespmem:s7+$0xFFFFFF80] =	vst v3  }
0x3d9: {  	v16 =	vperm.xlane v63, v11;
	v3 =	vld [tilespmem:$0x1FB40]  }
0x3da: {  	v5 =	vmul.f32 v2, v45  }
0x3db: {  	v0 =	vadd.f32 v63, v16;
	v51 =	vmul.f32 v2, v30  }
0x3dc: {  	v4 =	vmul.f32 v2, v50;
	v1 =	vsub.f32 v1, v5  }
0x3dd: {  	v39 =	vperm.xlane v0, v12;
	v53 =	vmul.f32 v2, v36;
	v55 =	vsub.f32 v26, v51  }
0x3de: {  	v54 =	vmul.f32 v2, v43;
	[tilespmem:s7+$0xFFFFFF90] =	vst v1;
	v3 =	vsub.f32 v3, v4  }
0x3df: {  	v0 =	vadd.f32 v0, v39;
	v56 =	vmul.f32 v2, v47;
	v58 =	vsub.f32 v28, v53;
	[tilespmem:s7+$0xFFFFFFB0] =	vst v55  }
0x3e0: {  	v59 =	vsub.f32 v27, v54;
	[tilespmem:s7+$0xFFFFFFA0] =	vst v3  }
0x3e1: {  	v52 =	vperm.xlane v0, v13;
	v2 =	vmul.f32 v2, v57;
	v5 =	vsub.f32 v33, v56;
	v60 =	vld [tilespmem:$0x1FB10];
	[tilespmem:s7+$0xFFFFFFC0] =	vst v58  }
0x3e2: {  	v3 =	vld [tilespmem:$0x1FB20];
	[tilespmem:s7+$0xFFFFFFD0] =	vst v59  }
0x3e3: {  	v0 =	vadd.f32 v0, v52;
	v2 =	vsub.f32 v40, v2;
	v1 =	vld [tilespmem:$0x1FB60];
	[tilespmem:s7+$0xFFFFFFE0] =	vst v5  }
0x3e4: {  	v5 =	vld [tilespmem:$0x1FB70]  }
0x3e5: {  	v61 =	vmul.f32 v0, v35;
	[tilespmem:s7+$0xFFFFFFF0] =	vst v2  }
0x3e6: {  	v2 =	vld [tilespmem:$0x1FB80];
	v4 =	vmul.f32 v0, v60  }
0x3e7: {  	v63 =	vsub.f32 v17, v61;
	v3 =	vmul.f32 v0, v3  }
0x3e8: {  	v1 =	vmul.f32 v0, v1;
	v4 =	vsub.f32 v20, v4  }
0x3e9: {  	[tilespmem:s7+$0x50] =	vst v63;
	v5 =	vmul.f32 v0, v5;
	v3 =	vsub.f32 v49, v3  }
0x3ea: {  	v62 =	vmul.f32 v0, v41;
	v1 =	vsub.f32 v23, v1;
	[tilespmem:s7+$0x0] =	vst v4  }
0x3eb: {  	v2 =	vmul.f32 v0, v2;
	v5 =	vsub.f32 v19, v5;
	[tilespmem:s7+$0x10] =	vst v3  }
0x3ec: {  	v0 =	vmul.f32 v0, v46;
	v3 =	vsub.f32 v21, v62;
	[tilespmem:s7+$0x20] =	vst v1  }
0x3ed: {  	v2 =	vsub.f32 v22, v2;
	[tilespmem:s7+$0x30] =	vst v5  }
0x3ee: {  	v0 =	vsub.f32 v37, v0;
	[tilespmem:s7+$0x60] =	vst v3  }
0x3ef: {  	[tilespmem:s7+$0x40] =	vst v2  }
0x3f0: {  	[tilespmem:s7+$0x70] =	vst v0  }
0x3f1: {  	[hbm4b:s17+s3] =	stream.linear.scatter [tilespmem:s21], [sflag:$0x7], $0x4000, $0x38;
	[tilespmem:$0x18200] =	vst v63  }
0x3f2: {  	_ =	swait.ge [sflag:s4], $0x4000  }
0x3f3: {  	[sflag:s4] =	ssyncset.done $0x0  }
0x3f4: {  	[sflag:s4] =	ssyncadd.s32 $0xFFFFC000  }
0x3f5: {  	_ =	swait.ge [sflag:s23], $0x4000  }
0x3f6: {  	[sflag:s23] =	ssyncset.done $0x0  }
0x3f7: {  	[sflag:s23] =	ssyncadd.s32 $0xFFFFC000  }
0x3f8: {  	_ =	swait.ge [sflag:s5], $0x4000  }
0x3f9: {  	[sflag:s5] =	ssyncset.done $0x0  }
0x3fa: {  	[sflag:s5] =	ssyncadd.s32 $0xFFFFC000  }
0x3fb: {  	_ =	swait.ge [sflag:s25], $0x4000  }
0x3fc: {  	[sflag:s25] =	ssyncset.done $0x0  }
0x3fd: {  	s6 =	sadd.s32 $0x1, s6;
	[sflag:s25] =	ssyncadd.s32 $0xFFFFC000  }
0x3fe: {  	p0 =	sne.s32 s6, s18;
	_ =	swait.ge [sflag:s30], $0x4000  }
.Ltmp4:
0x3ff: {  	[sflag:s30] =	ssyncset.done $0x0;
	(pc) =	sbr.rel @p0 .LBB2_1-.Ltmp4, $4  }
0x400: {  	[sflag:s30] =	ssyncadd.s32 $0xFFFFC000  }
0x401: {  	_ =	swait.ge [sflag:s31], $0x4000  }
0x402: {  	[sflag:s31] =	ssyncset.done $0x0  }
0x403: {  	[sflag:s31] =	ssyncadd.s32 $0xFFFFC000  }
0x404: {  	_ =	sfence.sel $0x180000  }
0x405: {  	[bflag:$0x0] =	sbarrier.arrive $0xFFFF  }
0x406: {  	_ =	strace $0x90000047  }
0x407: {  	s0 =	stileid.u32;
	[bflag:$0x2] =	sbarrier.arrive $0xFFFF  }
0x408: {  	p0 =	sne.s32 s0, $0x0;
	s0 =	rddreg [dreg:$0x5]  }
0x409: {  	s0 =	sadd.s32 @!p0 $0x100000, s0  }
0x40a: {  	[sflag:s0] =	ssyncadd.tile.s32 @!p0 $0x1;
	_ =	shalt  }
.Lfunc_end2:
_tile_overlayer_lowered:
.L_overlay_start_2:
0x40b: {  	(tag) =	ssettag $0x2  }
0x40c: {  	s0 =	rddreg [dreg:$0x0];
	s2 =	stileid.u32  }
0x40d: {  	s1 =	rddreg [dreg:$0x1];
	p0 =	sne.s32 s2, $0x0  }
0x40e: {  	s3 =	rddreg [dreg:$0x2];
	[bflag:$0x3] =	sbarrier.arrive $0xFFFF;
	s2 =	simm.s32 @!p0 $0x1C0D  }
0x40f: {  	[timem:s3], [sflag:s2] =	dma.local @!p0 [hbm:s0], s1  }
0x410: {  	s0 =	simm.s32 @!p0 $0xD  }
0x411: {  	_ =	swait.ge @!p0 [sflag:s0], s1  }
0x412: {  	s1 =	ssub.s32 @!p0 $0x0, s1;
	[sflag:s0] =	ssyncset.done @!p0 $0x0  }
0x413: {  	[sflag:s0] =	ssyncadd.s32 @!p0 s1  }
0x414: {  	[bflag:$0x3] =	sbarrier.arrive $0xFFFF  }
0x415: {  	_ =	shalt  }

</sc_bundles>
